<compile_context>
chip_gen: v7x
topology: tpu7x:2x2x1
jax: 0.10.2.dev20260603
libtpu: 0.0.44.dev20260713+nightly
codegen_flags: <defaults>
</compile_context>

<pallas_src>
import functools

import jax
import jax.numpy as jnp
from jax import lax
from jax.experimental import pallas as pl
from jax.experimental.pallas import tpu as pltpu
from jax.experimental.pallas import tpu_sc as plsc

NC = 2
NS = 16
NW = NC * NS
L = 16
CHUNK = 256
GB = 128
NB = CHUNK // GB


@functools.lru_cache(maxsize=None)
def _build(T, B, V, D):
    assert D == 64 and B % NW == 0 and T % CHUNK == 0 and CHUNK % GB == 0
    bags_w = B // NW
    nk = D // L

    mesh = plsc.VectorSubcoreMesh(core_axis_name="c", subcore_axis_name="s")

    def sread(ref, i):
        return ref[pl.ds(i, L)][0]

    @functools.partial(
        pl.kernel,
        mesh=mesh,
        out_type=jax.ShapeDtypeStruct((B * D,), jnp.float32),
        scratch_types=[
            pltpu.VMEM((bags_w + 24,), jnp.int32),
            pltpu.VMEM((8, GB), jnp.int32),
            pltpu.VMEM((8, GB), jnp.int32),
            pltpu.VMEM((CHUNK, 2 * D), jnp.float32),
            pltpu.VMEM((CHUNK, 2 * D), jnp.float32),
            pltpu.VMEM((bags_w * D,), jnp.float32),
            pltpu.SemaphoreType.DMA,
            pltpu.SemaphoreType.DMA,
            pltpu.SemaphoreType.DMA,
            pltpu.SemaphoreType.DMA,
        ],
    )
    def emb(idx_hbm, offs_hbm, table_hbm, out_hbm,
            offs_v, idx_a, idx_b, rows_a, rows_b, out_v,
            sem_a, sem_b, isem_a, isem_b):
        wid = lax.axis_index("s") * NC + lax.axis_index("c")
        bag0 = wid * bags_w
        pltpu.sync_copy(offs_hbm.at[pl.ds(bag0, bags_w)], offs_v.at[pl.ds(0, bags_w)])
        @pl.when(wid < NW - 1)
        def _():
            pltpu.sync_copy(offs_hbm.at[pl.ds(bag0 + bags_w, 8)],
                            offs_v.at[pl.ds(bags_w, 8)])

        @pl.when(wid == NW - 1)
        def _():
            offs_v[pl.ds(bags_w, L)] = jnp.full((L,), T, jnp.int32)

        p0 = sread(offs_v, 0)
        p1 = sread(offs_v, bags_w)
        a0 = (p0 // 8) * 8
        nchunks = jnp.maximum((p1 - a0 + CHUNK - 1) // CHUNK, 1)
        trips = (nchunks + 1) // 2

        zero = jnp.zeros((L,), jnp.float32)

        def cbase(cc):
            return jnp.minimum(a0 + cc * CHUNK, T - CHUNK)

        def start_idx(cc, idx_v, isem):
            base = cbase(cc)
            for j in range(NB):
                pltpu.async_copy(idx_hbm.at[pl.ds(base + j * GB, GB)],
                                 idx_v.at[j], isem)

        def wait_idx(cc, idx_v, isem):
            base = cbase(cc)
            for j in range(NB):
                pltpu.make_async_copy(idx_hbm.at[pl.ds(base + j * GB, GB)],
                                      idx_v.at[j], isem).wait()

        def fire_gather(idx_v, rows_v, sem):
            for j in range(NB):
                pltpu.async_copy(table_hbm.at[idx_v.at[j]],
                                 rows_v.at[pl.ds(j * GB, GB)], sem)

        def waitg(idx_v, rows_v, sem):
            for j in range(NB):
                pltpu.make_async_copy(table_hbm.at[idx_v.at[j]],
                                      rows_v.at[pl.ds(j * GB, GB)], sem).wait()

        def consume(cc, rows_v, state):
            b = state[0]
            g0 = a0 + cc * CHUNK
            gend = jnp.minimum(g0 + CHUNK, p1)
            base = cbase(cc)

            def sum_rows(lo, hi, accs):
                def row_body(r, accs):
                    lr = r - base
                    return tuple(
                        accs[k] + rows_v[lr, k * L:(k + 1) * L] for k in range(nk)
                    )
                return plsc.parallel_loop(lo, hi, carry=accs, unroll=8)(row_body)

            def bs_body(_, lohi):
                lo, hi = lohi
                mid = (lo + hi + 1) // 2
                take = sread(offs_v, mid) <= gend
                return (jnp.where(take, mid, lo), jnp.where(take, hi, mid - 1))

            b_end, _ = lax.fori_loop(0, 10, bs_body, (b, jnp.int32(bags_w)))

            def bag_body(b, carry):
                s = carry[0]
                accs = carry[1:]
                e = sread(offs_v, b + 1)
                accs = sum_rows(jnp.maximum(s, g0), e, accs)
                cntv = jnp.full((L,), jnp.maximum(e - s, 1))
                sc = 1.0 / cntv.astype(jnp.float32)
                for k in range(nk):
                    out_v[pl.ds(b * D + k * L, L)] = accs[k] * sc
                return (e,) + (zero,) * nk

            s0 = sread(offs_v, b)
            st = lax.fori_loop(b, b_end, bag_body, (s0,) + state[1:])
            lo = jnp.minimum(jnp.maximum(st[0], g0), gend)
            accs = sum_rows(lo, gend, st[1:])
            return (b_end,) + accs

        start_idx(0, idx_a, isem_a)
        wait_idx(0, idx_a, isem_a)
        fire_gather(idx_a, rows_a, sem_a)
        start_idx(1, idx_b, isem_b)

        def pipe_body(i, state):
            cc = 2 * i
            waitg(idx_a, rows_a, sem_a)
            wait_idx(cc + 1, idx_b, isem_b)
            fire_gather(idx_b, rows_b, sem_b)
            start_idx(cc + 2, idx_a, isem_a)
            state = consume(cc, rows_a, state)
            waitg(idx_b, rows_b, sem_b)
            wait_idx(cc + 2, idx_a, isem_a)
            fire_gather(idx_a, rows_a, sem_a)
            start_idx(cc + 3, idx_b, isem_b)
            state = consume(cc + 1, rows_b, state)
            return state

        lax.fori_loop(0, trips, pipe_body, (jnp.int32(0),) + (zero,) * nk)
        waitg(idx_a, rows_a, sem_a)
        wait_idx(2 * trips + 1, idx_b, isem_b)
        pltpu.sync_copy(out_v, out_hbm.at[pl.ds(bag0 * D, bags_w * D)])

    return emb


def kernel(subword_idx, offsets, table):
    T = subword_idx.shape[0]
    B = offsets.shape[0]
    V, D = table.shape
    emb = _build(T, B, V, D)
    table128 = jnp.pad(table, ((0, 0), (0, 2 * D - D)))
    out = emb(subword_idx, offsets, table128)
    return out.reshape(B, D)

# --- scband reference (transcript-rebuilt; emitter-appended) ---
"""Pipeline reference for scband-subword-embedding-3470333575493 (READ-ONLY COPY).

The authoritative reference and input builder live on the scoring server;
editing this copy changes nothing except your own understanding.
"""

import jax, jax.numpy as jnp
import numpy as np

B = 16384
T = 163840
V = 1000000
D = 64


def setup_inputs(seed: int = 0) -> dict:
    key = jax.random.key(seed)
    k1, k2, k3 = jax.random.split(key, 3)
    subword_idx = jax.random.randint(k1, (T,), 0, V, dtype=jnp.int32)
    offsets = jnp.sort(jax.random.randint(k2, (B,), 0, T, dtype=jnp.int32))
    offsets = offsets.at[0].set(0)  # EmbeddingBag requires offsets[0] == 0
    table = jax.random.normal(k3, (V, D), dtype=jnp.float32)
    return {"subword_idx": subword_idx, "offsets": offsets, "table": table}


def reference(subword_idx, offsets, table):
    # Faithful port of nn.EmbeddingBag(mode='mean') with offsets, as used in
    # SubwordEmbedding.forward: gather subword vectors, then mean per word-bag.
    total = subword_idx.shape[0]
    num_bags = offsets.shape[0]
    # segment id of each subword position: which bag it belongs to
    seg_ids = jnp.searchsorted(offsets, jnp.arange(total, dtype=offsets.dtype), side="right") - 1
    gathered = jnp.take(table, subword_idx, axis=0)  # [T, D] gather (SparseCore)
    sums = jax.ops.segment_sum(gathered, seg_ids, num_segments=num_bags)  # [B, D]
    counts = jax.ops.segment_sum(jnp.ones((total,), dtype=table.dtype), seg_ids, num_segments=num_bags)
    counts = jnp.clip(counts, 1.0)  # avoid div-by-zero for empty bags
    return sums / counts[:, None]

if __name__ == "__main__":
    import jax
    _d = setup_inputs()
    print(jax.jit(kernel)(*tuple(_d.values())))

</pallas_src>

<mosaic_0001>
#map = affine_map<(d0, d1) -> (0)>
#map1 = affine_map<(d0, d1) -> (0, 0)>
module attributes {stable_mosaic.version = 14 : i64} {
  func.func @emb(%arg0: i32, %arg1: i32, %arg2: memref<163840xi32, #tpu.memory_space<hbm>>, %arg3: memref<16384xi32, #tpu.memory_space<hbm>>, %arg4: memref<1000000x128xf32, #tpu.memory_space<hbm>>, %arg5: memref<1048576xf32, #tpu.memory_space<hbm>>, %arg6: memref<536xi32, #tpu.memory_space<vmem>>, %arg7: memref<8x128xi32, #tpu.memory_space<vmem>>, %arg8: memref<8x128xi32, #tpu.memory_space<vmem>>, %arg9: memref<256x128xf32, #tpu.memory_space<vmem>>, %arg10: memref<256x128xf32, #tpu.memory_space<vmem>>, %arg11: memref<32768xf32, #tpu.memory_space<vmem>>, %arg12: memref<!tpu.dma_semaphore, #tpu.memory_space<semaphore_mem>>, %arg13: memref<!tpu.dma_semaphore, #tpu.memory_space<semaphore_mem>>, %arg14: memref<!tpu.dma_semaphore, #tpu.memory_space<semaphore_mem>>, %arg15: memref<!tpu.dma_semaphore, #tpu.memory_space<semaphore_mem>>) attributes {dimension_semantics = [#tpu.dimension_semantics<core_parallel>, #tpu.dimension_semantics<subcore_parallel>], iteration_bounds = array<i64: 2, 16>, scalar_prefetch = 0 : i64, scratch_operands = 10 : i64, tpu.core_type = #tpu.core_type<sc_vector_subcore>, window_params = [{transform_indices = #map}, {transform_indices = #map}, {transform_indices = #map1}, {transform_indices = #map}]} {
    %mul3A = arith.constant 2 : i32
    %mul3A_0 = arith.muli %arg1, %mul3A : i32
    %add3A = arith.addi %mul3A_0, %arg0 : i32
    %mul3A_1 = arith.constant 512 : i32
    %mul3A_2 = arith.muli %add3A, %mul3A_1 : i32
    "tpu.region"() ({
      %run_scoped3A = tpu.sem_alloc : memref<!tpu.dma_semaphore, #tpu.memory_space<semaphore_mem>>
      %dma_start3A_250 = arith.constant 0 : i32
      %dma_start3A_251 = tpu.memref_slice %arg6[%dma_start3A_250] : memref<536xi32, #tpu.memory_space<vmem>> -> memref<512xi32, #tpu.memory_space<vmem>>
      %dma_start3A_252 = tpu.memref_slice %arg3[%mul3A_2] : memref<16384xi32, #tpu.memory_space<hbm>> -> memref<512xi32, #tpu.memory_space<hbm>>
      %dma_start3A_253 = arith.constant 0 : i32
      %dma_start3A_254 = tpu.memref_slice %arg6[%dma_start3A_253] : memref<536xi32, #tpu.memory_space<vmem>> -> memref<512xi32, #tpu.memory_space<vmem>>
      %dma_start3A_255 = tpu.memref_slice %arg3[%mul3A_2] : memref<16384xi32, #tpu.memory_space<hbm>> -> memref<512xi32, #tpu.memory_space<hbm>>
      tpu.enqueue_dma source(%dma_start3A_255 : memref<512xi32, #tpu.memory_space<hbm>>) target(%dma_start3A_254 : memref<512xi32, #tpu.memory_space<vmem>>) target_semaphore(%run_scoped3A : memref<!tpu.dma_semaphore, #tpu.memory_space<semaphore_mem>>)
      %dma_wait3A_256 = arith.constant 0 : i32
      %dma_wait3A_257 = tpu.memref_slice %arg6[%dma_wait3A_256] : memref<536xi32, #tpu.memory_space<vmem>> -> memref<512xi32, #tpu.memory_space<vmem>>
      %dma_wait3A_258 = tpu.memref_slice %arg3[%mul3A_2] : memref<16384xi32, #tpu.memory_space<hbm>> -> memref<512xi32, #tpu.memory_space<hbm>>
      %dma_wait3A_259 = arith.constant 0 : i32
      %dma_wait3A_260 = tpu.memref_slice %arg6[%dma_wait3A_259] : memref<536xi32, #tpu.memory_space<vmem>> -> memref<512xi32, #tpu.memory_space<vmem>>
      %dma_wait3A_261 = tpu.memref_slice %arg3[%mul3A_2] : memref<16384xi32, #tpu.memory_space<hbm>> -> memref<512xi32, #tpu.memory_space<hbm>>
      tpu.wait_dma2 semaphore(%run_scoped3A : memref<!tpu.dma_semaphore, #tpu.memory_space<semaphore_mem>>) src(%dma_wait3A_261 : memref<512xi32, #tpu.memory_space<hbm>>) dst(%dma_wait3A_260 : memref<512xi32, #tpu.memory_space<vmem>>)
      tpu.yield
    }) : () -> ()
    %lt3A = arith.constant 31 : i32
    %lt3A_3 = arith.cmpi slt, %add3A, %lt3A : i32
    %convert_element_type3A = arith.extui %lt3A_3 : i1 to i32
    %cond3A = arith.constant 0 : i32
    %cond3A_4 = arith.cmpi ne, %convert_element_type3A, %cond3A : i32
    scf.if %cond3A_4 {
      %add3A_250 = arith.constant 512 : i32
      %add3A_251 = arith.addi %mul3A_2, %add3A_250 : i32
      "tpu.region"() ({
        %run_scoped3A = tpu.sem_alloc : memref<!tpu.dma_semaphore, #tpu.memory_space<semaphore_mem>>
        %dma_start3A_252 = arith.constant 512 : i32
        %dma_start3A_253 = tpu.memref_slice %arg6[%dma_start3A_252] : memref<536xi32, #tpu.memory_space<vmem>> -> memref<8xi32, #tpu.memory_space<vmem>>
        %dma_start3A_254 = tpu.memref_slice %arg3[%add3A_251] : memref<16384xi32, #tpu.memory_space<hbm>> -> memref<8xi32, #tpu.memory_space<hbm>>
        %dma_start3A_255 = arith.constant 512 : i32
        %dma_start3A_256 = tpu.memref_slice %arg6[%dma_start3A_255] : memref<536xi32, #tpu.memory_space<vmem>> -> memref<8xi32, #tpu.memory_space<vmem>>
        %dma_start3A_257 = tpu.memref_slice %arg3[%add3A_251] : memref<16384xi32, #tpu.memory_space<hbm>> -> memref<8xi32, #tpu.memory_space<hbm>>
        tpu.enqueue_dma source(%dma_start3A_257 : memref<8xi32, #tpu.memory_space<hbm>>) target(%dma_start3A_256 : memref<8xi32, #tpu.memory_space<vmem>>) target_semaphore(%run_scoped3A : memref<!tpu.dma_semaphore, #tpu.memory_space<semaphore_mem>>)
        %dma_wait3A_258 = arith.constant 512 : i32
        %dma_wait3A_259 = tpu.memref_slice %arg6[%dma_wait3A_258] : memref<536xi32, #tpu.memory_space<vmem>> -> memref<8xi32, #tpu.memory_space<vmem>>
        %dma_wait3A_260 = tpu.memref_slice %arg3[%add3A_251] : memref<16384xi32, #tpu.memory_space<hbm>> -> memref<8xi32, #tpu.memory_space<hbm>>
        %dma_wait3A_261 = arith.constant 512 : i32
        %dma_wait3A_262 = tpu.memref_slice %arg6[%dma_wait3A_261] : memref<536xi32, #tpu.memory_space<vmem>> -> memref<8xi32, #tpu.memory_space<vmem>>
        %dma_wait3A_263 = tpu.memref_slice %arg3[%add3A_251] : memref<16384xi32, #tpu.memory_space<hbm>> -> memref<8xi32, #tpu.memory_space<hbm>>
        tpu.wait_dma2 semaphore(%run_scoped3A : memref<!tpu.dma_semaphore, #tpu.memory_space<semaphore_mem>>) src(%dma_wait3A_263 : memref<8xi32, #tpu.memory_space<hbm>>) dst(%dma_wait3A_262 : memref<8xi32, #tpu.memory_space<vmem>>)
        tpu.yield
      }) : () -> ()
    } else {
    }
    %eq3A = arith.constant 31 : i32
    %eq3A_5 = arith.cmpi eq, %add3A, %eq3A : i32
    %convert_element_type3A_6 = arith.extui %eq3A_5 : i1 to i32
    %cond3A_7 = arith.constant 0 : i32
    %cond3A_8 = arith.cmpi ne, %convert_element_type3A_6, %cond3A_7 : i32
    scf.if %cond3A_8 {
      %broadcast_in_dim3A_250 = arith.constant 163840 : i32
      %broadcast_in_dim3A_251 = vector.broadcast %broadcast_in_dim3A_250 : i32 to vector<16xi32>
      %swap3A = arith.constant 512 : index
      %swap3A_252 = tpu.vector_load %arg6[%swap3A] {strides = array<i32>} : memref<536xi32, #tpu.memory_space<vmem>>, vector<16xi32>,
      %swap3A_253 = vector.shape_cast %swap3A_252 : vector<16xi32> to vector<16xi32>
      %swap3A_254 = vector.shape_cast %broadcast_in_dim3A_251 : vector<16xi32> to vector<16xi32>
      tpu.vector_store %arg6[%swap3A], %swap3A_254 {strides = array<i32>} : memref<536xi32, #tpu.memory_space<vmem>>, vector<16xi32>,
    } else {
    }
    %get3A = arith.constant 0 : index
    %get3A_9 = tpu.vector_load %arg6[%get3A] {strides = array<i32>} : memref<536xi32, #tpu.memory_space<vmem>>, vector<16xi32>,
    %get3A_10 = vector.shape_cast %get3A_9 : vector<16xi32> to vector<16xi32>
    %slice3A = vector.extract_strided_slice %get3A_10 {offsets = [0], sizes = [1], strides = [1]} : vector<16xi32> to vector<1xi32>
    %squeeze3A = vector.extract %slice3A[0] : i32 from vector<1xi32>
    %get3A_11 = arith.constant 512 : index
    %get3A_12 = tpu.vector_load %arg6[%get3A_11] {strides = array<i32>} : memref<536xi32, #tpu.memory_space<vmem>>, vector<16xi32>,
    %get3A_13 = vector.shape_cast %get3A_12 : vector<16xi32> to vector<16xi32>
    %slice3A_14 = vector.extract_strided_slice %get3A_13 {offsets = [0], sizes = [1], strides = [1]} : vector<16xi32> to vector<1xi32>
    %squeeze3A_15 = vector.extract %slice3A_14[0] : i32 from vector<1xi32>
    %jit3A = arith.constant 8 : i32
    %div3A = arith.divsi %squeeze3A, %jit3A : i32
    %sign3A = arith.constant 0 : i32
    %sign3A_16 = arith.cmpi sgt, %squeeze3A, %sign3A : i32
    %sign3A_17 = arith.extui %sign3A_16 : i1 to i32
    %sign3A_18 = arith.constant 0 : i32
    %sign3A_19 = arith.cmpi slt, %squeeze3A, %sign3A_18 : i32
    %sign3A_20 = arith.extui %sign3A_19 : i1 to i32
    %sign3A_21 = arith.subi %sign3A_17, %sign3A_20 : i32
    %sign3A_22 = arith.constant 0 : i32
    %sign3A_23 = arith.cmpi sgt, %jit3A, %sign3A_22 : i32
    %sign3A_24 = arith.extui %sign3A_23 : i1 to i32
    %sign3A_25 = arith.constant 0 : i32
    %sign3A_26 = arith.cmpi slt, %jit3A, %sign3A_25 : i32
    %sign3A_27 = arith.extui %sign3A_26 : i1 to i32
    %sign3A_28 = arith.subi %sign3A_24, %sign3A_27 : i32
    %ne3A = arith.cmpi ne, %sign3A_21, %sign3A_28 : i32
    %rem3A = arith.remsi %squeeze3A, %jit3A : i32
    %ne3A_29 = arith.constant 0 : i32
    %ne3A_30 = arith.cmpi ne, %rem3A, %ne3A_29 : i32
    %and3A = arith.andi %ne3A, %ne3A_30 : i1
    %sub3A = arith.constant 1 : i32
    %sub3A_31 = arith.subi %div3A, %sub3A : i32
    %select_n3A = arith.select %and3A, %sub3A_31, %div3A : i32
    %mul3A_32 = arith.constant 8 : i32
    %mul3A_33 = arith.muli %select_n3A, %mul3A_32 : i32
    %sub3A_34 = arith.subi %squeeze3A_15, %mul3A_33 : i32
    %add3A_35 = arith.constant 256 : i32
    %add3A_36 = arith.addi %sub3A_34, %add3A_35 : i32
    %sub3A_37 = arith.constant 1 : i32
    %sub3A_38 = arith.subi %add3A_36, %sub3A_37 : i32
    %jit3A_39 = arith.constant 256 : i32
    %div3A_40 = arith.divsi %sub3A_38, %jit3A_39 : i32
    %sign3A_41 = arith.constant 0 : i32
    %sign3A_42 = arith.cmpi sgt, %sub3A_38, %sign3A_41 : i32
    %sign3A_43 = arith.extui %sign3A_42 : i1 to i32
    %sign3A_44 = arith.constant 0 : i32
    %sign3A_45 = arith.cmpi slt, %sub3A_38, %sign3A_44 : i32
    %sign3A_46 = arith.extui %sign3A_45 : i1 to i32
    %sign3A_47 = arith.subi %sign3A_43, %sign3A_46 : i32
    %sign3A_48 = arith.constant 0 : i32
    %sign3A_49 = arith.cmpi sgt, %jit3A_39, %sign3A_48 : i32
    %sign3A_50 = arith.extui %sign3A_49 : i1 to i32
    %sign3A_51 = arith.constant 0 : i32
    %sign3A_52 = arith.cmpi slt, %jit3A_39, %sign3A_51 : i32
    %sign3A_53 = arith.extui %sign3A_52 : i1 to i32
    %sign3A_54 = arith.subi %sign3A_50, %sign3A_53 : i32
    %ne3A_55 = arith.cmpi ne, %sign3A_47, %sign3A_54 : i32
    %rem3A_56 = arith.remsi %sub3A_38, %jit3A_39 : i32
    %ne3A_57 = arith.constant 0 : i32
    %ne3A_58 = arith.cmpi ne, %rem3A_56, %ne3A_57 : i32
    %and3A_59 = arith.andi %ne3A_55, %ne3A_58 : i1
    %sub3A_60 = arith.constant 1 : i32
    %sub3A_61 = arith.subi %div3A_40, %sub3A_60 : i32
    %select_n3A_62 = arith.select %and3A_59, %sub3A_61, %div3A_40 : i32
    %max3A = arith.constant 1 : i32
    %max3A_63 = arith.maxsi %select_n3A_62, %max3A : i32
    %add3A_64 = arith.constant 1 : i32
    %add3A_65 = arith.addi %max3A_63, %add3A_64 : i32
    %jit3A_66 = arith.constant 2 : i32
    %div3A_67 = arith.divsi %add3A_65, %jit3A_66 : i32
    %sign3A_68 = arith.constant 0 : i32
    %sign3A_69 = arith.cmpi sgt, %add3A_65, %sign3A_68 : i32
    %sign3A_70 = arith.extui %sign3A_69 : i1 to i32
    %sign3A_71 = arith.constant 0 : i32
    %sign3A_72 = arith.cmpi slt, %add3A_65, %sign3A_71 : i32
    %sign3A_73 = arith.extui %sign3A_72 : i1 to i32
    %sign3A_74 = arith.subi %sign3A_70, %sign3A_73 : i32
    %sign3A_75 = arith.constant 0 : i32
    %sign3A_76 = arith.cmpi sgt, %jit3A_66, %sign3A_75 : i32
    %sign3A_77 = arith.extui %sign3A_76 : i1 to i32
    %sign3A_78 = arith.constant 0 : i32
    %sign3A_79 = arith.cmpi slt, %jit3A_66, %sign3A_78 : i32
    %sign3A_80 = arith.extui %sign3A_79 : i1 to i32
    %sign3A_81 = arith.subi %sign3A_77, %sign3A_80 : i32
    %ne3A_82 = arith.cmpi ne, %sign3A_74, %sign3A_81 : i32
    %rem3A_83 = arith.remsi %add3A_65, %jit3A_66 : i32
    %ne3A_84 = arith.constant 0 : i32
    %ne3A_85 = arith.cmpi ne, %rem3A_83, %ne3A_84 : i32
    %and3A_86 = arith.andi %ne3A_82, %ne3A_85 : i1
    %sub3A_87 = arith.constant 1 : i32
    %sub3A_88 = arith.subi %div3A_67, %sub3A_87 : i32
    %select_n3A_89 = arith.select %and3A_86, %sub3A_88, %div3A_67 : i32
    %broadcast_in_dim3A = arith.constant 0.000000e+00 : f32
    %broadcast_in_dim3A_90 = vector.broadcast %broadcast_in_dim3A : f32 to vector<16xf32>
    %add3A_91 = arith.constant 0 : i32
    %add3A_92 = arith.addi %mul3A_33, %add3A_91 : i32
    %min3A = arith.constant 163584 : i32
    %min3A_93 = arith.minsi %add3A_92, %min3A : i32
    %add3A_94 = arith.constant 0 : i32
    %add3A_95 = arith.addi %min3A_93, %add3A_94 : i32
    %dma_start3A = arith.constant 0 : i32
    %dma_start3A_96 = arith.constant 0 : i32
    %dma_start3A_97 = tpu.memref_slice %arg7[%dma_start3A, %dma_start3A_96] : memref<8x128xi32, #tpu.memory_space<vmem>> -> memref<1x128xi32, #tpu.memory_space<vmem>>
    %dma_start3A_98 = tpu.memref_squeeze %dma_start3A_97 : memref<1x128xi32, #tpu.memory_space<vmem>> -> memref<128xi32, #tpu.memory_space<vmem>>
    %dma_start3A_99 = tpu.memref_slice %arg2[%add3A_95] : memref<163840xi32, #tpu.memory_space<hbm>> -> memref<128xi32, #tpu.memory_space<hbm>>
    %dma_start3A_100 = arith.constant 0 : i32
    %dma_start3A_101 = tpu.memref_slice %arg7[%dma_start3A, %dma_start3A_100] : memref<8x128xi32, #tpu.memory_space<vmem>> -> memref<1x128xi32, #tpu.memory_space<vmem>>
    %dma_start3A_102 = tpu.memref_squeeze %dma_start3A_101 : memref<1x128xi32, #tpu.memory_space<vmem>> -> memref<128xi32, #tpu.memory_space<vmem>>
    %dma_start3A_103 = tpu.memref_slice %arg2[%add3A_95] : memref<163840xi32, #tpu.memory_space<hbm>> -> memref<128xi32, #tpu.memory_space<hbm>>
    tpu.enqueue_dma source(%dma_start3A_103 : memref<128xi32, #tpu.memory_space<hbm>>) target(%dma_start3A_102 : memref<128xi32, #tpu.memory_space<vmem>>) target_semaphore(%arg14 : memref<!tpu.dma_semaphore, #tpu.memory_space<semaphore_mem>>)
    %add3A_104 = arith.constant 128 : i32
    %add3A_105 = arith.addi %min3A_93, %add3A_104 : i32
    %dma_start3A_106 = arith.constant 1 : i32
    %dma_start3A_107 = arith.constant 0 : i32
    %dma_start3A_108 = tpu.memref_slice %arg7[%dma_start3A_106, %dma_start3A_107] : memref<8x128xi32, #tpu.memory_space<vmem>> -> memref<1x128xi32, #tpu.memory_space<vmem>>
    %dma_start3A_109 = tpu.memref_squeeze %dma_start3A_108 : memref<1x128xi32, #tpu.memory_space<vmem>> -> memref<128xi32, #tpu.memory_space<vmem>>
    %dma_start3A_110 = tpu.memref_slice %arg2[%add3A_105] : memref<163840xi32, #tpu.memory_space<hbm>> -> memref<128xi32, #tpu.memory_space<hbm>>
    %dma_start3A_111 = arith.constant 0 : i32
    %dma_start3A_112 = tpu.memref_slice %arg7[%dma_start3A_106, %dma_start3A_111] : memref<8x128xi32, #tpu.memory_space<vmem>> -> memref<1x128xi32, #tpu.memory_space<vmem>>
    %dma_start3A_113 = tpu.memref_squeeze %dma_start3A_112 : memref<1x128xi32, #tpu.memory_space<vmem>> -> memref<128xi32, #tpu.memory_space<vmem>>
    %dma_start3A_114 = tpu.memref_slice %arg2[%add3A_105] : memref<163840xi32, #tpu.memory_space<hbm>> -> memref<128xi32, #tpu.memory_space<hbm>>
    tpu.enqueue_dma source(%dma_start3A_114 : memref<128xi32, #tpu.memory_space<hbm>>) target(%dma_start3A_113 : memref<128xi32, #tpu.memory_space<vmem>>) target_semaphore(%arg14 : memref<!tpu.dma_semaphore, #tpu.memory_space<semaphore_mem>>)
    %add3A_115 = arith.constant 0 : i32
    %add3A_116 = arith.addi %mul3A_33, %add3A_115 : i32
    %min3A_117 = arith.constant 163584 : i32
    %min3A_118 = arith.minsi %add3A_116, %min3A_117 : i32
    %add3A_119 = arith.constant 0 : i32
    %add3A_120 = arith.addi %min3A_118, %add3A_119 : i32
    %dma_wait3A = arith.constant 0 : i32
    %dma_wait3A_121 = arith.constant 0 : i32
    %dma_wait3A_122 = tpu.memref_slice %arg7[%dma_wait3A, %dma_wait3A_121] : memref<8x128xi32, #tpu.memory_space<vmem>> -> memref<1x128xi32, #tpu.memory_space<vmem>>
    %dma_wait3A_123 = tpu.memref_squeeze %dma_wait3A_122 : memref<1x128xi32, #tpu.memory_space<vmem>> -> memref<128xi32, #tpu.memory_space<vmem>>
    %dma_wait3A_124 = tpu.memref_slice %arg2[%add3A_120] : memref<163840xi32, #tpu.memory_space<hbm>> -> memref<128xi32, #tpu.memory_space<hbm>>
    %dma_wait3A_125 = arith.constant 0 : i32
    %dma_wait3A_126 = tpu.memref_slice %arg7[%dma_wait3A, %dma_wait3A_125] : memref<8x128xi32, #tpu.memory_space<vmem>> -> memref<1x128xi32, #tpu.memory_space<vmem>>
    %dma_wait3A_127 = tpu.memref_squeeze %dma_wait3A_126 : memref<1x128xi32, #tpu.memory_space<vmem>> -> memref<128xi32, #tpu.memory_space<vmem>>
    %dma_wait3A_128 = tpu.memref_slice %arg2[%add3A_120] : memref<163840xi32, #tpu.memory_space<hbm>> -> memref<128xi32, #tpu.memory_space<hbm>>
    tpu.wait_dma2 semaphore(%arg14 : memref<!tpu.dma_semaphore, #tpu.memory_space<semaphore_mem>>) src(%dma_wait3A_128 : memref<128xi32, #tpu.memory_space<hbm>>) dst(%dma_wait3A_127 : memref<128xi32, #tpu.memory_space<vmem>>)
    %add3A_129 = arith.constant 128 : i32
    %add3A_130 = arith.addi %min3A_118, %add3A_129 : i32
    %dma_wait3A_131 = arith.constant 1 : i32
    %dma_wait3A_132 = arith.constant 0 : i32
    %dma_wait3A_133 = tpu.memref_slice %arg7[%dma_wait3A_131, %dma_wait3A_132] : memref<8x128xi32, #tpu.memory_space<vmem>> -> memref<1x128xi32, #tpu.memory_space<vmem>>
    %dma_wait3A_134 = tpu.memref_squeeze %dma_wait3A_133 : memref<1x128xi32, #tpu.memory_space<vmem>> -> memref<128xi32, #tpu.memory_space<vmem>>
    %dma_wait3A_135 = tpu.memref_slice %arg2[%add3A_130] : memref<163840xi32, #tpu.memory_space<hbm>> -> memref<128xi32, #tpu.memory_space<hbm>>
    %dma_wait3A_136 = arith.constant 0 : i32
    %dma_wait3A_137 = tpu.memref_slice %arg7[%dma_wait3A_131, %dma_wait3A_136] : memref<8x128xi32, #tpu.memory_space<vmem>> -> memref<1x128xi32, #tpu.memory_space<vmem>>
    %dma_wait3A_138 = tpu.memref_squeeze %dma_wait3A_137 : memref<1x128xi32, #tpu.memory_space<vmem>> -> memref<128xi32, #tpu.memory_space<vmem>>
    %dma_wait3A_139 = tpu.memref_slice %arg2[%add3A_130] : memref<163840xi32, #tpu.memory_space<hbm>> -> memref<128xi32, #tpu.memory_space<hbm>>
    tpu.wait_dma2 semaphore(%arg14 : memref<!tpu.dma_semaphore, #tpu.memory_space<semaphore_mem>>) src(%dma_wait3A_139 : memref<128xi32, #tpu.memory_space<hbm>>) dst(%dma_wait3A_138 : memref<128xi32, #tpu.memory_space<vmem>>)
    %dma_start3A_140 = arith.constant 0 : i32
    %dma_start3A_141 = arith.constant 0 : i32
    %dma_start3A_142 = arith.constant 0 : i32
    %dma_start3A_143 = tpu.memref_slice %arg9[%dma_start3A_141, %dma_start3A_142] : memref<256x128xf32, #tpu.memory_space<vmem>> -> memref<128x128xf32, #tpu.memory_space<vmem>>
    %dma_start3A_144 = arith.constant 0 : i32
    %dma_start3A_145 = tpu.memref_slice %arg7[%dma_start3A_140, %dma_start3A_144] : memref<8x128xi32, #tpu.memory_space<vmem>> -> memref<1x128xi32, #tpu.memory_space<vmem>>
    %dma_start3A_146 = tpu.memref_squeeze %dma_start3A_145 : memref<1x128xi32, #tpu.memory_space<vmem>> -> memref<128xi32, #tpu.memory_space<vmem>>
    %dma_start3A_147 = arith.constant 0 : i32
    %dma_start3A_148 = arith.constant 0 : i32
    %dma_start3A_149 = tpu.memref_slice %arg4[%dma_start3A_147, %dma_start3A_148] : memref<1000000x128xf32, #tpu.memory_space<hbm>> -> memref<1000000x128xf32, #tpu.memory_space<hbm>>
    tpu.enqueue_indirect_dma source(%dma_start3A_149 : memref<1000000x128xf32, #tpu.memory_space<hbm>>) target(%dma_start3A_143 : memref<128x128xf32, #tpu.memory_space<vmem>>) offsets(%dma_start3A_146 : memref<128xi32, #tpu.memory_space<vmem>>) semaphore(%arg12 : memref<!tpu.dma_semaphore, #tpu.memory_space<semaphore_mem>>)
    %dma_start3A_150 = arith.constant 1 : i32
    %dma_start3A_151 = arith.constant 128 : i32
    %dma_start3A_152 = arith.constant 0 : i32
    %dma_start3A_153 = tpu.memref_slice %arg9[%dma_start3A_151, %dma_start3A_152] : memref<256x128xf32, #tpu.memory_space<vmem>> -> memref<128x128xf32, #tpu.memory_space<vmem>>
    %dma_start3A_154 = arith.constant 0 : i32
    %dma_start3A_155 = tpu.memref_slice %arg7[%dma_start3A_150, %dma_start3A_154] : memref<8x128xi32, #tpu.memory_space<vmem>> -> memref<1x128xi32, #tpu.memory_space<vmem>>
    %dma_start3A_156 = tpu.memref_squeeze %dma_start3A_155 : memref<1x128xi32, #tpu.memory_space<vmem>> -> memref<128xi32, #tpu.memory_space<vmem>>
    %dma_start3A_157 = arith.constant 0 : i32
    %dma_start3A_158 = arith.constant 0 : i32
    %dma_start3A_159 = tpu.memref_slice %arg4[%dma_start3A_157, %dma_start3A_158] : memref<1000000x128xf32, #tpu.memory_space<hbm>> -> memref<1000000x128xf32, #tpu.memory_space<hbm>>
    tpu.enqueue_indirect_dma source(%dma_start3A_159 : memref<1000000x128xf32, #tpu.memory_space<hbm>>) target(%dma_start3A_153 : memref<128x128xf32, #tpu.memory_space<vmem>>) offsets(%dma_start3A_156 : memref<128xi32, #tpu.memory_space<vmem>>) semaphore(%arg12 : memref<!tpu.dma_semaphore, #tpu.memory_space<semaphore_mem>>)
    %add3A_160 = arith.constant 256 : i32
    %add3A_161 = arith.addi %mul3A_33, %add3A_160 : i32
    %min3A_162 = arith.constant 163584 : i32
    %min3A_163 = arith.minsi %add3A_161, %min3A_162 : i32
    %add3A_164 = arith.constant 0 : i32
    %add3A_165 = arith.addi %min3A_163, %add3A_164 : i32
    %dma_start3A_166 = arith.constant 0 : i32
    %dma_start3A_167 = arith.constant 0 : i32
    %dma_start3A_168 = tpu.memref_slice %arg8[%dma_start3A_166, %dma_start3A_167] : memref<8x128xi32, #tpu.memory_space<vmem>> -> memref<1x128xi32, #tpu.memory_space<vmem>>
    %dma_start3A_169 = tpu.memref_squeeze %dma_start3A_168 : memref<1x128xi32, #tpu.memory_space<vmem>> -> memref<128xi32, #tpu.memory_space<vmem>>
    %dma_start3A_170 = tpu.memref_slice %arg2[%add3A_165] : memref<163840xi32, #tpu.memory_space<hbm>> -> memref<128xi32, #tpu.memory_space<hbm>>
    %dma_start3A_171 = arith.constant 0 : i32
    %dma_start3A_172 = tpu.memref_slice %arg8[%dma_start3A_166, %dma_start3A_171] : memref<8x128xi32, #tpu.memory_space<vmem>> -> memref<1x128xi32, #tpu.memory_space<vmem>>
    %dma_start3A_173 = tpu.memref_squeeze %dma_start3A_172 : memref<1x128xi32, #tpu.memory_space<vmem>> -> memref<128xi32, #tpu.memory_space<vmem>>
    %dma_start3A_174 = tpu.memref_slice %arg2[%add3A_165] : memref<163840xi32, #tpu.memory_space<hbm>> -> memref<128xi32, #tpu.memory_space<hbm>>
    tpu.enqueue_dma source(%dma_start3A_174 : memref<128xi32, #tpu.memory_space<hbm>>) target(%dma_start3A_173 : memref<128xi32, #tpu.memory_space<vmem>>) target_semaphore(%arg15 : memref<!tpu.dma_semaphore, #tpu.memory_space<semaphore_mem>>)
    %add3A_175 = arith.constant 128 : i32
    %add3A_176 = arith.addi %min3A_163, %add3A_175 : i32
    %dma_start3A_177 = arith.constant 1 : i32
    %dma_start3A_178 = arith.constant 0 : i32
    %dma_start3A_179 = tpu.memref_slice %arg8[%dma_start3A_177, %dma_start3A_178] : memref<8x128xi32, #tpu.memory_space<vmem>> -> memref<1x128xi32, #tpu.memory_space<vmem>>
    %dma_start3A_180 = tpu.memref_squeeze %dma_start3A_179 : memref<1x128xi32, #tpu.memory_space<vmem>> -> memref<128xi32, #tpu.memory_space<vmem>>
    %dma_start3A_181 = tpu.memref_slice %arg2[%add3A_176] : memref<163840xi32, #tpu.memory_space<hbm>> -> memref<128xi32, #tpu.memory_space<hbm>>
    %dma_start3A_182 = arith.constant 0 : i32
    %dma_start3A_183 = tpu.memref_slice %arg8[%dma_start3A_177, %dma_start3A_182] : memref<8x128xi32, #tpu.memory_space<vmem>> -> memref<1x128xi32, #tpu.memory_space<vmem>>
    %dma_start3A_184 = tpu.memref_squeeze %dma_start3A_183 : memref<1x128xi32, #tpu.memory_space<vmem>> -> memref<128xi32, #tpu.memory_space<vmem>>
    %dma_start3A_185 = tpu.memref_slice %arg2[%add3A_176] : memref<163840xi32, #tpu.memory_space<hbm>> -> memref<128xi32, #tpu.memory_space<hbm>>
    tpu.enqueue_dma source(%dma_start3A_185 : memref<128xi32, #tpu.memory_space<hbm>>) target(%dma_start3A_184 : memref<128xi32, #tpu.memory_space<vmem>>) target_semaphore(%arg15 : memref<!tpu.dma_semaphore, #tpu.memory_space<semaphore_mem>>)
    %while3A = arith.constant 0 : i32
    %while3A_186 = arith.constant 0 : i32
    %while3A_187 = arith.subi %select_n3A_89, %while3A : i32
    %while3A_188 = arith.addi %while3A, %while3A_187 : i32
    %while3A_189 = arith.constant 1 : i32
    %while3A_190 = arith.divsi %while3A_187, %while3A_189 : i32
    %while3A_191 = arith.muli %while3A_190, %while3A_189 : i32
    %while3A_192 = arith.addi %while3A, %while3A_191 : i32
    %while3A_193 = arith.constant 1 : i32
    %while3A_194:5 = scf.for %while3A_250 = %while3A to %while3A_192 step %while3A_193 iter_args(%while3A_251 = %while3A_186, %while3A_252 = %broadcast_in_dim3A_90, %while3A_253 = %broadcast_in_dim3A_90, %while3A_254 = %broadcast_in_dim3A_90, %while3A_255 = %broadcast_in_dim3A_90) -> (i32, vector<16xf32>, vector<16xf32>, vector<16xf32>, vector<16xf32>)  : i32 {
      %mul3A_256 = arith.constant 2 : i32
      %mul3A_257 = arith.muli %mul3A_256, %while3A_250 : i32
      %dma_wait3A_258 = arith.constant 0 : i32
      %dma_wait3A_259 = arith.constant 0 : i32
      %dma_wait3A_260 = arith.constant 0 : i32
      %dma_wait3A_261 = tpu.memref_slice %arg9[%dma_wait3A_259, %dma_wait3A_260] : memref<256x128xf32, #tpu.memory_space<vmem>> -> memref<128x128xf32, #tpu.memory_space<vmem>>
      %dma_wait3A_262 = arith.constant 0 : i32
      %dma_wait3A_263 = tpu.memref_slice %arg7[%dma_wait3A_258, %dma_wait3A_262] : memref<8x128xi32, #tpu.memory_space<vmem>> -> memref<1x128xi32, #tpu.memory_space<vmem>>
      %dma_wait3A_264 = tpu.memref_squeeze %dma_wait3A_263 : memref<1x128xi32, #tpu.memory_space<vmem>> -> memref<128xi32, #tpu.memory_space<vmem>>
      %dma_wait3A_265 = arith.constant 0 : i32
      %dma_wait3A_266 = arith.constant 0 : i32
      %dma_wait3A_267 = tpu.memref_slice %arg4[%dma_wait3A_265, %dma_wait3A_266] : memref<1000000x128xf32, #tpu.memory_space<hbm>> -> memref<1000000x128xf32, #tpu.memory_space<hbm>>
      tpu.wait_indirect_dma semaphore(%arg12 : memref<!tpu.dma_semaphore, #tpu.memory_space<semaphore_mem>>) src(%dma_wait3A_267 : memref<1000000x128xf32, #tpu.memory_space<hbm>>) dst(%dma_wait3A_261 : memref<128x128xf32, #tpu.memory_space<vmem>>)
      %dma_wait3A_268 = arith.constant 1 : i32
      %dma_wait3A_269 = arith.constant 128 : i32
      %dma_wait3A_270 = arith.constant 0 : i32
      %dma_wait3A_271 = tpu.memref_slice %arg9[%dma_wait3A_269, %dma_wait3A_270] : memref<256x128xf32, #tpu.memory_space<vmem>> -> memref<128x128xf32, #tpu.memory_space<vmem>>
      %dma_wait3A_272 = arith.constant 0 : i32
      %dma_wait3A_273 = tpu.memref_slice %arg7[%dma_wait3A_268, %dma_wait3A_272] : memref<8x128xi32, #tpu.memory_space<vmem>> -> memref<1x128xi32, #tpu.memory_space<vmem>>
      %dma_wait3A_274 = tpu.memref_squeeze %dma_wait3A_273 : memref<1x128xi32, #tpu.memory_space<vmem>> -> memref<128xi32, #tpu.memory_space<vmem>>
      %dma_wait3A_275 = arith.constant 0 : i32
      %dma_wait3A_276 = arith.constant 0 : i32
      %dma_wait3A_277 = tpu.memref_slice %arg4[%dma_wait3A_275, %dma_wait3A_276] : memref<1000000x128xf32, #tpu.memory_space<hbm>> -> memref<1000000x128xf32, #tpu.memory_space<hbm>>
      tpu.wait_indirect_dma semaphore(%arg12 : memref<!tpu.dma_semaphore, #tpu.memory_space<semaphore_mem>>) src(%dma_wait3A_277 : memref<1000000x128xf32, #tpu.memory_space<hbm>>) dst(%dma_wait3A_271 : memref<128x128xf32, #tpu.memory_space<vmem>>)
      %add3A_278 = arith.constant 1 : i32
      %add3A_279 = arith.addi %mul3A_257, %add3A_278 : i32
      %mul3A_280 = arith.constant 256 : i32
      %mul3A_281 = arith.muli %add3A_279, %mul3A_280 : i32
      %add3A_282 = arith.addi %mul3A_33, %mul3A_281 : i32
      %min3A_283 = arith.constant 163584 : i32
      %min3A_284 = arith.minsi %add3A_282, %min3A_283 : i32
      %add3A_285 = arith.constant 0 : i32
      %add3A_286 = arith.addi %min3A_284, %add3A_285 : i32
      %dma_wait3A_287 = arith.constant 0 : i32
      %dma_wait3A_288 = arith.constant 0 : i32
      %dma_wait3A_289 = tpu.memref_slice %arg8[%dma_wait3A_287, %dma_wait3A_288] : memref<8x128xi32, #tpu.memory_space<vmem>> -> memref<1x128xi32, #tpu.memory_space<vmem>>
      %dma_wait3A_290 = tpu.memref_squeeze %dma_wait3A_289 : memref<1x128xi32, #tpu.memory_space<vmem>> -> memref<128xi32, #tpu.memory_space<vmem>>
      %dma_wait3A_291 = tpu.memref_slice %arg2[%add3A_286] : memref<163840xi32, #tpu.memory_space<hbm>> -> memref<128xi32, #tpu.memory_space<hbm>>
      %dma_wait3A_292 = arith.constant 0 : i32
      %dma_wait3A_293 = tpu.memref_slice %arg8[%dma_wait3A_287, %dma_wait3A_292] : memref<8x128xi32, #tpu.memory_space<vmem>> -> memref<1x128xi32, #tpu.memory_space<vmem>>
      %dma_wait3A_294 = tpu.memref_squeeze %dma_wait3A_293 : memref<1x128xi32, #tpu.memory_space<vmem>> -> memref<128xi32, #tpu.memory_space<vmem>>
      %dma_wait3A_295 = tpu.memref_slice %arg2[%add3A_286] : memref<163840xi32, #tpu.memory_space<hbm>> -> memref<128xi32, #tpu.memory_space<hbm>>
      tpu.wait_dma2 semaphore(%arg15 : memref<!tpu.dma_semaphore, #tpu.memory_space<semaphore_mem>>) src(%dma_wait3A_295 : memref<128xi32, #tpu.memory_space<hbm>>) dst(%dma_wait3A_294 : memref<128xi32, #tpu.memory_space<vmem>>)
      %add3A_296 = arith.constant 128 : i32
      %add3A_297 = arith.addi %min3A_284, %add3A_296 : i32
      %dma_wait3A_298 = arith.constant 1 : i32
      %dma_wait3A_299 = arith.constant 0 : i32
      %dma_wait3A_300 = tpu.memref_slice %arg8[%dma_wait3A_298, %dma_wait3A_299] : memref<8x128xi32, #tpu.memory_space<vmem>> -> memref<1x128xi32, #tpu.memory_space<vmem>>
      %dma_wait3A_301 = tpu.memref_squeeze %dma_wait3A_300 : memref<1x128xi32, #tpu.memory_space<vmem>> -> memref<128xi32, #tpu.memory_space<vmem>>
      %dma_wait3A_302 = tpu.memref_slice %arg2[%add3A_297] : memref<163840xi32, #tpu.memory_space<hbm>> -> memref<128xi32, #tpu.memory_space<hbm>>
      %dma_wait3A_303 = arith.constant 0 : i32
      %dma_wait3A_304 = tpu.memref_slice %arg8[%dma_wait3A_298, %dma_wait3A_303] : memref<8x128xi32, #tpu.memory_space<vmem>> -> memref<1x128xi32, #tpu.memory_space<vmem>>
      %dma_wait3A_305 = tpu.memref_squeeze %dma_wait3A_304 : memref<1x128xi32, #tpu.memory_space<vmem>> -> memref<128xi32, #tpu.memory_space<vmem>>
      %dma_wait3A_306 = tpu.memref_slice %arg2[%add3A_297] : memref<163840xi32, #tpu.memory_space<hbm>> -> memref<128xi32, #tpu.memory_space<hbm>>
      tpu.wait_dma2 semaphore(%arg15 : memref<!tpu.dma_semaphore, #tpu.memory_space<semaphore_mem>>) src(%dma_wait3A_306 : memref<128xi32, #tpu.memory_space<hbm>>) dst(%dma_wait3A_305 : memref<128xi32, #tpu.memory_space<vmem>>)
      %dma_start3A_307 = arith.constant 0 : i32
      %dma_start3A_308 = arith.constant 0 : i32
      %dma_start3A_309 = arith.constant 0 : i32
      %dma_start3A_310 = tpu.memref_slice %arg10[%dma_start3A_308, %dma_start3A_309] : memref<256x128xf32, #tpu.memory_space<vmem>> -> memref<128x128xf32, #tpu.memory_space<vmem>>
      %dma_start3A_311 = arith.constant 0 : i32
      %dma_start3A_312 = tpu.memref_slice %arg8[%dma_start3A_307, %dma_start3A_311] : memref<8x128xi32, #tpu.memory_space<vmem>> -> memref<1x128xi32, #tpu.memory_space<vmem>>
      %dma_start3A_313 = tpu.memref_squeeze %dma_start3A_312 : memref<1x128xi32, #tpu.memory_space<vmem>> -> memref<128xi32, #tpu.memory_space<vmem>>
      %dma_start3A_314 = arith.constant 0 : i32
      %dma_start3A_315 = arith.constant 0 : i32
      %dma_start3A_316 = tpu.memref_slice %arg4[%dma_start3A_314, %dma_start3A_315] : memref<1000000x128xf32, #tpu.memory_space<hbm>> -> memref<1000000x128xf32, #tpu.memory_space<hbm>>
      tpu.enqueue_indirect_dma source(%dma_start3A_316 : memref<1000000x128xf32, #tpu.memory_space<hbm>>) target(%dma_start3A_310 : memref<128x128xf32, #tpu.memory_space<vmem>>) offsets(%dma_start3A_313 : memref<128xi32, #tpu.memory_space<vmem>>) semaphore(%arg13 : memref<!tpu.dma_semaphore, #tpu.memory_space<semaphore_mem>>)
      %dma_start3A_317 = arith.constant 1 : i32
      %dma_start3A_318 = arith.constant 128 : i32
      %dma_start3A_319 = arith.constant 0 : i32
      %dma_start3A_320 = tpu.memref_slice %arg10[%dma_start3A_318, %dma_start3A_319] : memref<256x128xf32, #tpu.memory_space<vmem>> -> memref<128x128xf32, #tpu.memory_space<vmem>>
      %dma_start3A_321 = arith.constant 0 : i32
      %dma_start3A_322 = tpu.memref_slice %arg8[%dma_start3A_317, %dma_start3A_321] : memref<8x128xi32, #tpu.memory_space<vmem>> -> memref<1x128xi32, #tpu.memory_space<vmem>>
      %dma_start3A_323 = tpu.memref_squeeze %dma_start3A_322 : memref<1x128xi32, #tpu.memory_space<vmem>> -> memref<128xi32, #tpu.memory_space<vmem>>
      %dma_start3A_324 = arith.constant 0 : i32
      %dma_start3A_325 = arith.constant 0 : i32
      %dma_start3A_326 = tpu.memref_slice %arg4[%dma_start3A_324, %dma_start3A_325] : memref<1000000x128xf32, #tpu.memory_space<hbm>> -> memref<1000000x128xf32, #tpu.memory_space<hbm>>
      tpu.enqueue_indirect_dma source(%dma_start3A_326 : memref<1000000x128xf32, #tpu.memory_space<hbm>>) target(%dma_start3A_320 : memref<128x128xf32, #tpu.memory_space<vmem>>) offsets(%dma_start3A_323 : memref<128xi32, #tpu.memory_space<vmem>>) semaphore(%arg13 : memref<!tpu.dma_semaphore, #tpu.memory_space<semaphore_mem>>)
      %add3A_327 = arith.constant 2 : i32
      %add3A_328 = arith.addi %mul3A_257, %add3A_327 : i32
      %mul3A_329 = arith.constant 256 : i32
      %mul3A_330 = arith.muli %add3A_328, %mul3A_329 : i32
      %add3A_331 = arith.addi %mul3A_33, %mul3A_330 : i32
      %min3A_332 = arith.constant 163584 : i32
      %min3A_333 = arith.minsi %add3A_331, %min3A_332 : i32
      %add3A_334 = arith.constant 0 : i32
      %add3A_335 = arith.addi %min3A_333, %add3A_334 : i32
      %dma_start3A_336 = arith.constant 0 : i32
      %dma_start3A_337 = arith.constant 0 : i32
      %dma_start3A_338 = tpu.memref_slice %arg7[%dma_start3A_336, %dma_start3A_337] : memref<8x128xi32, #tpu.memory_space<vmem>> -> memref<1x128xi32, #tpu.memory_space<vmem>>
      %dma_start3A_339 = tpu.memref_squeeze %dma_start3A_338 : memref<1x128xi32, #tpu.memory_space<vmem>> -> memref<128xi32, #tpu.memory_space<vmem>>
      %dma_start3A_340 = tpu.memref_slice %arg2[%add3A_335] : memref<163840xi32, #tpu.memory_space<hbm>> -> memref<128xi32, #tpu.memory_space<hbm>>
      %dma_start3A_341 = arith.constant 0 : i32
      %dma_start3A_342 = tpu.memref_slice %arg7[%dma_start3A_336, %dma_start3A_341] : memref<8x128xi32, #tpu.memory_space<vmem>> -> memref<1x128xi32, #tpu.memory_space<vmem>>
      %dma_start3A_343 = tpu.memref_squeeze %dma_start3A_342 : memref<1x128xi32, #tpu.memory_space<vmem>> -> memref<128xi32, #tpu.memory_space<vmem>>
      %dma_start3A_344 = tpu.memref_slice %arg2[%add3A_335] : memref<163840xi32, #tpu.memory_space<hbm>> -> memref<128xi32, #tpu.memory_space<hbm>>
      tpu.enqueue_dma source(%dma_start3A_344 : memref<128xi32, #tpu.memory_space<hbm>>) target(%dma_start3A_343 : memref<128xi32, #tpu.memory_space<vmem>>) target_semaphore(%arg14 : memref<!tpu.dma_semaphore, #tpu.memory_space<semaphore_mem>>)
      %add3A_345 = arith.constant 128 : i32
      %add3A_346 = arith.addi %min3A_333, %add3A_345 : i32
      %dma_start3A_347 = arith.constant 1 : i32
      %dma_start3A_348 = arith.constant 0 : i32
      %dma_start3A_349 = tpu.memref_slice %arg7[%dma_start3A_347, %dma_start3A_348] : memref<8x128xi32, #tpu.memory_space<vmem>> -> memref<1x128xi32, #tpu.memory_space<vmem>>
      %dma_start3A_350 = tpu.memref_squeeze %dma_start3A_349 : memref<1x128xi32, #tpu.memory_space<vmem>> -> memref<128xi32, #tpu.memory_space<vmem>>
      %dma_start3A_351 = tpu.memref_slice %arg2[%add3A_346] : memref<163840xi32, #tpu.memory_space<hbm>> -> memref<128xi32, #tpu.memory_space<hbm>>
      %dma_start3A_352 = arith.constant 0 : i32
      %dma_start3A_353 = tpu.memref_slice %arg7[%dma_start3A_347, %dma_start3A_352] : memref<8x128xi32, #tpu.memory_space<vmem>> -> memref<1x128xi32, #tpu.memory_space<vmem>>
      %dma_start3A_354 = tpu.memref_squeeze %dma_start3A_353 : memref<1x128xi32, #tpu.memory_space<vmem>> -> memref<128xi32, #tpu.memory_space<vmem>>
      %dma_start3A_355 = tpu.memref_slice %arg2[%add3A_346] : memref<163840xi32, #tpu.memory_space<hbm>> -> memref<128xi32, #tpu.memory_space<hbm>>
      tpu.enqueue_dma source(%dma_start3A_355 : memref<128xi32, #tpu.memory_space<hbm>>) target(%dma_start3A_354 : memref<128xi32, #tpu.memory_space<vmem>>) target_semaphore(%arg14 : memref<!tpu.dma_semaphore, #tpu.memory_space<semaphore_mem>>)
      %mul3A_356 = arith.constant 256 : i32
      %mul3A_357 = arith.muli %mul3A_257, %mul3A_356 : i32
      %add3A_358 = arith.addi %mul3A_33, %mul3A_357 : i32
      %add3A_359 = arith.constant 256 : i32
      %add3A_360 = arith.addi %add3A_358, %add3A_359 : i32
      %min3A_361 = arith.minsi %add3A_360, %squeeze3A_15 : i32
      %mul3A_362 = arith.constant 256 : i32
      %mul3A_363 = arith.muli %mul3A_257, %mul3A_362 : i32
      %add3A_364 = arith.addi %mul3A_33, %mul3A_363 : i32
      %min3A_365 = arith.constant 163584 : i32
      %min3A_366 = arith.minsi %add3A_364, %min3A_365 : i32
      %scan3A = arith.constant 512 : i32
      %scan3A_367 = arith.constant 0 : i32
      %scan3A_368 = arith.constant 10 : i32
      %scan3A_369 = arith.addi %scan3A_367, %scan3A_368 : i32
      %scan3A_370 = arith.constant 1 : i32
      %scan3A_371:2 = scf.for %scan3A_528 = %scan3A_367 to %scan3A_369 step %scan3A_370 iter_args(%scan3A_529 = %while3A_251, %scan3A_530 = %scan3A) -> (i32, i32)  : i32 {
        %add3A_531 = arith.addi %scan3A_529, %scan3A_530 : i32
        %add3A_532 = arith.constant 1 : i32
        %add3A_533 = arith.addi %add3A_531, %add3A_532 : i32
        %jit3A_534 = arith.constant 2 : i32
        %div3A_535 = arith.divsi %add3A_533, %jit3A_534 : i32
        %sign3A_536 = arith.constant 0 : i32
        %sign3A_537 = arith.cmpi sgt, %add3A_533, %sign3A_536 : i32
        %sign3A_538 = arith.extui %sign3A_537 : i1 to i32
        %sign3A_539 = arith.constant 0 : i32
        %sign3A_540 = arith.cmpi slt, %add3A_533, %sign3A_539 : i32
        %sign3A_541 = arith.extui %sign3A_540 : i1 to i32
        %sign3A_542 = arith.subi %sign3A_538, %sign3A_541 : i32
        %sign3A_543 = arith.constant 0 : i32
        %sign3A_544 = arith.cmpi sgt, %jit3A_534, %sign3A_543 : i32
        %sign3A_545 = arith.extui %sign3A_544 : i1 to i32
        %sign3A_546 = arith.constant 0 : i32
        %sign3A_547 = arith.cmpi slt, %jit3A_534, %sign3A_546 : i32
        %sign3A_548 = arith.extui %sign3A_547 : i1 to i32
        %sign3A_549 = arith.subi %sign3A_545, %sign3A_548 : i32
        %ne3A_550 = arith.cmpi ne, %sign3A_542, %sign3A_549 : i32
        %rem3A_551 = arith.remsi %add3A_533, %jit3A_534 : i32
        %ne3A_552 = arith.constant 0 : i32
        %ne3A_553 = arith.cmpi ne, %rem3A_551, %ne3A_552 : i32
        %and3A_554 = arith.andi %ne3A_550, %ne3A_553 : i1
        %sub3A_555 = arith.constant 1 : i32
        %sub3A_556 = arith.subi %div3A_535, %sub3A_555 : i32
        %select_n3A_557 = arith.select %and3A_554, %sub3A_556, %div3A_535 : i32
        %get3A_558 = arith.index_cast %select_n3A_557 : i32 to index
        %get3A_559 = tpu.vector_load %arg6[%get3A_558] {strides = array<i32>} : memref<536xi32, #tpu.memory_space<vmem>>, vector<16xi32>,
        %get3A_560 = vector.shape_cast %get3A_559 : vector<16xi32> to vector<16xi32>
        %slice3A_561 = vector.extract_strided_slice %get3A_560 {offsets = [0], sizes = [1], strides = [1]} : vector<16xi32> to vector<1xi32>
        %squeeze3A_562 = vector.extract %slice3A_561[0] : i32 from vector<1xi32>
        %le3A = arith.cmpi sle, %squeeze3A_562, %min3A_361 : i32
        %select_n3A_563 = arith.select %le3A, %select_n3A_557, %scan3A_529 : i32
        %sub3A_564 = arith.constant 1 : i32
        %sub3A_565 = arith.subi %select_n3A_557, %sub3A_564 : i32
        %select_n3A_566 = arith.select %le3A, %scan3A_530, %sub3A_565 : i32
        scf.yield %select_n3A_563, %select_n3A_566 : i32, i32
      }
      %scan3A_372 = arith.constant 10 : i32
      %get3A_373 = arith.index_cast %while3A_251 : i32 to index
      %get3A_374 = tpu.vector_load %arg6[%get3A_373] {strides = array<i32>} : memref<536xi32, #tpu.memory_space<vmem>>, vector<16xi32>,
      %get3A_375 = vector.shape_cast %get3A_374 : vector<16xi32> to vector<16xi32>
      %slice3A_376 = vector.extract_strided_slice %get3A_375 {offsets = [0], sizes = [1], strides = [1]} : vector<16xi32> to vector<1xi32>
      %squeeze3A_377 = vector.extract %slice3A_376[0] : i32 from vector<1xi32>
      %while3A_378 = arith.subi %scan3A_371#0, %while3A_251 : i32
      %while3A_379 = arith.addi %while3A_251, %while3A_378 : i32
      %while3A_380 = arith.constant 1 : i32
      %while3A_381 = arith.divsi %while3A_378, %while3A_380 : i32
      %while3A_382 = arith.muli %while3A_381, %while3A_380 : i32
      %while3A_383 = arith.addi %while3A_251, %while3A_382 : i32
      %while3A_384 = arith.constant 1 : i32
      %while3A_385:5 = scf.for %while3A_528 = %while3A_251 to %while3A_383 step %while3A_384 iter_args(%while3A_529 = %squeeze3A_377, %while3A_530 = %while3A_252, %while3A_531 = %while3A_253, %while3A_532 = %while3A_254, %while3A_533 = %while3A_255) -> (i32, vector<16xf32>, vector<16xf32>, vector<16xf32>, vector<16xf32>)  : i32 {
        %add3A_534 = arith.constant 1 : i32
        %add3A_535 = arith.addi %while3A_528, %add3A_534 : i32
        %get3A_536 = arith.index_cast %add3A_535 : i32 to index
        %get3A_537 = tpu.vector_load %arg6[%get3A_536] {strides = array<i32>} : memref<536xi32, #tpu.memory_space<vmem>>, vector<16xi32>,
        %get3A_538 = vector.shape_cast %get3A_537 : vector<16xi32> to vector<16xi32>
        %slice3A_539 = vector.extract_strided_slice %get3A_538 {offsets = [0], sizes = [1], strides = [1]} : vector<16xi32> to vector<1xi32>
        %squeeze3A_540 = vector.extract %slice3A_539[0] : i32 from vector<1xi32>
        %max3A_541 = arith.maxsi %while3A_529, %add3A_358 : i32
        %parallel_loop3A_542 = arith.constant 1 : i32
        %parallel_loop3A_543:4 = scf.for %parallel_loop3A_587 = %max3A_541 to %squeeze3A_540 step %parallel_loop3A_542 iter_args(%parallel_loop3A_588 = %while3A_530, %parallel_loop3A_589 = %while3A_531, %parallel_loop3A_590 = %while3A_532, %parallel_loop3A_591 = %while3A_533) -> (vector<16xf32>, vector<16xf32>, vector<16xf32>, vector<16xf32>)  : i32 {
          %parallel_loop3A_592 = arith.subi %parallel_loop3A_587, %min3A_366 : i32
          %parallel_loop3A_593 = arith.index_cast %parallel_loop3A_592 : i32 to index
          %parallel_loop3A_594 = arith.constant 0 : index
          %parallel_loop3A_595 = tpu.vector_load %arg9[%parallel_loop3A_593, %parallel_loop3A_594] {strides = array<i32>} : memref<256x128xf32, #tpu.memory_space<vmem>>, vector<1x16xf32>,
          %parallel_loop3A_596 = vector.shape_cast %parallel_loop3A_595 : vector<1x16xf32> to vector<16xf32>
          %parallel_loop3A_597 = arith.addf %parallel_loop3A_588, %parallel_loop3A_596 : vector<16xf32>
          %parallel_loop3A_598 = arith.index_cast %parallel_loop3A_592 : i32 to index
          %parallel_loop3A_599 = arith.constant 16 : index
          %parallel_loop3A_600 = tpu.vector_load %arg9[%parallel_loop3A_598, %parallel_loop3A_599] {strides = array<i32>} : memref<256x128xf32, #tpu.memory_space<vmem>>, vector<1x16xf32>,
          %parallel_loop3A_601 = vector.shape_cast %parallel_loop3A_600 : vector<1x16xf32> to vector<16xf32>
          %parallel_loop3A_602 = arith.addf %parallel_loop3A_589, %parallel_loop3A_601 : vector<16xf32>
          %parallel_loop3A_603 = arith.index_cast %parallel_loop3A_592 : i32 to index
          %parallel_loop3A_604 = arith.constant 32 : index
          %parallel_loop3A_605 = tpu.vector_load %arg9[%parallel_loop3A_603, %parallel_loop3A_604] {strides = array<i32>} : memref<256x128xf32, #tpu.memory_space<vmem>>, vector<1x16xf32>,
          %parallel_loop3A_606 = vector.shape_cast %parallel_loop3A_605 : vector<1x16xf32> to vector<16xf32>
          %parallel_loop3A_607 = arith.addf %parallel_loop3A_590, %parallel_loop3A_606 : vector<16xf32>
          %parallel_loop3A_608 = arith.index_cast %parallel_loop3A_592 : i32 to index
          %parallel_loop3A_609 = arith.constant 48 : index
          %parallel_loop3A_610 = tpu.vector_load %arg9[%parallel_loop3A_608, %parallel_loop3A_609] {strides = array<i32>} : memref<256x128xf32, #tpu.memory_space<vmem>>, vector<1x16xf32>,
          %parallel_loop3A_611 = vector.shape_cast %parallel_loop3A_610 : vector<1x16xf32> to vector<16xf32>
          %parallel_loop3A_612 = arith.addf %parallel_loop3A_591, %parallel_loop3A_611 : vector<16xf32>
          scf.yield %parallel_loop3A_597, %parallel_loop3A_602, %parallel_loop3A_607, %parallel_loop3A_612 : vector<16xf32>, vector<16xf32>, vector<16xf32>, vector<16xf32>
        } {sc.loop_unroll_factor = 8 : i64, sc.parallel_access}
        %sub3A_544 = arith.subi %squeeze3A_540, %while3A_529 : i32
        %max3A_545 = arith.constant 1 : i32
        %max3A_546 = arith.maxsi %sub3A_544, %max3A_545 : i32
        %broadcast_in_dim3A_547 = vector.broadcast %max3A_546 : i32 to vector<16xi32>
        %convert_element_type3A_548 = arith.sitofp %broadcast_in_dim3A_547 : vector<16xi32> to vector<16xf32>
        %div3A_549 = arith.constant 1.000000e+00 : f32
        %div3A_550 = vector.broadcast %div3A_549 : f32 to vector<16xf32>
        %div3A_551 = arith.divf %div3A_550, %convert_element_type3A_548 : vector<16xf32>
        %mul3A_552 = arith.mulf %parallel_loop3A_543#0, %div3A_551 : vector<16xf32>
        %mul3A_553 = arith.constant 64 : i32
        %mul3A_554 = arith.muli %while3A_528, %mul3A_553 : i32
        %add3A_555 = arith.constant 0 : i32
        %add3A_556 = arith.addi %mul3A_554, %add3A_555 : i32
        %swap3A = arith.index_cast %add3A_556 : i32 to index
        %swap3A_557 = tpu.vector_load %arg11[%swap3A] {strides = array<i32>} : memref<32768xf32, #tpu.memory_space<vmem>>, vector<16xf32>,
        %swap3A_558 = vector.shape_cast %swap3A_557 : vector<16xf32> to vector<16xf32>
        %swap3A_559 = vector.shape_cast %mul3A_552 : vector<16xf32> to vector<16xf32>
        tpu.vector_store %arg11[%swap3A], %swap3A_559 {strides = array<i32>} : memref<32768xf32, #tpu.memory_space<vmem>>, vector<16xf32>,
        %mul3A_560 = arith.mulf %parallel_loop3A_543#1, %div3A_551 : vector<16xf32>
        %mul3A_561 = arith.constant 64 : i32
        %mul3A_562 = arith.muli %while3A_528, %mul3A_561 : i32
        %add3A_563 = arith.constant 16 : i32
        %add3A_564 = arith.addi %mul3A_562, %add3A_563 : i32
        %swap3A_565 = arith.index_cast %add3A_564 : i32 to index
        %swap3A_566 = tpu.vector_load %arg11[%swap3A_565] {strides = array<i32>} : memref<32768xf32, #tpu.memory_space<vmem>>, vector<16xf32>,
        %swap3A_567 = vector.shape_cast %swap3A_566 : vector<16xf32> to vector<16xf32>
        %swap3A_568 = vector.shape_cast %mul3A_560 : vector<16xf32> to vector<16xf32>
        tpu.vector_store %arg11[%swap3A_565], %swap3A_568 {strides = array<i32>} : memref<32768xf32, #tpu.memory_space<vmem>>, vector<16xf32>,
        %mul3A_569 = arith.mulf %parallel_loop3A_543#2, %div3A_551 : vector<16xf32>
        %mul3A_570 = arith.constant 64 : i32
        %mul3A_571 = arith.muli %while3A_528, %mul3A_570 : i32
        %add3A_572 = arith.constant 32 : i32
        %add3A_573 = arith.addi %mul3A_571, %add3A_572 : i32
        %swap3A_574 = arith.index_cast %add3A_573 : i32 to index
        %swap3A_575 = tpu.vector_load %arg11[%swap3A_574] {strides = array<i32>} : memref<32768xf32, #tpu.memory_space<vmem>>, vector<16xf32>,
        %swap3A_576 = vector.shape_cast %swap3A_575 : vector<16xf32> to vector<16xf32>
        %swap3A_577 = vector.shape_cast %mul3A_569 : vector<16xf32> to vector<16xf32>
        tpu.vector_store %arg11[%swap3A_574], %swap3A_577 {strides = array<i32>} : memref<32768xf32, #tpu.memory_space<vmem>>, vector<16xf32>,
        %mul3A_578 = arith.mulf %parallel_loop3A_543#3, %div3A_551 : vector<16xf32>
        %mul3A_579 = arith.constant 64 : i32
        %mul3A_580 = arith.muli %while3A_528, %mul3A_579 : i32
        %add3A_581 = arith.constant 48 : i32
        %add3A_582 = arith.addi %mul3A_580, %add3A_581 : i32
        %swap3A_583 = arith.index_cast %add3A_582 : i32 to index
        %swap3A_584 = tpu.vector_load %arg11[%swap3A_583] {strides = array<i32>} : memref<32768xf32, #tpu.memory_space<vmem>>, vector<16xf32>,
        %swap3A_585 = vector.shape_cast %swap3A_584 : vector<16xf32> to vector<16xf32>
        %swap3A_586 = vector.shape_cast %mul3A_578 : vector<16xf32> to vector<16xf32>
        tpu.vector_store %arg11[%swap3A_583], %swap3A_586 {strides = array<i32>} : memref<32768xf32, #tpu.memory_space<vmem>>, vector<16xf32>,
        scf.yield %squeeze3A_540, %broadcast_in_dim3A_90, %broadcast_in_dim3A_90, %broadcast_in_dim3A_90, %broadcast_in_dim3A_90 : i32, vector<16xf32>, vector<16xf32>, vector<16xf32>, vector<16xf32>
      }
      %while3A_386 = arith.constant 1 : i32
      %while3A_387:5 = scf.for %while3A_528 = %while3A_383 to %while3A_379 step %while3A_386 iter_args(%while3A_529 = %while3A_385#0, %while3A_530 = %while3A_385#1, %while3A_531 = %while3A_385#2, %while3A_532 = %while3A_385#3, %while3A_533 = %while3A_385#4) -> (i32, vector<16xf32>, vector<16xf32>, vector<16xf32>, vector<16xf32>)  : i32 {
        %add3A_534 = arith.constant 1 : i32
        %add3A_535 = arith.addi %while3A_528, %add3A_534 : i32
        %get3A_536 = arith.index_cast %add3A_535 : i32 to index
        %get3A_537 = tpu.vector_load %arg6[%get3A_536] {strides = array<i32>} : memref<536xi32, #tpu.memory_space<vmem>>, vector<16xi32>,
        %get3A_538 = vector.shape_cast %get3A_537 : vector<16xi32> to vector<16xi32>
        %slice3A_539 = vector.extract_strided_slice %get3A_538 {offsets = [0], sizes = [1], strides = [1]} : vector<16xi32> to vector<1xi32>
        %squeeze3A_540 = vector.extract %slice3A_539[0] : i32 from vector<1xi32>
        %max3A_541 = arith.maxsi %while3A_529, %add3A_358 : i32
        %parallel_loop3A_542 = arith.constant 1 : i32
        %parallel_loop3A_543:4 = scf.for %parallel_loop3A_587 = %max3A_541 to %squeeze3A_540 step %parallel_loop3A_542 iter_args(%parallel_loop3A_588 = %while3A_530, %parallel_loop3A_589 = %while3A_531, %parallel_loop3A_590 = %while3A_532, %parallel_loop3A_591 = %while3A_533) -> (vector<16xf32>, vector<16xf32>, vector<16xf32>, vector<16xf32>)  : i32 {
          %parallel_loop3A_592 = arith.subi %parallel_loop3A_587, %min3A_366 : i32
          %parallel_loop3A_593 = arith.index_cast %parallel_loop3A_592 : i32 to index
          %parallel_loop3A_594 = arith.constant 0 : index
          %parallel_loop3A_595 = tpu.vector_load %arg9[%parallel_loop3A_593, %parallel_loop3A_594] {strides = array<i32>} : memref<256x128xf32, #tpu.memory_space<vmem>>, vector<1x16xf32>,
          %parallel_loop3A_596 = vector.shape_cast %parallel_loop3A_595 : vector<1x16xf32> to vector<16xf32>
          %parallel_loop3A_597 = arith.addf %parallel_loop3A_588, %parallel_loop3A_596 : vector<16xf32>
          %parallel_loop3A_598 = arith.index_cast %parallel_loop3A_592 : i32 to index
          %parallel_loop3A_599 = arith.constant 16 : index
          %parallel_loop3A_600 = tpu.vector_load %arg9[%parallel_loop3A_598, %parallel_loop3A_599] {strides = array<i32>} : memref<256x128xf32, #tpu.memory_space<vmem>>, vector<1x16xf32>,
          %parallel_loop3A_601 = vector.shape_cast %parallel_loop3A_600 : vector<1x16xf32> to vector<16xf32>
          %parallel_loop3A_602 = arith.addf %parallel_loop3A_589, %parallel_loop3A_601 : vector<16xf32>
          %parallel_loop3A_603 = arith.index_cast %parallel_loop3A_592 : i32 to index
          %parallel_loop3A_604 = arith.constant 32 : index
          %parallel_loop3A_605 = tpu.vector_load %arg9[%parallel_loop3A_603, %parallel_loop3A_604] {strides = array<i32>} : memref<256x128xf32, #tpu.memory_space<vmem>>, vector<1x16xf32>,
          %parallel_loop3A_606 = vector.shape_cast %parallel_loop3A_605 : vector<1x16xf32> to vector<16xf32>
          %parallel_loop3A_607 = arith.addf %parallel_loop3A_590, %parallel_loop3A_606 : vector<16xf32>
          %parallel_loop3A_608 = arith.index_cast %parallel_loop3A_592 : i32 to index
          %parallel_loop3A_609 = arith.constant 48 : index
          %parallel_loop3A_610 = tpu.vector_load %arg9[%parallel_loop3A_608, %parallel_loop3A_609] {strides = array<i32>} : memref<256x128xf32, #tpu.memory_space<vmem>>, vector<1x16xf32>,
          %parallel_loop3A_611 = vector.shape_cast %parallel_loop3A_610 : vector<1x16xf32> to vector<16xf32>
          %parallel_loop3A_612 = arith.addf %parallel_loop3A_591, %parallel_loop3A_611 : vector<16xf32>
          scf.yield %parallel_loop3A_597, %parallel_loop3A_602, %parallel_loop3A_607, %parallel_loop3A_612 : vector<16xf32>, vector<16xf32>, vector<16xf32>, vector<16xf32>
        } {sc.loop_unroll_factor = 8 : i64, sc.parallel_access}
        %sub3A_544 = arith.subi %squeeze3A_540, %while3A_529 : i32
        %max3A_545 = arith.constant 1 : i32
        %max3A_546 = arith.maxsi %sub3A_544, %max3A_545 : i32
        %broadcast_in_dim3A_547 = vector.broadcast %max3A_546 : i32 to vector<16xi32>
        %convert_element_type3A_548 = arith.sitofp %broadcast_in_dim3A_547 : vector<16xi32> to vector<16xf32>
        %div3A_549 = arith.constant 1.000000e+00 : f32
        %div3A_550 = vector.broadcast %div3A_549 : f32 to vector<16xf32>
        %div3A_551 = arith.divf %div3A_550, %convert_element_type3A_548 : vector<16xf32>
        %mul3A_552 = arith.mulf %parallel_loop3A_543#0, %div3A_551 : vector<16xf32>
        %mul3A_553 = arith.constant 64 : i32
        %mul3A_554 = arith.muli %while3A_528, %mul3A_553 : i32
        %add3A_555 = arith.constant 0 : i32
        %add3A_556 = arith.addi %mul3A_554, %add3A_555 : i32
        %swap3A = arith.index_cast %add3A_556 : i32 to index
        %swap3A_557 = tpu.vector_load %arg11[%swap3A] {strides = array<i32>} : memref<32768xf32, #tpu.memory_space<vmem>>, vector<16xf32>,
        %swap3A_558 = vector.shape_cast %swap3A_557 : vector<16xf32> to vector<16xf32>
        %swap3A_559 = vector.shape_cast %mul3A_552 : vector<16xf32> to vector<16xf32>
        tpu.vector_store %arg11[%swap3A], %swap3A_559 {strides = array<i32>} : memref<32768xf32, #tpu.memory_space<vmem>>, vector<16xf32>,
        %mul3A_560 = arith.mulf %parallel_loop3A_543#1, %div3A_551 : vector<16xf32>
        %mul3A_561 = arith.constant 64 : i32
        %mul3A_562 = arith.muli %while3A_528, %mul3A_561 : i32
        %add3A_563 = arith.constant 16 : i32
        %add3A_564 = arith.addi %mul3A_562, %add3A_563 : i32
        %swap3A_565 = arith.index_cast %add3A_564 : i32 to index
        %swap3A_566 = tpu.vector_load %arg11[%swap3A_565] {strides = array<i32>} : memref<32768xf32, #tpu.memory_space<vmem>>, vector<16xf32>,
        %swap3A_567 = vector.shape_cast %swap3A_566 : vector<16xf32> to vector<16xf32>
        %swap3A_568 = vector.shape_cast %mul3A_560 : vector<16xf32> to vector<16xf32>
        tpu.vector_store %arg11[%swap3A_565], %swap3A_568 {strides = array<i32>} : memref<32768xf32, #tpu.memory_space<vmem>>, vector<16xf32>,
        %mul3A_569 = arith.mulf %parallel_loop3A_543#2, %div3A_551 : vector<16xf32>
        %mul3A_570 = arith.constant 64 : i32
        %mul3A_571 = arith.muli %while3A_528, %mul3A_570 : i32
        %add3A_572 = arith.constant 32 : i32
        %add3A_573 = arith.addi %mul3A_571, %add3A_572 : i32
        %swap3A_574 = arith.index_cast %add3A_573 : i32 to index
        %swap3A_575 = tpu.vector_load %arg11[%swap3A_574] {strides = array<i32>} : memref<32768xf32, #tpu.memory_space<vmem>>, vector<16xf32>,
        %swap3A_576 = vector.shape_cast %swap3A_575 : vector<16xf32> to vector<16xf32>
        %swap3A_577 = vector.shape_cast %mul3A_569 : vector<16xf32> to vector<16xf32>
        tpu.vector_store %arg11[%swap3A_574], %swap3A_577 {strides = array<i32>} : memref<32768xf32, #tpu.memory_space<vmem>>, vector<16xf32>,
        %mul3A_578 = arith.mulf %parallel_loop3A_543#3, %div3A_551 : vector<16xf32>
        %mul3A_579 = arith.constant 64 : i32
        %mul3A_580 = arith.muli %while3A_528, %mul3A_579 : i32
        %add3A_581 = arith.constant 48 : i32
        %add3A_582 = arith.addi %mul3A_580, %add3A_581 : i32
        %swap3A_583 = arith.index_cast %add3A_582 : i32 to index
        %swap3A_584 = tpu.vector_load %arg11[%swap3A_583] {strides = array<i32>} : memref<32768xf32, #tpu.memory_space<vmem>>, vector<16xf32>,
        %swap3A_585 = vector.shape_cast %swap3A_584 : vector<16xf32> to vector<16xf32>
        %swap3A_586 = vector.shape_cast %mul3A_578 : vector<16xf32> to vector<16xf32>
        tpu.vector_store %arg11[%swap3A_583], %swap3A_586 {strides = array<i32>} : memref<32768xf32, #tpu.memory_space<vmem>>, vector<16xf32>,
        scf.yield %squeeze3A_540, %broadcast_in_dim3A_90, %broadcast_in_dim3A_90, %broadcast_in_dim3A_90, %broadcast_in_dim3A_90 : i32, vector<16xf32>, vector<16xf32>, vector<16xf32>, vector<16xf32>
      }
      %max3A_388 = arith.maxsi %while3A_387#0, %add3A_358 : i32
      %min3A_389 = arith.minsi %max3A_388, %min3A_361 : i32
      %parallel_loop3A = arith.constant 1 : i32
      %parallel_loop3A_390:4 = scf.for %parallel_loop3A_528 = %min3A_389 to %min3A_361 step %parallel_loop3A iter_args(%parallel_loop3A_529 = %while3A_387#1, %parallel_loop3A_530 = %while3A_387#2, %parallel_loop3A_531 = %while3A_387#3, %parallel_loop3A_532 = %while3A_387#4) -> (vector<16xf32>, vector<16xf32>, vector<16xf32>, vector<16xf32>)  : i32 {
        %parallel_loop3A_533 = arith.subi %parallel_loop3A_528, %min3A_366 : i32
        %parallel_loop3A_534 = arith.index_cast %parallel_loop3A_533 : i32 to index
        %parallel_loop3A_535 = arith.constant 0 : index
        %parallel_loop3A_536 = tpu.vector_load %arg9[%parallel_loop3A_534, %parallel_loop3A_535] {strides = array<i32>} : memref<256x128xf32, #tpu.memory_space<vmem>>, vector<1x16xf32>,
        %parallel_loop3A_537 = vector.shape_cast %parallel_loop3A_536 : vector<1x16xf32> to vector<16xf32>
        %parallel_loop3A_538 = arith.addf %parallel_loop3A_529, %parallel_loop3A_537 : vector<16xf32>
        %parallel_loop3A_539 = arith.index_cast %parallel_loop3A_533 : i32 to index
        %parallel_loop3A_540 = arith.constant 16 : index
        %parallel_loop3A_541 = tpu.vector_load %arg9[%parallel_loop3A_539, %parallel_loop3A_540] {strides = array<i32>} : memref<256x128xf32, #tpu.memory_space<vmem>>, vector<1x16xf32>,
        %parallel_loop3A_542 = vector.shape_cast %parallel_loop3A_541 : vector<1x16xf32> to vector<16xf32>
        %parallel_loop3A_543 = arith.addf %parallel_loop3A_530, %parallel_loop3A_542 : vector<16xf32>
        %parallel_loop3A_544 = arith.index_cast %parallel_loop3A_533 : i32 to index
        %parallel_loop3A_545 = arith.constant 32 : index
        %parallel_loop3A_546 = tpu.vector_load %arg9[%parallel_loop3A_544, %parallel_loop3A_545] {strides = array<i32>} : memref<256x128xf32, #tpu.memory_space<vmem>>, vector<1x16xf32>,
        %parallel_loop3A_547 = vector.shape_cast %parallel_loop3A_546 : vector<1x16xf32> to vector<16xf32>
        %parallel_loop3A_548 = arith.addf %parallel_loop3A_531, %parallel_loop3A_547 : vector<16xf32>
        %parallel_loop3A_549 = arith.index_cast %parallel_loop3A_533 : i32 to index
        %parallel_loop3A_550 = arith.constant 48 : index
        %parallel_loop3A_551 = tpu.vector_load %arg9[%parallel_loop3A_549, %parallel_loop3A_550] {strides = array<i32>} : memref<256x128xf32, #tpu.memory_space<vmem>>, vector<1x16xf32>,
        %parallel_loop3A_552 = vector.shape_cast %parallel_loop3A_551 : vector<1x16xf32> to vector<16xf32>
        %parallel_loop3A_553 = arith.addf %parallel_loop3A_532, %parallel_loop3A_552 : vector<16xf32>
        scf.yield %parallel_loop3A_538, %parallel_loop3A_543, %parallel_loop3A_548, %parallel_loop3A_553 : vector<16xf32>, vector<16xf32>, vector<16xf32>, vector<16xf32>
      } {sc.loop_unroll_factor = 8 : i64, sc.parallel_access}
      %dma_wait3A_391 = arith.constant 0 : i32
      %dma_wait3A_392 = arith.constant 0 : i32
      %dma_wait3A_393 = arith.constant 0 : i32
      %dma_wait3A_394 = tpu.memref_slice %arg10[%dma_wait3A_392, %dma_wait3A_393] : memref<256x128xf32, #tpu.memory_space<vmem>> -> memref<128x128xf32, #tpu.memory_space<vmem>>
      %dma_wait3A_395 = arith.constant 0 : i32
      %dma_wait3A_396 = tpu.memref_slice %arg8[%dma_wait3A_391, %dma_wait3A_395] : memref<8x128xi32, #tpu.memory_space<vmem>> -> memref<1x128xi32, #tpu.memory_space<vmem>>
      %dma_wait3A_397 = tpu.memref_squeeze %dma_wait3A_396 : memref<1x128xi32, #tpu.memory_space<vmem>> -> memref<128xi32, #tpu.memory_space<vmem>>
      %dma_wait3A_398 = arith.constant 0 : i32
      %dma_wait3A_399 = arith.constant 0 : i32
      %dma_wait3A_400 = tpu.memref_slice %arg4[%dma_wait3A_398, %dma_wait3A_399] : memref<1000000x128xf32, #tpu.memory_space<hbm>> -> memref<1000000x128xf32, #tpu.memory_space<hbm>>
      tpu.wait_indirect_dma semaphore(%arg13 : memref<!tpu.dma_semaphore, #tpu.memory_space<semaphore_mem>>) src(%dma_wait3A_400 : memref<1000000x128xf32, #tpu.memory_space<hbm>>) dst(%dma_wait3A_394 : memref<128x128xf32, #tpu.memory_space<vmem>>)
      %dma_wait3A_401 = arith.constant 1 : i32
      %dma_wait3A_402 = arith.constant 128 : i32
      %dma_wait3A_403 = arith.constant 0 : i32
      %dma_wait3A_404 = tpu.memref_slice %arg10[%dma_wait3A_402, %dma_wait3A_403] : memref<256x128xf32, #tpu.memory_space<vmem>> -> memref<128x128xf32, #tpu.memory_space<vmem>>
      %dma_wait3A_405 = arith.constant 0 : i32
      %dma_wait3A_406 = tpu.memref_slice %arg8[%dma_wait3A_401, %dma_wait3A_405] : memref<8x128xi32, #tpu.memory_space<vmem>> -> memref<1x128xi32, #tpu.memory_space<vmem>>
      %dma_wait3A_407 = tpu.memref_squeeze %dma_wait3A_406 : memref<1x128xi32, #tpu.memory_space<vmem>> -> memref<128xi32, #tpu.memory_space<vmem>>
      %dma_wait3A_408 = arith.constant 0 : i32
      %dma_wait3A_409 = arith.constant 0 : i32
      %dma_wait3A_410 = tpu.memref_slice %arg4[%dma_wait3A_408, %dma_wait3A_409] : memref<1000000x128xf32, #tpu.memory_space<hbm>> -> memref<1000000x128xf32, #tpu.memory_space<hbm>>
      tpu.wait_indirect_dma semaphore(%arg13 : memref<!tpu.dma_semaphore, #tpu.memory_space<semaphore_mem>>) src(%dma_wait3A_410 : memref<1000000x128xf32, #tpu.memory_space<hbm>>) dst(%dma_wait3A_404 : memref<128x128xf32, #tpu.memory_space<vmem>>)
      %add3A_411 = arith.constant 2 : i32
      %add3A_412 = arith.addi %mul3A_257, %add3A_411 : i32
      %mul3A_413 = arith.constant 256 : i32
      %mul3A_414 = arith.muli %add3A_412, %mul3A_413 : i32
      %add3A_415 = arith.addi %mul3A_33, %mul3A_414 : i32
      %min3A_416 = arith.constant 163584 : i32
      %min3A_417 = arith.minsi %add3A_415, %min3A_416 : i32
      %add3A_418 = arith.constant 0 : i32
      %add3A_419 = arith.addi %min3A_417, %add3A_418 : i32
      %dma_wait3A_420 = arith.constant 0 : i32
      %dma_wait3A_421 = arith.constant 0 : i32
      %dma_wait3A_422 = tpu.memref_slice %arg7[%dma_wait3A_420, %dma_wait3A_421] : memref<8x128xi32, #tpu.memory_space<vmem>> -> memref<1x128xi32, #tpu.memory_space<vmem>>
      %dma_wait3A_423 = tpu.memref_squeeze %dma_wait3A_422 : memref<1x128xi32, #tpu.memory_space<vmem>> -> memref<128xi32, #tpu.memory_space<vmem>>
      %dma_wait3A_424 = tpu.memref_slice %arg2[%add3A_419] : memref<163840xi32, #tpu.memory_space<hbm>> -> memref<128xi32, #tpu.memory_space<hbm>>
      %dma_wait3A_425 = arith.constant 0 : i32
      %dma_wait3A_426 = tpu.memref_slice %arg7[%dma_wait3A_420, %dma_wait3A_425] : memref<8x128xi32, #tpu.memory_space<vmem>> -> memref<1x128xi32, #tpu.memory_space<vmem>>
      %dma_wait3A_427 = tpu.memref_squeeze %dma_wait3A_426 : memref<1x128xi32, #tpu.memory_space<vmem>> -> memref<128xi32, #tpu.memory_space<vmem>>
      %dma_wait3A_428 = tpu.memref_slice %arg2[%add3A_419] : memref<163840xi32, #tpu.memory_space<hbm>> -> memref<128xi32, #tpu.memory_space<hbm>>
      tpu.wait_dma2 semaphore(%arg14 : memref<!tpu.dma_semaphore, #tpu.memory_space<semaphore_mem>>) src(%dma_wait3A_428 : memref<128xi32, #tpu.memory_space<hbm>>) dst(%dma_wait3A_427 : memref<128xi32, #tpu.memory_space<vmem>>)
      %add3A_429 = arith.constant 128 : i32
      %add3A_430 = arith.addi %min3A_417, %add3A_429 : i32
      %dma_wait3A_431 = arith.constant 1 : i32
      %dma_wait3A_432 = arith.constant 0 : i32
      %dma_wait3A_433 = tpu.memref_slice %arg7[%dma_wait3A_431, %dma_wait3A_432] : memref<8x128xi32, #tpu.memory_space<vmem>> -> memref<1x128xi32, #tpu.memory_space<vmem>>
      %dma_wait3A_434 = tpu.memref_squeeze %dma_wait3A_433 : memref<1x128xi32, #tpu.memory_space<vmem>> -> memref<128xi32, #tpu.memory_space<vmem>>
      %dma_wait3A_435 = tpu.memref_slice %arg2[%add3A_430] : memref<163840xi32, #tpu.memory_space<hbm>> -> memref<128xi32, #tpu.memory_space<hbm>>
      %dma_wait3A_436 = arith.constant 0 : i32
      %dma_wait3A_437 = tpu.memref_slice %arg7[%dma_wait3A_431, %dma_wait3A_436] : memref<8x128xi32, #tpu.memory_space<vmem>> -> memref<1x128xi32, #tpu.memory_space<vmem>>
      %dma_wait3A_438 = tpu.memref_squeeze %dma_wait3A_437 : memref<1x128xi32, #tpu.memory_space<vmem>> -> memref<128xi32, #tpu.memory_space<vmem>>
      %dma_wait3A_439 = tpu.memref_slice %arg2[%add3A_430] : memref<163840xi32, #tpu.memory_space<hbm>> -> memref<128xi32, #tpu.memory_space<hbm>>
      tpu.wait_dma2 semaphore(%arg14 : memref<!tpu.dma_semaphore, #tpu.memory_space<semaphore_mem>>) src(%dma_wait3A_439 : memref<128xi32, #tpu.memory_space<hbm>>) dst(%dma_wait3A_438 : memref<128xi32, #tpu.memory_space<vmem>>)
      %dma_start3A_440 = arith.constant 0 : i32
      %dma_start3A_441 = arith.constant 0 : i32
      %dma_start3A_442 = arith.constant 0 : i32
      %dma_start3A_443 = tpu.memref_slice %arg9[%dma_start3A_441, %dma_start3A_442] : memref<256x128xf32, #tpu.memory_space<vmem>> -> memref<128x128xf32, #tpu.memory_space<vmem>>
      %dma_start3A_444 = arith.constant 0 : i32
      %dma_start3A_445 = tpu.memref_slice %arg7[%dma_start3A_440, %dma_start3A_444] : memref<8x128xi32, #tpu.memory_space<vmem>> -> memref<1x128xi32, #tpu.memory_space<vmem>>
      %dma_start3A_446 = tpu.memref_squeeze %dma_start3A_445 : memref<1x128xi32, #tpu.memory_space<vmem>> -> memref<128xi32, #tpu.memory_space<vmem>>
      %dma_start3A_447 = arith.constant 0 : i32
      %dma_start3A_448 = arith.constant 0 : i32
      %dma_start3A_449 = tpu.memref_slice %arg4[%dma_start3A_447, %dma_start3A_448] : memref<1000000x128xf32, #tpu.memory_space<hbm>> -> memref<1000000x128xf32, #tpu.memory_space<hbm>>
      tpu.enqueue_indirect_dma source(%dma_start3A_449 : memref<1000000x128xf32, #tpu.memory_space<hbm>>) target(%dma_start3A_443 : memref<128x128xf32, #tpu.memory_space<vmem>>) offsets(%dma_start3A_446 : memref<128xi32, #tpu.memory_space<vmem>>) semaphore(%arg12 : memref<!tpu.dma_semaphore, #tpu.memory_space<semaphore_mem>>)
      %dma_start3A_450 = arith.constant 1 : i32
      %dma_start3A_451 = arith.constant 128 : i32
      %dma_start3A_452 = arith.constant 0 : i32
      %dma_start3A_453 = tpu.memref_slice %arg9[%dma_start3A_451, %dma_start3A_452] : memref<256x128xf32, #tpu.memory_space<vmem>> -> memref<128x128xf32, #tpu.memory_space<vmem>>
      %dma_start3A_454 = arith.constant 0 : i32
      %dma_start3A_455 = tpu.memref_slice %arg7[%dma_start3A_450, %dma_start3A_454] : memref<8x128xi32, #tpu.memory_space<vmem>> -> memref<1x128xi32, #tpu.memory_space<vmem>>
      %dma_start3A_456 = tpu.memref_squeeze %dma_start3A_455 : memref<1x128xi32, #tpu.memory_space<vmem>> -> memref<128xi32, #tpu.memory_space<vmem>>
      %dma_start3A_457 = arith.constant 0 : i32
      %dma_start3A_458 = arith.constant 0 : i32
      %dma_start3A_459 = tpu.memref_slice %arg4[%dma_start3A_457, %dma_start3A_458] : memref<1000000x128xf32, #tpu.memory_space<hbm>> -> memref<1000000x128xf32, #tpu.memory_space<hbm>>
      tpu.enqueue_indirect_dma source(%dma_start3A_459 : memref<1000000x128xf32, #tpu.memory_space<hbm>>) target(%dma_start3A_453 : memref<128x128xf32, #tpu.memory_space<vmem>>) offsets(%dma_start3A_456 : memref<128xi32, #tpu.memory_space<vmem>>) semaphore(%arg12 : memref<!tpu.dma_semaphore, #tpu.memory_space<semaphore_mem>>)
      %add3A_460 = arith.constant 3 : i32
      %add3A_461 = arith.addi %mul3A_257, %add3A_460 : i32
      %mul3A_462 = arith.constant 256 : i32
      %mul3A_463 = arith.muli %add3A_461, %mul3A_462 : i32
      %add3A_464 = arith.addi %mul3A_33, %mul3A_463 : i32
      %min3A_465 = arith.constant 163584 : i32
      %min3A_466 = arith.minsi %add3A_464, %min3A_465 : i32
      %add3A_467 = arith.constant 0 : i32
      %add3A_468 = arith.addi %min3A_466, %add3A_467 : i32
      %dma_start3A_469 = arith.constant 0 : i32
      %dma_start3A_470 = arith.constant 0 : i32
      %dma_start3A_471 = tpu.memref_slice %arg8[%dma_start3A_469, %dma_start3A_470] : memref<8x128xi32, #tpu.memory_space<vmem>> -> memref<1x128xi32, #tpu.memory_space<vmem>>
      %dma_start3A_472 = tpu.memref_squeeze %dma_start3A_471 : memref<1x128xi32, #tpu.memory_space<vmem>> -> memref<128xi32, #tpu.memory_space<vmem>>
      %dma_start3A_473 = tpu.memref_slice %arg2[%add3A_468] : memref<163840xi32, #tpu.memory_space<hbm>> -> memref<128xi32, #tpu.memory_space<hbm>>
      %dma_start3A_474 = arith.constant 0 : i32
      %dma_start3A_475 = tpu.memref_slice %arg8[%dma_start3A_469, %dma_start3A_474] : memref<8x128xi32, #tpu.memory_space<vmem>> -> memref<1x128xi32, #tpu.memory_space<vmem>>
      %dma_start3A_476 = tpu.memref_squeeze %dma_start3A_475 : memref<1x128xi32, #tpu.memory_space<vmem>> -> memref<128xi32, #tpu.memory_space<vmem>>
      %dma_start3A_477 = tpu.memref_slice %arg2[%add3A_468] : memref<163840xi32, #tpu.memory_space<hbm>> -> memref<128xi32, #tpu.memory_space<hbm>>
      tpu.enqueue_dma source(%dma_start3A_477 : memref<128xi32, #tpu.memory_space<hbm>>) target(%dma_start3A_476 : memref<128xi32, #tpu.memory_space<vmem>>) target_semaphore(%arg15 : memref<!tpu.dma_semaphore, #tpu.memory_space<semaphore_mem>>)
      %add3A_478 = arith.constant 128 : i32
      %add3A_479 = arith.addi %min3A_466, %add3A_478 : i32
      %dma_start3A_480 = arith.constant 1 : i32
      %dma_start3A_481 = arith.constant 0 : i32
      %dma_start3A_482 = tpu.memref_slice %arg8[%dma_start3A_480, %dma_start3A_481] : memref<8x128xi32, #tpu.memory_space<vmem>> -> memref<1x128xi32, #tpu.memory_space<vmem>>
      %dma_start3A_483 = tpu.memref_squeeze %dma_start3A_482 : memref<1x128xi32, #tpu.memory_space<vmem>> -> memref<128xi32, #tpu.memory_space<vmem>>
      %dma_start3A_484 = tpu.memref_slice %arg2[%add3A_479] : memref<163840xi32, #tpu.memory_space<hbm>> -> memref<128xi32, #tpu.memory_space<hbm>>
      %dma_start3A_485 = arith.constant 0 : i32
      %dma_start3A_486 = tpu.memref_slice %arg8[%dma_start3A_480, %dma_start3A_485] : memref<8x128xi32, #tpu.memory_space<vmem>> -> memref<1x128xi32, #tpu.memory_space<vmem>>
      %dma_start3A_487 = tpu.memref_squeeze %dma_start3A_486 : memref<1x128xi32, #tpu.memory_space<vmem>> -> memref<128xi32, #tpu.memory_space<vmem>>
      %dma_start3A_488 = tpu.memref_slice %arg2[%add3A_479] : memref<163840xi32, #tpu.memory_space<hbm>> -> memref<128xi32, #tpu.memory_space<hbm>>
      tpu.enqueue_dma source(%dma_start3A_488 : memref<128xi32, #tpu.memory_space<hbm>>) target(%dma_start3A_487 : memref<128xi32, #tpu.memory_space<vmem>>) target_semaphore(%arg15 : memref<!tpu.dma_semaphore, #tpu.memory_space<semaphore_mem>>)
      %add3A_489 = arith.constant 1 : i32
      %add3A_490 = arith.addi %mul3A_257, %add3A_489 : i32
      %mul3A_491 = arith.constant 256 : i32
      %mul3A_492 = arith.muli %add3A_490, %mul3A_491 : i32
      %add3A_493 = arith.addi %mul3A_33, %mul3A_492 : i32
      %add3A_494 = arith.constant 256 : i32
      %add3A_495 = arith.addi %add3A_493, %add3A_494 : i32
      %min3A_496 = arith.minsi %add3A_495, %squeeze3A_15 : i32
      %mul3A_497 = arith.constant 256 : i32
      %mul3A_498 = arith.muli %add3A_490, %mul3A_497 : i32
      %add3A_499 = arith.addi %mul3A_33, %mul3A_498 : i32
      %min3A_500 = arith.constant 163584 : i32
      %min3A_501 = arith.minsi %add3A_499, %min3A_500 : i32
      %scan3A_502 = arith.constant 512 : i32
      %scan3A_503 = arith.constant 0 : i32
      %scan3A_504 = arith.constant 10 : i32
      %scan3A_505 = arith.addi %scan3A_503, %scan3A_504 : i32
      %scan3A_506 = arith.constant 1 : i32
      %scan3A_507:2 = scf.for %scan3A_528 = %scan3A_503 to %scan3A_505 step %scan3A_506 iter_args(%scan3A_529 = %scan3A_371#0, %scan3A_530 = %scan3A_502) -> (i32, i32)  : i32 {
        %add3A_531 = arith.addi %scan3A_529, %scan3A_530 : i32
        %add3A_532 = arith.constant 1 : i32
        %add3A_533 = arith.addi %add3A_531, %add3A_532 : i32
        %jit3A_534 = arith.constant 2 : i32
        %div3A_535 = arith.divsi %add3A_533, %jit3A_534 : i32
        %sign3A_536 = arith.constant 0 : i32
        %sign3A_537 = arith.cmpi sgt, %add3A_533, %sign3A_536 : i32
        %sign3A_538 = arith.extui %sign3A_537 : i1 to i32
        %sign3A_539 = arith.constant 0 : i32
        %sign3A_540 = arith.cmpi slt, %add3A_533, %sign3A_539 : i32
        %sign3A_541 = arith.extui %sign3A_540 : i1 to i32
        %sign3A_542 = arith.subi %sign3A_538, %sign3A_541 : i32
        %sign3A_543 = arith.constant 0 : i32
        %sign3A_544 = arith.cmpi sgt, %jit3A_534, %sign3A_543 : i32
        %sign3A_545 = arith.extui %sign3A_544 : i1 to i32
        %sign3A_546 = arith.constant 0 : i32
        %sign3A_547 = arith.cmpi slt, %jit3A_534, %sign3A_546 : i32
        %sign3A_548 = arith.extui %sign3A_547 : i1 to i32
        %sign3A_549 = arith.subi %sign3A_545, %sign3A_548 : i32
        %ne3A_550 = arith.cmpi ne, %sign3A_542, %sign3A_549 : i32
        %rem3A_551 = arith.remsi %add3A_533, %jit3A_534 : i32
        %ne3A_552 = arith.constant 0 : i32
        %ne3A_553 = arith.cmpi ne, %rem3A_551, %ne3A_552 : i32
        %and3A_554 = arith.andi %ne3A_550, %ne3A_553 : i1
        %sub3A_555 = arith.constant 1 : i32
        %sub3A_556 = arith.subi %div3A_535, %sub3A_555 : i32
        %select_n3A_557 = arith.select %and3A_554, %sub3A_556, %div3A_535 : i32
        %get3A_558 = arith.index_cast %select_n3A_557 : i32 to index
        %get3A_559 = tpu.vector_load %arg6[%get3A_558] {strides = array<i32>} : memref<536xi32, #tpu.memory_space<vmem>>, vector<16xi32>,
        %get3A_560 = vector.shape_cast %get3A_559 : vector<16xi32> to vector<16xi32>
        %slice3A_561 = vector.extract_strided_slice %get3A_560 {offsets = [0], sizes = [1], strides = [1]} : vector<16xi32> to vector<1xi32>
        %squeeze3A_562 = vector.extract %slice3A_561[0] : i32 from vector<1xi32>
        %le3A = arith.cmpi sle, %squeeze3A_562, %min3A_496 : i32
        %select_n3A_563 = arith.select %le3A, %select_n3A_557, %scan3A_529 : i32
        %sub3A_564 = arith.constant 1 : i32
        %sub3A_565 = arith.subi %select_n3A_557, %sub3A_564 : i32
        %select_n3A_566 = arith.select %le3A, %scan3A_530, %sub3A_565 : i32
        scf.yield %select_n3A_563, %select_n3A_566 : i32, i32
      }
      %scan3A_508 = arith.constant 10 : i32
      %get3A_509 = arith.index_cast %scan3A_371#0 : i32 to index
      %get3A_510 = tpu.vector_load %arg6[%get3A_509] {strides = array<i32>} : memref<536xi32, #tpu.memory_space<vmem>>, vector<16xi32>,
      %get3A_511 = vector.shape_cast %get3A_510 : vector<16xi32> to vector<16xi32>
      %slice3A_512 = vector.extract_strided_slice %get3A_511 {offsets = [0], sizes = [1], strides = [1]} : vector<16xi32> to vector<1xi32>
      %squeeze3A_513 = vector.extract %slice3A_512[0] : i32 from vector<1xi32>
      %while3A_514 = arith.subi %scan3A_507#0, %scan3A_371#0 : i32
      %while3A_515 = arith.addi %scan3A_371#0, %while3A_514 : i32
      %while3A_516 = arith.constant 1 : i32
      %while3A_517 = arith.divsi %while3A_514, %while3A_516 : i32
      %while3A_518 = arith.muli %while3A_517, %while3A_516 : i32
      %while3A_519 = arith.addi %scan3A_371#0, %while3A_518 : i32
      %while3A_520 = arith.constant 1 : i32
      %while3A_521:5 = scf.for %while3A_528 = %scan3A_371#0 to %while3A_519 step %while3A_520 iter_args(%while3A_529 = %squeeze3A_513, %while3A_530 = %parallel_loop3A_390#0, %while3A_531 = %parallel_loop3A_390#1, %while3A_532 = %parallel_loop3A_390#2, %while3A_533 = %parallel_loop3A_390#3) -> (i32, vector<16xf32>, vector<16xf32>, vector<16xf32>, vector<16xf32>)  : i32 {
        %add3A_534 = arith.constant 1 : i32
        %add3A_535 = arith.addi %while3A_528, %add3A_534 : i32
        %get3A_536 = arith.index_cast %add3A_535 : i32 to index
        %get3A_537 = tpu.vector_load %arg6[%get3A_536] {strides = array<i32>} : memref<536xi32, #tpu.memory_space<vmem>>, vector<16xi32>,
        %get3A_538 = vector.shape_cast %get3A_537 : vector<16xi32> to vector<16xi32>
        %slice3A_539 = vector.extract_strided_slice %get3A_538 {offsets = [0], sizes = [1], strides = [1]} : vector<16xi32> to vector<1xi32>
        %squeeze3A_540 = vector.extract %slice3A_539[0] : i32 from vector<1xi32>
        %max3A_541 = arith.maxsi %while3A_529, %add3A_493 : i32
        %parallel_loop3A_542 = arith.constant 1 : i32
        %parallel_loop3A_543:4 = scf.for %parallel_loop3A_587 = %max3A_541 to %squeeze3A_540 step %parallel_loop3A_542 iter_args(%parallel_loop3A_588 = %while3A_530, %parallel_loop3A_589 = %while3A_531, %parallel_loop3A_590 = %while3A_532, %parallel_loop3A_591 = %while3A_533) -> (vector<16xf32>, vector<16xf32>, vector<16xf32>, vector<16xf32>)  : i32 {
          %parallel_loop3A_592 = arith.subi %parallel_loop3A_587, %min3A_501 : i32
          %parallel_loop3A_593 = arith.index_cast %parallel_loop3A_592 : i32 to index
          %parallel_loop3A_594 = arith.constant 0 : index
          %parallel_loop3A_595 = tpu.vector_load %arg10[%parallel_loop3A_593, %parallel_loop3A_594] {strides = array<i32>} : memref<256x128xf32, #tpu.memory_space<vmem>>, vector<1x16xf32>,
          %parallel_loop3A_596 = vector.shape_cast %parallel_loop3A_595 : vector<1x16xf32> to vector<16xf32>
          %parallel_loop3A_597 = arith.addf %parallel_loop3A_588, %parallel_loop3A_596 : vector<16xf32>
          %parallel_loop3A_598 = arith.index_cast %parallel_loop3A_592 : i32 to index
          %parallel_loop3A_599 = arith.constant 16 : index
          %parallel_loop3A_600 = tpu.vector_load %arg10[%parallel_loop3A_598, %parallel_loop3A_599] {strides = array<i32>} : memref<256x128xf32, #tpu.memory_space<vmem>>, vector<1x16xf32>,
          %parallel_loop3A_601 = vector.shape_cast %parallel_loop3A_600 : vector<1x16xf32> to vector<16xf32>
          %parallel_loop3A_602 = arith.addf %parallel_loop3A_589, %parallel_loop3A_601 : vector<16xf32>
          %parallel_loop3A_603 = arith.index_cast %parallel_loop3A_592 : i32 to index
          %parallel_loop3A_604 = arith.constant 32 : index
          %parallel_loop3A_605 = tpu.vector_load %arg10[%parallel_loop3A_603, %parallel_loop3A_604] {strides = array<i32>} : memref<256x128xf32, #tpu.memory_space<vmem>>, vector<1x16xf32>,
          %parallel_loop3A_606 = vector.shape_cast %parallel_loop3A_605 : vector<1x16xf32> to vector<16xf32>
          %parallel_loop3A_607 = arith.addf %parallel_loop3A_590, %parallel_loop3A_606 : vector<16xf32>
          %parallel_loop3A_608 = arith.index_cast %parallel_loop3A_592 : i32 to index
          %parallel_loop3A_609 = arith.constant 48 : index
          %parallel_loop3A_610 = tpu.vector_load %arg10[%parallel_loop3A_608, %parallel_loop3A_609] {strides = array<i32>} : memref<256x128xf32, #tpu.memory_space<vmem>>, vector<1x16xf32>,
          %parallel_loop3A_611 = vector.shape_cast %parallel_loop3A_610 : vector<1x16xf32> to vector<16xf32>
          %parallel_loop3A_612 = arith.addf %parallel_loop3A_591, %parallel_loop3A_611 : vector<16xf32>
          scf.yield %parallel_loop3A_597, %parallel_loop3A_602, %parallel_loop3A_607, %parallel_loop3A_612 : vector<16xf32>, vector<16xf32>, vector<16xf32>, vector<16xf32>
        } {sc.loop_unroll_factor = 8 : i64, sc.parallel_access}
        %sub3A_544 = arith.subi %squeeze3A_540, %while3A_529 : i32
        %max3A_545 = arith.constant 1 : i32
        %max3A_546 = arith.maxsi %sub3A_544, %max3A_545 : i32
        %broadcast_in_dim3A_547 = vector.broadcast %max3A_546 : i32 to vector<16xi32>
        %convert_element_type3A_548 = arith.sitofp %broadcast_in_dim3A_547 : vector<16xi32> to vector<16xf32>
        %div3A_549 = arith.constant 1.000000e+00 : f32
        %div3A_550 = vector.broadcast %div3A_549 : f32 to vector<16xf32>
        %div3A_551 = arith.divf %div3A_550, %convert_element_type3A_548 : vector<16xf32>
        %mul3A_552 = arith.mulf %parallel_loop3A_543#0, %div3A_551 : vector<16xf32>
        %mul3A_553 = arith.constant 64 : i32
        %mul3A_554 = arith.muli %while3A_528, %mul3A_553 : i32
        %add3A_555 = arith.constant 0 : i32
        %add3A_556 = arith.addi %mul3A_554, %add3A_555 : i32
        %swap3A = arith.index_cast %add3A_556 : i32 to index
        %swap3A_557 = tpu.vector_load %arg11[%swap3A] {strides = array<i32>} : memref<32768xf32, #tpu.memory_space<vmem>>, vector<16xf32>,
        %swap3A_558 = vector.shape_cast %swap3A_557 : vector<16xf32> to vector<16xf32>
        %swap3A_559 = vector.shape_cast %mul3A_552 : vector<16xf32> to vector<16xf32>
        tpu.vector_store %arg11[%swap3A], %swap3A_559 {strides = array<i32>} : memref<32768xf32, #tpu.memory_space<vmem>>, vector<16xf32>,
        %mul3A_560 = arith.mulf %parallel_loop3A_543#1, %div3A_551 : vector<16xf32>
        %mul3A_561 = arith.constant 64 : i32
        %mul3A_562 = arith.muli %while3A_528, %mul3A_561 : i32
        %add3A_563 = arith.constant 16 : i32
        %add3A_564 = arith.addi %mul3A_562, %add3A_563 : i32
        %swap3A_565 = arith.index_cast %add3A_564 : i32 to index
        %swap3A_566 = tpu.vector_load %arg11[%swap3A_565] {strides = array<i32>} : memref<32768xf32, #tpu.memory_space<vmem>>, vector<16xf32>,
        %swap3A_567 = vector.shape_cast %swap3A_566 : vector<16xf32> to vector<16xf32>
        %swap3A_568 = vector.shape_cast %mul3A_560 : vector<16xf32> to vector<16xf32>
        tpu.vector_store %arg11[%swap3A_565], %swap3A_568 {strides = array<i32>} : memref<32768xf32, #tpu.memory_space<vmem>>, vector<16xf32>,
        %mul3A_569 = arith.mulf %parallel_loop3A_543#2, %div3A_551 : vector<16xf32>
        %mul3A_570 = arith.constant 64 : i32
        %mul3A_571 = arith.muli %while3A_528, %mul3A_570 : i32
        %add3A_572 = arith.constant 32 : i32
        %add3A_573 = arith.addi %mul3A_571, %add3A_572 : i32
        %swap3A_574 = arith.index_cast %add3A_573 : i32 to index
        %swap3A_575 = tpu.vector_load %arg11[%swap3A_574] {strides = array<i32>} : memref<32768xf32, #tpu.memory_space<vmem>>, vector<16xf32>,
        %swap3A_576 = vector.shape_cast %swap3A_575 : vector<16xf32> to vector<16xf32>
        %swap3A_577 = vector.shape_cast %mul3A_569 : vector<16xf32> to vector<16xf32>
        tpu.vector_store %arg11[%swap3A_574], %swap3A_577 {strides = array<i32>} : memref<32768xf32, #tpu.memory_space<vmem>>, vector<16xf32>,
        %mul3A_578 = arith.mulf %parallel_loop3A_543#3, %div3A_551 : vector<16xf32>
        %mul3A_579 = arith.constant 64 : i32
        %mul3A_580 = arith.muli %while3A_528, %mul3A_579 : i32
        %add3A_581 = arith.constant 48 : i32
        %add3A_582 = arith.addi %mul3A_580, %add3A_581 : i32
        %swap3A_583 = arith.index_cast %add3A_582 : i32 to index
        %swap3A_584 = tpu.vector_load %arg11[%swap3A_583] {strides = array<i32>} : memref<32768xf32, #tpu.memory_space<vmem>>, vector<16xf32>,
        %swap3A_585 = vector.shape_cast %swap3A_584 : vector<16xf32> to vector<16xf32>
        %swap3A_586 = vector.shape_cast %mul3A_578 : vector<16xf32> to vector<16xf32>
        tpu.vector_store %arg11[%swap3A_583], %swap3A_586 {strides = array<i32>} : memref<32768xf32, #tpu.memory_space<vmem>>, vector<16xf32>,
        scf.yield %squeeze3A_540, %broadcast_in_dim3A_90, %broadcast_in_dim3A_90, %broadcast_in_dim3A_90, %broadcast_in_dim3A_90 : i32, vector<16xf32>, vector<16xf32>, vector<16xf32>, vector<16xf32>
      }
      %while3A_522 = arith.constant 1 : i32
      %while3A_523:5 = scf.for %while3A_528 = %while3A_519 to %while3A_515 step %while3A_522 iter_args(%while3A_529 = %while3A_521#0, %while3A_530 = %while3A_521#1, %while3A_531 = %while3A_521#2, %while3A_532 = %while3A_521#3, %while3A_533 = %while3A_521#4) -> (i32, vector<16xf32>, vector<16xf32>, vector<16xf32>, vector<16xf32>)  : i32 {
        %add3A_534 = arith.constant 1 : i32
        %add3A_535 = arith.addi %while3A_528, %add3A_534 : i32
        %get3A_536 = arith.index_cast %add3A_535 : i32 to index
        %get3A_537 = tpu.vector_load %arg6[%get3A_536] {strides = array<i32>} : memref<536xi32, #tpu.memory_space<vmem>>, vector<16xi32>,
        %get3A_538 = vector.shape_cast %get3A_537 : vector<16xi32> to vector<16xi32>
        %slice3A_539 = vector.extract_strided_slice %get3A_538 {offsets = [0], sizes = [1], strides = [1]} : vector<16xi32> to vector<1xi32>
        %squeeze3A_540 = vector.extract %slice3A_539[0] : i32 from vector<1xi32>
        %max3A_541 = arith.maxsi %while3A_529, %add3A_493 : i32
        %parallel_loop3A_542 = arith.constant 1 : i32
        %parallel_loop3A_543:4 = scf.for %parallel_loop3A_587 = %max3A_541 to %squeeze3A_540 step %parallel_loop3A_542 iter_args(%parallel_loop3A_588 = %while3A_530, %parallel_loop3A_589 = %while3A_531, %parallel_loop3A_590 = %while3A_532, %parallel_loop3A_591 = %while3A_533) -> (vector<16xf32>, vector<16xf32>, vector<16xf32>, vector<16xf32>)  : i32 {
          %parallel_loop3A_592 = arith.subi %parallel_loop3A_587, %min3A_501 : i32
          %parallel_loop3A_593 = arith.index_cast %parallel_loop3A_592 : i32 to index
          %parallel_loop3A_594 = arith.constant 0 : index
          %parallel_loop3A_595 = tpu.vector_load %arg10[%parallel_loop3A_593, %parallel_loop3A_594] {strides = array<i32>} : memref<256x128xf32, #tpu.memory_space<vmem>>, vector<1x16xf32>,
          %parallel_loop3A_596 = vector.shape_cast %parallel_loop3A_595 : vector<1x16xf32> to vector<16xf32>
          %parallel_loop3A_597 = arith.addf %parallel_loop3A_588, %parallel_loop3A_596 : vector<16xf32>
          %parallel_loop3A_598 = arith.index_cast %parallel_loop3A_592 : i32 to index
          %parallel_loop3A_599 = arith.constant 16 : index
          %parallel_loop3A_600 = tpu.vector_load %arg10[%parallel_loop3A_598, %parallel_loop3A_599] {strides = array<i32>} : memref<256x128xf32, #tpu.memory_space<vmem>>, vector<1x16xf32>,
          %parallel_loop3A_601 = vector.shape_cast %parallel_loop3A_600 : vector<1x16xf32> to vector<16xf32>
          %parallel_loop3A_602 = arith.addf %parallel_loop3A_589, %parallel_loop3A_601 : vector<16xf32>
          %parallel_loop3A_603 = arith.index_cast %parallel_loop3A_592 : i32 to index
          %parallel_loop3A_604 = arith.constant 32 : index
          %parallel_loop3A_605 = tpu.vector_load %arg10[%parallel_loop3A_603, %parallel_loop3A_604] {strides = array<i32>} : memref<256x128xf32, #tpu.memory_space<vmem>>, vector<1x16xf32>,
          %parallel_loop3A_606 = vector.shape_cast %parallel_loop3A_605 : vector<1x16xf32> to vector<16xf32>
          %parallel_loop3A_607 = arith.addf %parallel_loop3A_590, %parallel_loop3A_606 : vector<16xf32>
          %parallel_loop3A_608 = arith.index_cast %parallel_loop3A_592 : i32 to index
          %parallel_loop3A_609 = arith.constant 48 : index
          %parallel_loop3A_610 = tpu.vector_load %arg10[%parallel_loop3A_608, %parallel_loop3A_609] {strides = array<i32>} : memref<256x128xf32, #tpu.memory_space<vmem>>, vector<1x16xf32>,
          %parallel_loop3A_611 = vector.shape_cast %parallel_loop3A_610 : vector<1x16xf32> to vector<16xf32>
          %parallel_loop3A_612 = arith.addf %parallel_loop3A_591, %parallel_loop3A_611 : vector<16xf32>
          scf.yield %parallel_loop3A_597, %parallel_loop3A_602, %parallel_loop3A_607, %parallel_loop3A_612 : vector<16xf32>, vector<16xf32>, vector<16xf32>, vector<16xf32>
        } {sc.loop_unroll_factor = 8 : i64, sc.parallel_access}
        %sub3A_544 = arith.subi %squeeze3A_540, %while3A_529 : i32
        %max3A_545 = arith.constant 1 : i32
        %max3A_546 = arith.maxsi %sub3A_544, %max3A_545 : i32
        %broadcast_in_dim3A_547 = vector.broadcast %max3A_546 : i32 to vector<16xi32>
        %convert_element_type3A_548 = arith.sitofp %broadcast_in_dim3A_547 : vector<16xi32> to vector<16xf32>
        %div3A_549 = arith.constant 1.000000e+00 : f32
        %div3A_550 = vector.broadcast %div3A_549 : f32 to vector<16xf32>
        %div3A_551 = arith.divf %div3A_550, %convert_element_type3A_548 : vector<16xf32>
        %mul3A_552 = arith.mulf %parallel_loop3A_543#0, %div3A_551 : vector<16xf32>
        %mul3A_553 = arith.constant 64 : i32
        %mul3A_554 = arith.muli %while3A_528, %mul3A_553 : i32
        %add3A_555 = arith.constant 0 : i32
        %add3A_556 = arith.addi %mul3A_554, %add3A_555 : i32
        %swap3A = arith.index_cast %add3A_556 : i32 to index
        %swap3A_557 = tpu.vector_load %arg11[%swap3A] {strides = array<i32>} : memref<32768xf32, #tpu.memory_space<vmem>>, vector<16xf32>,
        %swap3A_558 = vector.shape_cast %swap3A_557 : vector<16xf32> to vector<16xf32>
        %swap3A_559 = vector.shape_cast %mul3A_552 : vector<16xf32> to vector<16xf32>
        tpu.vector_store %arg11[%swap3A], %swap3A_559 {strides = array<i32>} : memref<32768xf32, #tpu.memory_space<vmem>>, vector<16xf32>,
        %mul3A_560 = arith.mulf %parallel_loop3A_543#1, %div3A_551 : vector<16xf32>
        %mul3A_561 = arith.constant 64 : i32
        %mul3A_562 = arith.muli %while3A_528, %mul3A_561 : i32
        %add3A_563 = arith.constant 16 : i32
        %add3A_564 = arith.addi %mul3A_562, %add3A_563 : i32
        %swap3A_565 = arith.index_cast %add3A_564 : i32 to index
        %swap3A_566 = tpu.vector_load %arg11[%swap3A_565] {strides = array<i32>} : memref<32768xf32, #tpu.memory_space<vmem>>, vector<16xf32>,
        %swap3A_567 = vector.shape_cast %swap3A_566 : vector<16xf32> to vector<16xf32>
        %swap3A_568 = vector.shape_cast %mul3A_560 : vector<16xf32> to vector<16xf32>
        tpu.vector_store %arg11[%swap3A_565], %swap3A_568 {strides = array<i32>} : memref<32768xf32, #tpu.memory_space<vmem>>, vector<16xf32>,
        %mul3A_569 = arith.mulf %parallel_loop3A_543#2, %div3A_551 : vector<16xf32>
        %mul3A_570 = arith.constant 64 : i32
        %mul3A_571 = arith.muli %while3A_528, %mul3A_570 : i32
        %add3A_572 = arith.constant 32 : i32
        %add3A_573 = arith.addi %mul3A_571, %add3A_572 : i32
        %swap3A_574 = arith.index_cast %add3A_573 : i32 to index
        %swap3A_575 = tpu.vector_load %arg11[%swap3A_574] {strides = array<i32>} : memref<32768xf32, #tpu.memory_space<vmem>>, vector<16xf32>,
        %swap3A_576 = vector.shape_cast %swap3A_575 : vector<16xf32> to vector<16xf32>
        %swap3A_577 = vector.shape_cast %mul3A_569 : vector<16xf32> to vector<16xf32>
        tpu.vector_store %arg11[%swap3A_574], %swap3A_577 {strides = array<i32>} : memref<32768xf32, #tpu.memory_space<vmem>>, vector<16xf32>,
        %mul3A_578 = arith.mulf %parallel_loop3A_543#3, %div3A_551 : vector<16xf32>
        %mul3A_579 = arith.constant 64 : i32
        %mul3A_580 = arith.muli %while3A_528, %mul3A_579 : i32
        %add3A_581 = arith.constant 48 : i32
        %add3A_582 = arith.addi %mul3A_580, %add3A_581 : i32
        %swap3A_583 = arith.index_cast %add3A_582 : i32 to index
        %swap3A_584 = tpu.vector_load %arg11[%swap3A_583] {strides = array<i32>} : memref<32768xf32, #tpu.memory_space<vmem>>, vector<16xf32>,
        %swap3A_585 = vector.shape_cast %swap3A_584 : vector<16xf32> to vector<16xf32>
        %swap3A_586 = vector.shape_cast %mul3A_578 : vector<16xf32> to vector<16xf32>
        tpu.vector_store %arg11[%swap3A_583], %swap3A_586 {strides = array<i32>} : memref<32768xf32, #tpu.memory_space<vmem>>, vector<16xf32>,
        scf.yield %squeeze3A_540, %broadcast_in_dim3A_90, %broadcast_in_dim3A_90, %broadcast_in_dim3A_90, %broadcast_in_dim3A_90 : i32, vector<16xf32>, vector<16xf32>, vector<16xf32>, vector<16xf32>
      }
      %max3A_524 = arith.maxsi %while3A_523#0, %add3A_493 : i32
      %min3A_525 = arith.minsi %max3A_524, %min3A_496 : i32
      %parallel_loop3A_526 = arith.constant 1 : i32
      %parallel_loop3A_527:4 = scf.for %parallel_loop3A_528 = %min3A_525 to %min3A_496 step %parallel_loop3A_526 iter_args(%parallel_loop3A_529 = %while3A_523#1, %parallel_loop3A_530 = %while3A_523#2, %parallel_loop3A_531 = %while3A_523#3, %parallel_loop3A_532 = %while3A_523#4) -> (vector<16xf32>, vector<16xf32>, vector<16xf32>, vector<16xf32>)  : i32 {
        %parallel_loop3A_533 = arith.subi %parallel_loop3A_528, %min3A_501 : i32
        %parallel_loop3A_534 = arith.index_cast %parallel_loop3A_533 : i32 to index
        %parallel_loop3A_535 = arith.constant 0 : index
        %parallel_loop3A_536 = tpu.vector_load %arg10[%parallel_loop3A_534, %parallel_loop3A_535] {strides = array<i32>} : memref<256x128xf32, #tpu.memory_space<vmem>>, vector<1x16xf32>,
        %parallel_loop3A_537 = vector.shape_cast %parallel_loop3A_536 : vector<1x16xf32> to vector<16xf32>
        %parallel_loop3A_538 = arith.addf %parallel_loop3A_529, %parallel_loop3A_537 : vector<16xf32>
        %parallel_loop3A_539 = arith.index_cast %parallel_loop3A_533 : i32 to index
        %parallel_loop3A_540 = arith.constant 16 : index
        %parallel_loop3A_541 = tpu.vector_load %arg10[%parallel_loop3A_539, %parallel_loop3A_540] {strides = array<i32>} : memref<256x128xf32, #tpu.memory_space<vmem>>, vector<1x16xf32>,
        %parallel_loop3A_542 = vector.shape_cast %parallel_loop3A_541 : vector<1x16xf32> to vector<16xf32>
        %parallel_loop3A_543 = arith.addf %parallel_loop3A_530, %parallel_loop3A_542 : vector<16xf32>
        %parallel_loop3A_544 = arith.index_cast %parallel_loop3A_533 : i32 to index
        %parallel_loop3A_545 = arith.constant 32 : index
        %parallel_loop3A_546 = tpu.vector_load %arg10[%parallel_loop3A_544, %parallel_loop3A_545] {strides = array<i32>} : memref<256x128xf32, #tpu.memory_space<vmem>>, vector<1x16xf32>,
        %parallel_loop3A_547 = vector.shape_cast %parallel_loop3A_546 : vector<1x16xf32> to vector<16xf32>
        %parallel_loop3A_548 = arith.addf %parallel_loop3A_531, %parallel_loop3A_547 : vector<16xf32>
        %parallel_loop3A_549 = arith.index_cast %parallel_loop3A_533 : i32 to index
        %parallel_loop3A_550 = arith.constant 48 : index
        %parallel_loop3A_551 = tpu.vector_load %arg10[%parallel_loop3A_549, %parallel_loop3A_550] {strides = array<i32>} : memref<256x128xf32, #tpu.memory_space<vmem>>, vector<1x16xf32>,
        %parallel_loop3A_552 = vector.shape_cast %parallel_loop3A_551 : vector<1x16xf32> to vector<16xf32>
        %parallel_loop3A_553 = arith.addf %parallel_loop3A_532, %parallel_loop3A_552 : vector<16xf32>
        scf.yield %parallel_loop3A_538, %parallel_loop3A_543, %parallel_loop3A_548, %parallel_loop3A_553 : vector<16xf32>, vector<16xf32>, vector<16xf32>, vector<16xf32>
      } {sc.loop_unroll_factor = 8 : i64, sc.parallel_access}
      scf.yield %scan3A_507#0, %parallel_loop3A_527#0, %parallel_loop3A_527#1, %parallel_loop3A_527#2, %parallel_loop3A_527#3 : i32, vector<16xf32>, vector<16xf32>, vector<16xf32>, vector<16xf32>
    }
    %while3A_195 = arith.constant 1 : i32
    %while3A_196:5 = scf.for %while3A_250 = %while3A_192 to %while3A_188 step %while3A_195 iter_args(%while3A_251 = %while3A_194#0, %while3A_252 = %while3A_194#1, %while3A_253 = %while3A_194#2, %while3A_254 = %while3A_194#3, %while3A_255 = %while3A_194#4) -> (i32, vector<16xf32>, vector<16xf32>, vector<16xf32>, vector<16xf32>)  : i32 {
      %mul3A_256 = arith.constant 2 : i32
      %mul3A_257 = arith.muli %mul3A_256, %while3A_250 : i32
      %dma_wait3A_258 = arith.constant 0 : i32
      %dma_wait3A_259 = arith.constant 0 : i32
      %dma_wait3A_260 = arith.constant 0 : i32
      %dma_wait3A_261 = tpu.memref_slice %arg9[%dma_wait3A_259, %dma_wait3A_260] : memref<256x128xf32, #tpu.memory_space<vmem>> -> memref<128x128xf32, #tpu.memory_space<vmem>>
      %dma_wait3A_262 = arith.constant 0 : i32
      %dma_wait3A_263 = tpu.memref_slice %arg7[%dma_wait3A_258, %dma_wait3A_262] : memref<8x128xi32, #tpu.memory_space<vmem>> -> memref<1x128xi32, #tpu.memory_space<vmem>>
      %dma_wait3A_264 = tpu.memref_squeeze %dma_wait3A_263 : memref<1x128xi32, #tpu.memory_space<vmem>> -> memref<128xi32, #tpu.memory_space<vmem>>
      %dma_wait3A_265 = arith.constant 0 : i32
      %dma_wait3A_266 = arith.constant 0 : i32
      %dma_wait3A_267 = tpu.memref_slice %arg4[%dma_wait3A_265, %dma_wait3A_266] : memref<1000000x128xf32, #tpu.memory_space<hbm>> -> memref<1000000x128xf32, #tpu.memory_space<hbm>>
      tpu.wait_indirect_dma semaphore(%arg12 : memref<!tpu.dma_semaphore, #tpu.memory_space<semaphore_mem>>) src(%dma_wait3A_267 : memref<1000000x128xf32, #tpu.memory_space<hbm>>) dst(%dma_wait3A_261 : memref<128x128xf32, #tpu.memory_space<vmem>>)
      %dma_wait3A_268 = arith.constant 1 : i32
      %dma_wait3A_269 = arith.constant 128 : i32
      %dma_wait3A_270 = arith.constant 0 : i32
      %dma_wait3A_271 = tpu.memref_slice %arg9[%dma_wait3A_269, %dma_wait3A_270] : memref<256x128xf32, #tpu.memory_space<vmem>> -> memref<128x128xf32, #tpu.memory_space<vmem>>
      %dma_wait3A_272 = arith.constant 0 : i32
      %dma_wait3A_273 = tpu.memref_slice %arg7[%dma_wait3A_268, %dma_wait3A_272] : memref<8x128xi32, #tpu.memory_space<vmem>> -> memref<1x128xi32, #tpu.memory_space<vmem>>
      %dma_wait3A_274 = tpu.memref_squeeze %dma_wait3A_273 : memref<1x128xi32, #tpu.memory_space<vmem>> -> memref<128xi32, #tpu.memory_space<vmem>>
      %dma_wait3A_275 = arith.constant 0 : i32
      %dma_wait3A_276 = arith.constant 0 : i32
      %dma_wait3A_277 = tpu.memref_slice %arg4[%dma_wait3A_275, %dma_wait3A_276] : memref<1000000x128xf32, #tpu.memory_space<hbm>> -> memref<1000000x128xf32, #tpu.memory_space<hbm>>
      tpu.wait_indirect_dma semaphore(%arg12 : memref<!tpu.dma_semaphore, #tpu.memory_space<semaphore_mem>>) src(%dma_wait3A_277 : memref<1000000x128xf32, #tpu.memory_space<hbm>>) dst(%dma_wait3A_271 : memref<128x128xf32, #tpu.memory_space<vmem>>)
      %add3A_278 = arith.constant 1 : i32
      %add3A_279 = arith.addi %mul3A_257, %add3A_278 : i32
      %mul3A_280 = arith.constant 256 : i32
      %mul3A_281 = arith.muli %add3A_279, %mul3A_280 : i32
      %add3A_282 = arith.addi %mul3A_33, %mul3A_281 : i32
      %min3A_283 = arith.constant 163584 : i32
      %min3A_284 = arith.minsi %add3A_282, %min3A_283 : i32
      %add3A_285 = arith.constant 0 : i32
      %add3A_286 = arith.addi %min3A_284, %add3A_285 : i32
      %dma_wait3A_287 = arith.constant 0 : i32
      %dma_wait3A_288 = arith.constant 0 : i32
      %dma_wait3A_289 = tpu.memref_slice %arg8[%dma_wait3A_287, %dma_wait3A_288] : memref<8x128xi32, #tpu.memory_space<vmem>> -> memref<1x128xi32, #tpu.memory_space<vmem>>
      %dma_wait3A_290 = tpu.memref_squeeze %dma_wait3A_289 : memref<1x128xi32, #tpu.memory_space<vmem>> -> memref<128xi32, #tpu.memory_space<vmem>>
      %dma_wait3A_291 = tpu.memref_slice %arg2[%add3A_286] : memref<163840xi32, #tpu.memory_space<hbm>> -> memref<128xi32, #tpu.memory_space<hbm>>
      %dma_wait3A_292 = arith.constant 0 : i32
      %dma_wait3A_293 = tpu.memref_slice %arg8[%dma_wait3A_287, %dma_wait3A_292] : memref<8x128xi32, #tpu.memory_space<vmem>> -> memref<1x128xi32, #tpu.memory_space<vmem>>
      %dma_wait3A_294 = tpu.memref_squeeze %dma_wait3A_293 : memref<1x128xi32, #tpu.memory_space<vmem>> -> memref<128xi32, #tpu.memory_space<vmem>>
      %dma_wait3A_295 = tpu.memref_slice %arg2[%add3A_286] : memref<163840xi32, #tpu.memory_space<hbm>> -> memref<128xi32, #tpu.memory_space<hbm>>
      tpu.wait_dma2 semaphore(%arg15 : memref<!tpu.dma_semaphore, #tpu.memory_space<semaphore_mem>>) src(%dma_wait3A_295 : memref<128xi32, #tpu.memory_space<hbm>>) dst(%dma_wait3A_294 : memref<128xi32, #tpu.memory_space<vmem>>)
      %add3A_296 = arith.constant 128 : i32
      %add3A_297 = arith.addi %min3A_284, %add3A_296 : i32
      %dma_wait3A_298 = arith.constant 1 : i32
      %dma_wait3A_299 = arith.constant 0 : i32
      %dma_wait3A_300 = tpu.memref_slice %arg8[%dma_wait3A_298, %dma_wait3A_299] : memref<8x128xi32, #tpu.memory_space<vmem>> -> memref<1x128xi32, #tpu.memory_space<vmem>>
      %dma_wait3A_301 = tpu.memref_squeeze %dma_wait3A_300 : memref<1x128xi32, #tpu.memory_space<vmem>> -> memref<128xi32, #tpu.memory_space<vmem>>
      %dma_wait3A_302 = tpu.memref_slice %arg2[%add3A_297] : memref<163840xi32, #tpu.memory_space<hbm>> -> memref<128xi32, #tpu.memory_space<hbm>>
      %dma_wait3A_303 = arith.constant 0 : i32
      %dma_wait3A_304 = tpu.memref_slice %arg8[%dma_wait3A_298, %dma_wait3A_303] : memref<8x128xi32, #tpu.memory_space<vmem>> -> memref<1x128xi32, #tpu.memory_space<vmem>>
      %dma_wait3A_305 = tpu.memref_squeeze %dma_wait3A_304 : memref<1x128xi32, #tpu.memory_space<vmem>> -> memref<128xi32, #tpu.memory_space<vmem>>
      %dma_wait3A_306 = tpu.memref_slice %arg2[%add3A_297] : memref<163840xi32, #tpu.memory_space<hbm>> -> memref<128xi32, #tpu.memory_space<hbm>>
      tpu.wait_dma2 semaphore(%arg15 : memref<!tpu.dma_semaphore, #tpu.memory_space<semaphore_mem>>) src(%dma_wait3A_306 : memref<128xi32, #tpu.memory_space<hbm>>) dst(%dma_wait3A_305 : memref<128xi32, #tpu.memory_space<vmem>>)
      %dma_start3A_307 = arith.constant 0 : i32
      %dma_start3A_308 = arith.constant 0 : i32
      %dma_start3A_309 = arith.constant 0 : i32
      %dma_start3A_310 = tpu.memref_slice %arg10[%dma_start3A_308, %dma_start3A_309] : memref<256x128xf32, #tpu.memory_space<vmem>> -> memref<128x128xf32, #tpu.memory_space<vmem>>
      %dma_start3A_311 = arith.constant 0 : i32
      %dma_start3A_312 = tpu.memref_slice %arg8[%dma_start3A_307, %dma_start3A_311] : memref<8x128xi32, #tpu.memory_space<vmem>> -> memref<1x128xi32, #tpu.memory_space<vmem>>
      %dma_start3A_313 = tpu.memref_squeeze %dma_start3A_312 : memref<1x128xi32, #tpu.memory_space<vmem>> -> memref<128xi32, #tpu.memory_space<vmem>>
      %dma_start3A_314 = arith.constant 0 : i32
      %dma_start3A_315 = arith.constant 0 : i32
      %dma_start3A_316 = tpu.memref_slice %arg4[%dma_start3A_314, %dma_start3A_315] : memref<1000000x128xf32, #tpu.memory_space<hbm>> -> memref<1000000x128xf32, #tpu.memory_space<hbm>>
      tpu.enqueue_indirect_dma source(%dma_start3A_316 : memref<1000000x128xf32, #tpu.memory_space<hbm>>) target(%dma_start3A_310 : memref<128x128xf32, #tpu.memory_space<vmem>>) offsets(%dma_start3A_313 : memref<128xi32, #tpu.memory_space<vmem>>) semaphore(%arg13 : memref<!tpu.dma_semaphore, #tpu.memory_space<semaphore_mem>>)
      %dma_start3A_317 = arith.constant 1 : i32
      %dma_start3A_318 = arith.constant 128 : i32
      %dma_start3A_319 = arith.constant 0 : i32
      %dma_start3A_320 = tpu.memref_slice %arg10[%dma_start3A_318, %dma_start3A_319] : memref<256x128xf32, #tpu.memory_space<vmem>> -> memref<128x128xf32, #tpu.memory_space<vmem>>
      %dma_start3A_321 = arith.constant 0 : i32
      %dma_start3A_322 = tpu.memref_slice %arg8[%dma_start3A_317, %dma_start3A_321] : memref<8x128xi32, #tpu.memory_space<vmem>> -> memref<1x128xi32, #tpu.memory_space<vmem>>
      %dma_start3A_323 = tpu.memref_squeeze %dma_start3A_322 : memref<1x128xi32, #tpu.memory_space<vmem>> -> memref<128xi32, #tpu.memory_space<vmem>>
      %dma_start3A_324 = arith.constant 0 : i32
      %dma_start3A_325 = arith.constant 0 : i32
      %dma_start3A_326 = tpu.memref_slice %arg4[%dma_start3A_324, %dma_start3A_325] : memref<1000000x128xf32, #tpu.memory_space<hbm>> -> memref<1000000x128xf32, #tpu.memory_space<hbm>>
      tpu.enqueue_indirect_dma source(%dma_start3A_326 : memref<1000000x128xf32, #tpu.memory_space<hbm>>) target(%dma_start3A_320 : memref<128x128xf32, #tpu.memory_space<vmem>>) offsets(%dma_start3A_323 : memref<128xi32, #tpu.memory_space<vmem>>) semaphore(%arg13 : memref<!tpu.dma_semaphore, #tpu.memory_space<semaphore_mem>>)
      %add3A_327 = arith.constant 2 : i32
      %add3A_328 = arith.addi %mul3A_257, %add3A_327 : i32
      %mul3A_329 = arith.constant 256 : i32
      %mul3A_330 = arith.muli %add3A_328, %mul3A_329 : i32
      %add3A_331 = arith.addi %mul3A_33, %mul3A_330 : i32
      %min3A_332 = arith.constant 163584 : i32
      %min3A_333 = arith.minsi %add3A_331, %min3A_332 : i32
      %add3A_334 = arith.constant 0 : i32
      %add3A_335 = arith.addi %min3A_333, %add3A_334 : i32
      %dma_start3A_336 = arith.constant 0 : i32
      %dma_start3A_337 = arith.constant 0 : i32
      %dma_start3A_338 = tpu.memref_slice %arg7[%dma_start3A_336, %dma_start3A_337] : memref<8x128xi32, #tpu.memory_space<vmem>> -> memref<1x128xi32, #tpu.memory_space<vmem>>
      %dma_start3A_339 = tpu.memref_squeeze %dma_start3A_338 : memref<1x128xi32, #tpu.memory_space<vmem>> -> memref<128xi32, #tpu.memory_space<vmem>>
      %dma_start3A_340 = tpu.memref_slice %arg2[%add3A_335] : memref<163840xi32, #tpu.memory_space<hbm>> -> memref<128xi32, #tpu.memory_space<hbm>>
      %dma_start3A_341 = arith.constant 0 : i32
      %dma_start3A_342 = tpu.memref_slice %arg7[%dma_start3A_336, %dma_start3A_341] : memref<8x128xi32, #tpu.memory_space<vmem>> -> memref<1x128xi32, #tpu.memory_space<vmem>>
      %dma_start3A_343 = tpu.memref_squeeze %dma_start3A_342 : memref<1x128xi32, #tpu.memory_space<vmem>> -> memref<128xi32, #tpu.memory_space<vmem>>
      %dma_start3A_344 = tpu.memref_slice %arg2[%add3A_335] : memref<163840xi32, #tpu.memory_space<hbm>> -> memref<128xi32, #tpu.memory_space<hbm>>
      tpu.enqueue_dma source(%dma_start3A_344 : memref<128xi32, #tpu.memory_space<hbm>>) target(%dma_start3A_343 : memref<128xi32, #tpu.memory_space<vmem>>) target_semaphore(%arg14 : memref<!tpu.dma_semaphore, #tpu.memory_space<semaphore_mem>>)
      %add3A_345 = arith.constant 128 : i32
      %add3A_346 = arith.addi %min3A_333, %add3A_345 : i32
      %dma_start3A_347 = arith.constant 1 : i32
      %dma_start3A_348 = arith.constant 0 : i32
      %dma_start3A_349 = tpu.memref_slice %arg7[%dma_start3A_347, %dma_start3A_348] : memref<8x128xi32, #tpu.memory_space<vmem>> -> memref<1x128xi32, #tpu.memory_space<vmem>>
      %dma_start3A_350 = tpu.memref_squeeze %dma_start3A_349 : memref<1x128xi32, #tpu.memory_space<vmem>> -> memref<128xi32, #tpu.memory_space<vmem>>
      %dma_start3A_351 = tpu.memref_slice %arg2[%add3A_346] : memref<163840xi32, #tpu.memory_space<hbm>> -> memref<128xi32, #tpu.memory_space<hbm>>
      %dma_start3A_352 = arith.constant 0 : i32
      %dma_start3A_353 = tpu.memref_slice %arg7[%dma_start3A_347, %dma_start3A_352] : memref<8x128xi32, #tpu.memory_space<vmem>> -> memref<1x128xi32, #tpu.memory_space<vmem>>
      %dma_start3A_354 = tpu.memref_squeeze %dma_start3A_353 : memref<1x128xi32, #tpu.memory_space<vmem>> -> memref<128xi32, #tpu.memory_space<vmem>>
      %dma_start3A_355 = tpu.memref_slice %arg2[%add3A_346] : memref<163840xi32, #tpu.memory_space<hbm>> -> memref<128xi32, #tpu.memory_space<hbm>>
      tpu.enqueue_dma source(%dma_start3A_355 : memref<128xi32, #tpu.memory_space<hbm>>) target(%dma_start3A_354 : memref<128xi32, #tpu.memory_space<vmem>>) target_semaphore(%arg14 : memref<!tpu.dma_semaphore, #tpu.memory_space<semaphore_mem>>)
      %mul3A_356 = arith.constant 256 : i32
      %mul3A_357 = arith.muli %mul3A_257, %mul3A_356 : i32
      %add3A_358 = arith.addi %mul3A_33, %mul3A_357 : i32
      %add3A_359 = arith.constant 256 : i32
      %add3A_360 = arith.addi %add3A_358, %add3A_359 : i32
      %min3A_361 = arith.minsi %add3A_360, %squeeze3A_15 : i32
      %mul3A_362 = arith.constant 256 : i32
      %mul3A_363 = arith.muli %mul3A_257, %mul3A_362 : i32
      %add3A_364 = arith.addi %mul3A_33, %mul3A_363 : i32
      %min3A_365 = arith.constant 163584 : i32
      %min3A_366 = arith.minsi %add3A_364, %min3A_365 : i32
      %scan3A = arith.constant 512 : i32
      %scan3A_367 = arith.constant 0 : i32
      %scan3A_368 = arith.constant 10 : i32
      %scan3A_369 = arith.addi %scan3A_367, %scan3A_368 : i32
      %scan3A_370 = arith.constant 1 : i32
      %scan3A_371:2 = scf.for %scan3A_528 = %scan3A_367 to %scan3A_369 step %scan3A_370 iter_args(%scan3A_529 = %while3A_251, %scan3A_530 = %scan3A) -> (i32, i32)  : i32 {
        %add3A_531 = arith.addi %scan3A_529, %scan3A_530 : i32
        %add3A_532 = arith.constant 1 : i32
        %add3A_533 = arith.addi %add3A_531, %add3A_532 : i32
        %jit3A_534 = arith.constant 2 : i32
        %div3A_535 = arith.divsi %add3A_533, %jit3A_534 : i32
        %sign3A_536 = arith.constant 0 : i32
        %sign3A_537 = arith.cmpi sgt, %add3A_533, %sign3A_536 : i32
        %sign3A_538 = arith.extui %sign3A_537 : i1 to i32
        %sign3A_539 = arith.constant 0 : i32
        %sign3A_540 = arith.cmpi slt, %add3A_533, %sign3A_539 : i32
        %sign3A_541 = arith.extui %sign3A_540 : i1 to i32
        %sign3A_542 = arith.subi %sign3A_538, %sign3A_541 : i32
        %sign3A_543 = arith.constant 0 : i32
        %sign3A_544 = arith.cmpi sgt, %jit3A_534, %sign3A_543 : i32
        %sign3A_545 = arith.extui %sign3A_544 : i1 to i32
        %sign3A_546 = arith.constant 0 : i32
        %sign3A_547 = arith.cmpi slt, %jit3A_534, %sign3A_546 : i32
        %sign3A_548 = arith.extui %sign3A_547 : i1 to i32
        %sign3A_549 = arith.subi %sign3A_545, %sign3A_548 : i32
        %ne3A_550 = arith.cmpi ne, %sign3A_542, %sign3A_549 : i32
        %rem3A_551 = arith.remsi %add3A_533, %jit3A_534 : i32
        %ne3A_552 = arith.constant 0 : i32
        %ne3A_553 = arith.cmpi ne, %rem3A_551, %ne3A_552 : i32
        %and3A_554 = arith.andi %ne3A_550, %ne3A_553 : i1
        %sub3A_555 = arith.constant 1 : i32
        %sub3A_556 = arith.subi %div3A_535, %sub3A_555 : i32
        %select_n3A_557 = arith.select %and3A_554, %sub3A_556, %div3A_535 : i32
        %get3A_558 = arith.index_cast %select_n3A_557 : i32 to index
        %get3A_559 = tpu.vector_load %arg6[%get3A_558] {strides = array<i32>} : memref<536xi32, #tpu.memory_space<vmem>>, vector<16xi32>,
        %get3A_560 = vector.shape_cast %get3A_559 : vector<16xi32> to vector<16xi32>
        %slice3A_561 = vector.extract_strided_slice %get3A_560 {offsets = [0], sizes = [1], strides = [1]} : vector<16xi32> to vector<1xi32>
        %squeeze3A_562 = vector.extract %slice3A_561[0] : i32 from vector<1xi32>
        %le3A = arith.cmpi sle, %squeeze3A_562, %min3A_361 : i32
        %select_n3A_563 = arith.select %le3A, %select_n3A_557, %scan3A_529 : i32
        %sub3A_564 = arith.constant 1 : i32
        %sub3A_565 = arith.subi %select_n3A_557, %sub3A_564 : i32
        %select_n3A_566 = arith.select %le3A, %scan3A_530, %sub3A_565 : i32
        scf.yield %select_n3A_563, %select_n3A_566 : i32, i32
      }
      %scan3A_372 = arith.constant 10 : i32
      %get3A_373 = arith.index_cast %while3A_251 : i32 to index
      %get3A_374 = tpu.vector_load %arg6[%get3A_373] {strides = array<i32>} : memref<536xi32, #tpu.memory_space<vmem>>, vector<16xi32>,
      %get3A_375 = vector.shape_cast %get3A_374 : vector<16xi32> to vector<16xi32>
      %slice3A_376 = vector.extract_strided_slice %get3A_375 {offsets = [0], sizes = [1], strides = [1]} : vector<16xi32> to vector<1xi32>
      %squeeze3A_377 = vector.extract %slice3A_376[0] : i32 from vector<1xi32>
      %while3A_378 = arith.subi %scan3A_371#0, %while3A_251 : i32
      %while3A_379 = arith.addi %while3A_251, %while3A_378 : i32
      %while3A_380 = arith.constant 1 : i32
      %while3A_381 = arith.divsi %while3A_378, %while3A_380 : i32
      %while3A_382 = arith.muli %while3A_381, %while3A_380 : i32
      %while3A_383 = arith.addi %while3A_251, %while3A_382 : i32
      %while3A_384 = arith.constant 1 : i32
      %while3A_385:5 = scf.for %while3A_528 = %while3A_251 to %while3A_383 step %while3A_384 iter_args(%while3A_529 = %squeeze3A_377, %while3A_530 = %while3A_252, %while3A_531 = %while3A_253, %while3A_532 = %while3A_254, %while3A_533 = %while3A_255) -> (i32, vector<16xf32>, vector<16xf32>, vector<16xf32>, vector<16xf32>)  : i32 {
        %add3A_534 = arith.constant 1 : i32
        %add3A_535 = arith.addi %while3A_528, %add3A_534 : i32
        %get3A_536 = arith.index_cast %add3A_535 : i32 to index
        %get3A_537 = tpu.vector_load %arg6[%get3A_536] {strides = array<i32>} : memref<536xi32, #tpu.memory_space<vmem>>, vector<16xi32>,
        %get3A_538 = vector.shape_cast %get3A_537 : vector<16xi32> to vector<16xi32>
        %slice3A_539 = vector.extract_strided_slice %get3A_538 {offsets = [0], sizes = [1], strides = [1]} : vector<16xi32> to vector<1xi32>
        %squeeze3A_540 = vector.extract %slice3A_539[0] : i32 from vector<1xi32>
        %max3A_541 = arith.maxsi %while3A_529, %add3A_358 : i32
        %parallel_loop3A_542 = arith.constant 1 : i32
        %parallel_loop3A_543:4 = scf.for %parallel_loop3A_587 = %max3A_541 to %squeeze3A_540 step %parallel_loop3A_542 iter_args(%parallel_loop3A_588 = %while3A_530, %parallel_loop3A_589 = %while3A_531, %parallel_loop3A_590 = %while3A_532, %parallel_loop3A_591 = %while3A_533) -> (vector<16xf32>, vector<16xf32>, vector<16xf32>, vector<16xf32>)  : i32 {
          %parallel_loop3A_592 = arith.subi %parallel_loop3A_587, %min3A_366 : i32
          %parallel_loop3A_593 = arith.index_cast %parallel_loop3A_592 : i32 to index
          %parallel_loop3A_594 = arith.constant 0 : index
          %parallel_loop3A_595 = tpu.vector_load %arg9[%parallel_loop3A_593, %parallel_loop3A_594] {strides = array<i32>} : memref<256x128xf32, #tpu.memory_space<vmem>>, vector<1x16xf32>,
          %parallel_loop3A_596 = vector.shape_cast %parallel_loop3A_595 : vector<1x16xf32> to vector<16xf32>
          %parallel_loop3A_597 = arith.addf %parallel_loop3A_588, %parallel_loop3A_596 : vector<16xf32>
          %parallel_loop3A_598 = arith.index_cast %parallel_loop3A_592 : i32 to index
          %parallel_loop3A_599 = arith.constant 16 : index
          %parallel_loop3A_600 = tpu.vector_load %arg9[%parallel_loop3A_598, %parallel_loop3A_599] {strides = array<i32>} : memref<256x128xf32, #tpu.memory_space<vmem>>, vector<1x16xf32>,
          %parallel_loop3A_601 = vector.shape_cast %parallel_loop3A_600 : vector<1x16xf32> to vector<16xf32>
          %parallel_loop3A_602 = arith.addf %parallel_loop3A_589, %parallel_loop3A_601 : vector<16xf32>
          %parallel_loop3A_603 = arith.index_cast %parallel_loop3A_592 : i32 to index
          %parallel_loop3A_604 = arith.constant 32 : index
          %parallel_loop3A_605 = tpu.vector_load %arg9[%parallel_loop3A_603, %parallel_loop3A_604] {strides = array<i32>} : memref<256x128xf32, #tpu.memory_space<vmem>>, vector<1x16xf32>,
          %parallel_loop3A_606 = vector.shape_cast %parallel_loop3A_605 : vector<1x16xf32> to vector<16xf32>
          %parallel_loop3A_607 = arith.addf %parallel_loop3A_590, %parallel_loop3A_606 : vector<16xf32>
          %parallel_loop3A_608 = arith.index_cast %parallel_loop3A_592 : i32 to index
          %parallel_loop3A_609 = arith.constant 48 : index
          %parallel_loop3A_610 = tpu.vector_load %arg9[%parallel_loop3A_608, %parallel_loop3A_609] {strides = array<i32>} : memref<256x128xf32, #tpu.memory_space<vmem>>, vector<1x16xf32>,
          %parallel_loop3A_611 = vector.shape_cast %parallel_loop3A_610 : vector<1x16xf32> to vector<16xf32>
          %parallel_loop3A_612 = arith.addf %parallel_loop3A_591, %parallel_loop3A_611 : vector<16xf32>
          scf.yield %parallel_loop3A_597, %parallel_loop3A_602, %parallel_loop3A_607, %parallel_loop3A_612 : vector<16xf32>, vector<16xf32>, vector<16xf32>, vector<16xf32>
        } {sc.loop_unroll_factor = 8 : i64, sc.parallel_access}
        %sub3A_544 = arith.subi %squeeze3A_540, %while3A_529 : i32
        %max3A_545 = arith.constant 1 : i32
        %max3A_546 = arith.maxsi %sub3A_544, %max3A_545 : i32
        %broadcast_in_dim3A_547 = vector.broadcast %max3A_546 : i32 to vector<16xi32>
        %convert_element_type3A_548 = arith.sitofp %broadcast_in_dim3A_547 : vector<16xi32> to vector<16xf32>
        %div3A_549 = arith.constant 1.000000e+00 : f32
        %div3A_550 = vector.broadcast %div3A_549 : f32 to vector<16xf32>
        %div3A_551 = arith.divf %div3A_550, %convert_element_type3A_548 : vector<16xf32>
        %mul3A_552 = arith.mulf %parallel_loop3A_543#0, %div3A_551 : vector<16xf32>
        %mul3A_553 = arith.constant 64 : i32
        %mul3A_554 = arith.muli %while3A_528, %mul3A_553 : i32
        %add3A_555 = arith.constant 0 : i32
        %add3A_556 = arith.addi %mul3A_554, %add3A_555 : i32
        %swap3A = arith.index_cast %add3A_556 : i32 to index
        %swap3A_557 = tpu.vector_load %arg11[%swap3A] {strides = array<i32>} : memref<32768xf32, #tpu.memory_space<vmem>>, vector<16xf32>,
        %swap3A_558 = vector.shape_cast %swap3A_557 : vector<16xf32> to vector<16xf32>
        %swap3A_559 = vector.shape_cast %mul3A_552 : vector<16xf32> to vector<16xf32>
        tpu.vector_store %arg11[%swap3A], %swap3A_559 {strides = array<i32>} : memref<32768xf32, #tpu.memory_space<vmem>>, vector<16xf32>,
        %mul3A_560 = arith.mulf %parallel_loop3A_543#1, %div3A_551 : vector<16xf32>
        %mul3A_561 = arith.constant 64 : i32
        %mul3A_562 = arith.muli %while3A_528, %mul3A_561 : i32
        %add3A_563 = arith.constant 16 : i32
        %add3A_564 = arith.addi %mul3A_562, %add3A_563 : i32
        %swap3A_565 = arith.index_cast %add3A_564 : i32 to index
        %swap3A_566 = tpu.vector_load %arg11[%swap3A_565] {strides = array<i32>} : memref<32768xf32, #tpu.memory_space<vmem>>, vector<16xf32>,
        %swap3A_567 = vector.shape_cast %swap3A_566 : vector<16xf32> to vector<16xf32>
        %swap3A_568 = vector.shape_cast %mul3A_560 : vector<16xf32> to vector<16xf32>
        tpu.vector_store %arg11[%swap3A_565], %swap3A_568 {strides = array<i32>} : memref<32768xf32, #tpu.memory_space<vmem>>, vector<16xf32>,
        %mul3A_569 = arith.mulf %parallel_loop3A_543#2, %div3A_551 : vector<16xf32>
        %mul3A_570 = arith.constant 64 : i32
        %mul3A_571 = arith.muli %while3A_528, %mul3A_570 : i32
        %add3A_572 = arith.constant 32 : i32
        %add3A_573 = arith.addi %mul3A_571, %add3A_572 : i32
        %swap3A_574 = arith.index_cast %add3A_573 : i32 to index
        %swap3A_575 = tpu.vector_load %arg11[%swap3A_574] {strides = array<i32>} : memref<32768xf32, #tpu.memory_space<vmem>>, vector<16xf32>,
        %swap3A_576 = vector.shape_cast %swap3A_575 : vector<16xf32> to vector<16xf32>
        %swap3A_577 = vector.shape_cast %mul3A_569 : vector<16xf32> to vector<16xf32>
        tpu.vector_store %arg11[%swap3A_574], %swap3A_577 {strides = array<i32>} : memref<32768xf32, #tpu.memory_space<vmem>>, vector<16xf32>,
        %mul3A_578 = arith.mulf %parallel_loop3A_543#3, %div3A_551 : vector<16xf32>
        %mul3A_579 = arith.constant 64 : i32
        %mul3A_580 = arith.muli %while3A_528, %mul3A_579 : i32
        %add3A_581 = arith.constant 48 : i32
        %add3A_582 = arith.addi %mul3A_580, %add3A_581 : i32
        %swap3A_583 = arith.index_cast %add3A_582 : i32 to index
        %swap3A_584 = tpu.vector_load %arg11[%swap3A_583] {strides = array<i32>} : memref<32768xf32, #tpu.memory_space<vmem>>, vector<16xf32>,
        %swap3A_585 = vector.shape_cast %swap3A_584 : vector<16xf32> to vector<16xf32>
        %swap3A_586 = vector.shape_cast %mul3A_578 : vector<16xf32> to vector<16xf32>
        tpu.vector_store %arg11[%swap3A_583], %swap3A_586 {strides = array<i32>} : memref<32768xf32, #tpu.memory_space<vmem>>, vector<16xf32>,
        scf.yield %squeeze3A_540, %broadcast_in_dim3A_90, %broadcast_in_dim3A_90, %broadcast_in_dim3A_90, %broadcast_in_dim3A_90 : i32, vector<16xf32>, vector<16xf32>, vector<16xf32>, vector<16xf32>
      }
      %while3A_386 = arith.constant 1 : i32
      %while3A_387:5 = scf.for %while3A_528 = %while3A_383 to %while3A_379 step %while3A_386 iter_args(%while3A_529 = %while3A_385#0, %while3A_530 = %while3A_385#1, %while3A_531 = %while3A_385#2, %while3A_532 = %while3A_385#3, %while3A_533 = %while3A_385#4) -> (i32, vector<16xf32>, vector<16xf32>, vector<16xf32>, vector<16xf32>)  : i32 {
        %add3A_534 = arith.constant 1 : i32
        %add3A_535 = arith.addi %while3A_528, %add3A_534 : i32
        %get3A_536 = arith.index_cast %add3A_535 : i32 to index
        %get3A_537 = tpu.vector_load %arg6[%get3A_536] {strides = array<i32>} : memref<536xi32, #tpu.memory_space<vmem>>, vector<16xi32>,
        %get3A_538 = vector.shape_cast %get3A_537 : vector<16xi32> to vector<16xi32>
        %slice3A_539 = vector.extract_strided_slice %get3A_538 {offsets = [0], sizes = [1], strides = [1]} : vector<16xi32> to vector<1xi32>
        %squeeze3A_540 = vector.extract %slice3A_539[0] : i32 from vector<1xi32>
        %max3A_541 = arith.maxsi %while3A_529, %add3A_358 : i32
        %parallel_loop3A_542 = arith.constant 1 : i32
        %parallel_loop3A_543:4 = scf.for %parallel_loop3A_587 = %max3A_541 to %squeeze3A_540 step %parallel_loop3A_542 iter_args(%parallel_loop3A_588 = %while3A_530, %parallel_loop3A_589 = %while3A_531, %parallel_loop3A_590 = %while3A_532, %parallel_loop3A_591 = %while3A_533) -> (vector<16xf32>, vector<16xf32>, vector<16xf32>, vector<16xf32>)  : i32 {
          %parallel_loop3A_592 = arith.subi %parallel_loop3A_587, %min3A_366 : i32
          %parallel_loop3A_593 = arith.index_cast %parallel_loop3A_592 : i32 to index
          %parallel_loop3A_594 = arith.constant 0 : index
          %parallel_loop3A_595 = tpu.vector_load %arg9[%parallel_loop3A_593, %parallel_loop3A_594] {strides = array<i32>} : memref<256x128xf32, #tpu.memory_space<vmem>>, vector<1x16xf32>,
          %parallel_loop3A_596 = vector.shape_cast %parallel_loop3A_595 : vector<1x16xf32> to vector<16xf32>
          %parallel_loop3A_597 = arith.addf %parallel_loop3A_588, %parallel_loop3A_596 : vector<16xf32>
          %parallel_loop3A_598 = arith.index_cast %parallel_loop3A_592 : i32 to index
          %parallel_loop3A_599 = arith.constant 16 : index
          %parallel_loop3A_600 = tpu.vector_load %arg9[%parallel_loop3A_598, %parallel_loop3A_599] {strides = array<i32>} : memref<256x128xf32, #tpu.memory_space<vmem>>, vector<1x16xf32>,
          %parallel_loop3A_601 = vector.shape_cast %parallel_loop3A_600 : vector<1x16xf32> to vector<16xf32>
          %parallel_loop3A_602 = arith.addf %parallel_loop3A_589, %parallel_loop3A_601 : vector<16xf32>
          %parallel_loop3A_603 = arith.index_cast %parallel_loop3A_592 : i32 to index
          %parallel_loop3A_604 = arith.constant 32 : index
          %parallel_loop3A_605 = tpu.vector_load %arg9[%parallel_loop3A_603, %parallel_loop3A_604] {strides = array<i32>} : memref<256x128xf32, #tpu.memory_space<vmem>>, vector<1x16xf32>,
          %parallel_loop3A_606 = vector.shape_cast %parallel_loop3A_605 : vector<1x16xf32> to vector<16xf32>
          %parallel_loop3A_607 = arith.addf %parallel_loop3A_590, %parallel_loop3A_606 : vector<16xf32>
          %parallel_loop3A_608 = arith.index_cast %parallel_loop3A_592 : i32 to index
          %parallel_loop3A_609 = arith.constant 48 : index
          %parallel_loop3A_610 = tpu.vector_load %arg9[%parallel_loop3A_608, %parallel_loop3A_609] {strides = array<i32>} : memref<256x128xf32, #tpu.memory_space<vmem>>, vector<1x16xf32>,
          %parallel_loop3A_611 = vector.shape_cast %parallel_loop3A_610 : vector<1x16xf32> to vector<16xf32>
          %parallel_loop3A_612 = arith.addf %parallel_loop3A_591, %parallel_loop3A_611 : vector<16xf32>
          scf.yield %parallel_loop3A_597, %parallel_loop3A_602, %parallel_loop3A_607, %parallel_loop3A_612 : vector<16xf32>, vector<16xf32>, vector<16xf32>, vector<16xf32>
        } {sc.loop_unroll_factor = 8 : i64, sc.parallel_access}
        %sub3A_544 = arith.subi %squeeze3A_540, %while3A_529 : i32
        %max3A_545 = arith.constant 1 : i32
        %max3A_546 = arith.maxsi %sub3A_544, %max3A_545 : i32
        %broadcast_in_dim3A_547 = vector.broadcast %max3A_546 : i32 to vector<16xi32>
        %convert_element_type3A_548 = arith.sitofp %broadcast_in_dim3A_547 : vector<16xi32> to vector<16xf32>
        %div3A_549 = arith.constant 1.000000e+00 : f32
        %div3A_550 = vector.broadcast %div3A_549 : f32 to vector<16xf32>
        %div3A_551 = arith.divf %div3A_550, %convert_element_type3A_548 : vector<16xf32>
        %mul3A_552 = arith.mulf %parallel_loop3A_543#0, %div3A_551 : vector<16xf32>
        %mul3A_553 = arith.constant 64 : i32
        %mul3A_554 = arith.muli %while3A_528, %mul3A_553 : i32
        %add3A_555 = arith.constant 0 : i32
        %add3A_556 = arith.addi %mul3A_554, %add3A_555 : i32
        %swap3A = arith.index_cast %add3A_556 : i32 to index
        %swap3A_557 = tpu.vector_load %arg11[%swap3A] {strides = array<i32>} : memref<32768xf32, #tpu.memory_space<vmem>>, vector<16xf32>,
        %swap3A_558 = vector.shape_cast %swap3A_557 : vector<16xf32> to vector<16xf32>
        %swap3A_559 = vector.shape_cast %mul3A_552 : vector<16xf32> to vector<16xf32>
        tpu.vector_store %arg11[%swap3A], %swap3A_559 {strides = array<i32>} : memref<32768xf32, #tpu.memory_space<vmem>>, vector<16xf32>,
        %mul3A_560 = arith.mulf %parallel_loop3A_543#1, %div3A_551 : vector<16xf32>
        %mul3A_561 = arith.constant 64 : i32
        %mul3A_562 = arith.muli %while3A_528, %mul3A_561 : i32
        %add3A_563 = arith.constant 16 : i32
        %add3A_564 = arith.addi %mul3A_562, %add3A_563 : i32
        %swap3A_565 = arith.index_cast %add3A_564 : i32 to index
        %swap3A_566 = tpu.vector_load %arg11[%swap3A_565] {strides = array<i32>} : memref<32768xf32, #tpu.memory_space<vmem>>, vector<16xf32>,
        %swap3A_567 = vector.shape_cast %swap3A_566 : vector<16xf32> to vector<16xf32>
        %swap3A_568 = vector.shape_cast %mul3A_560 : vector<16xf32> to vector<16xf32>
        tpu.vector_store %arg11[%swap3A_565], %swap3A_568 {strides = array<i32>} : memref<32768xf32, #tpu.memory_space<vmem>>, vector<16xf32>,
        %mul3A_569 = arith.mulf %parallel_loop3A_543#2, %div3A_551 : vector<16xf32>
        %mul3A_570 = arith.constant 64 : i32
        %mul3A_571 = arith.muli %while3A_528, %mul3A_570 : i32
        %add3A_572 = arith.constant 32 : i32
        %add3A_573 = arith.addi %mul3A_571, %add3A_572 : i32
        %swap3A_574 = arith.index_cast %add3A_573 : i32 to index
        %swap3A_575 = tpu.vector_load %arg11[%swap3A_574] {strides = array<i32>} : memref<32768xf32, #tpu.memory_space<vmem>>, vector<16xf32>,
        %swap3A_576 = vector.shape_cast %swap3A_575 : vector<16xf32> to vector<16xf32>
        %swap3A_577 = vector.shape_cast %mul3A_569 : vector<16xf32> to vector<16xf32>
        tpu.vector_store %arg11[%swap3A_574], %swap3A_577 {strides = array<i32>} : memref<32768xf32, #tpu.memory_space<vmem>>, vector<16xf32>,
        %mul3A_578 = arith.mulf %parallel_loop3A_543#3, %div3A_551 : vector<16xf32>
        %mul3A_579 = arith.constant 64 : i32
        %mul3A_580 = arith.muli %while3A_528, %mul3A_579 : i32
        %add3A_581 = arith.constant 48 : i32
        %add3A_582 = arith.addi %mul3A_580, %add3A_581 : i32
        %swap3A_583 = arith.index_cast %add3A_582 : i32 to index
        %swap3A_584 = tpu.vector_load %arg11[%swap3A_583] {strides = array<i32>} : memref<32768xf32, #tpu.memory_space<vmem>>, vector<16xf32>,
        %swap3A_585 = vector.shape_cast %swap3A_584 : vector<16xf32> to vector<16xf32>
        %swap3A_586 = vector.shape_cast %mul3A_578 : vector<16xf32> to vector<16xf32>
        tpu.vector_store %arg11[%swap3A_583], %swap3A_586 {strides = array<i32>} : memref<32768xf32, #tpu.memory_space<vmem>>, vector<16xf32>,
        scf.yield %squeeze3A_540, %broadcast_in_dim3A_90, %broadcast_in_dim3A_90, %broadcast_in_dim3A_90, %broadcast_in_dim3A_90 : i32, vector<16xf32>, vector<16xf32>, vector<16xf32>, vector<16xf32>
      }
      %max3A_388 = arith.maxsi %while3A_387#0, %add3A_358 : i32
      %min3A_389 = arith.minsi %max3A_388, %min3A_361 : i32
      %parallel_loop3A = arith.constant 1 : i32
      %parallel_loop3A_390:4 = scf.for %parallel_loop3A_528 = %min3A_389 to %min3A_361 step %parallel_loop3A iter_args(%parallel_loop3A_529 = %while3A_387#1, %parallel_loop3A_530 = %while3A_387#2, %parallel_loop3A_531 = %while3A_387#3, %parallel_loop3A_532 = %while3A_387#4) -> (vector<16xf32>, vector<16xf32>, vector<16xf32>, vector<16xf32>)  : i32 {
        %parallel_loop3A_533 = arith.subi %parallel_loop3A_528, %min3A_366 : i32
        %parallel_loop3A_534 = arith.index_cast %parallel_loop3A_533 : i32 to index
        %parallel_loop3A_535 = arith.constant 0 : index
        %parallel_loop3A_536 = tpu.vector_load %arg9[%parallel_loop3A_534, %parallel_loop3A_535] {strides = array<i32>} : memref<256x128xf32, #tpu.memory_space<vmem>>, vector<1x16xf32>,
        %parallel_loop3A_537 = vector.shape_cast %parallel_loop3A_536 : vector<1x16xf32> to vector<16xf32>
        %parallel_loop3A_538 = arith.addf %parallel_loop3A_529, %parallel_loop3A_537 : vector<16xf32>
        %parallel_loop3A_539 = arith.index_cast %parallel_loop3A_533 : i32 to index
        %parallel_loop3A_540 = arith.constant 16 : index
        %parallel_loop3A_541 = tpu.vector_load %arg9[%parallel_loop3A_539, %parallel_loop3A_540] {strides = array<i32>} : memref<256x128xf32, #tpu.memory_space<vmem>>, vector<1x16xf32>,
        %parallel_loop3A_542 = vector.shape_cast %parallel_loop3A_541 : vector<1x16xf32> to vector<16xf32>
        %parallel_loop3A_543 = arith.addf %parallel_loop3A_530, %parallel_loop3A_542 : vector<16xf32>
        %parallel_loop3A_544 = arith.index_cast %parallel_loop3A_533 : i32 to index
        %parallel_loop3A_545 = arith.constant 32 : index
        %parallel_loop3A_546 = tpu.vector_load %arg9[%parallel_loop3A_544, %parallel_loop3A_545] {strides = array<i32>} : memref<256x128xf32, #tpu.memory_space<vmem>>, vector<1x16xf32>,
        %parallel_loop3A_547 = vector.shape_cast %parallel_loop3A_546 : vector<1x16xf32> to vector<16xf32>
        %parallel_loop3A_548 = arith.addf %parallel_loop3A_531, %parallel_loop3A_547 : vector<16xf32>
        %parallel_loop3A_549 = arith.index_cast %parallel_loop3A_533 : i32 to index
        %parallel_loop3A_550 = arith.constant 48 : index
        %parallel_loop3A_551 = tpu.vector_load %arg9[%parallel_loop3A_549, %parallel_loop3A_550] {strides = array<i32>} : memref<256x128xf32, #tpu.memory_space<vmem>>, vector<1x16xf32>,
        %parallel_loop3A_552 = vector.shape_cast %parallel_loop3A_551 : vector<1x16xf32> to vector<16xf32>
        %parallel_loop3A_553 = arith.addf %parallel_loop3A_532, %parallel_loop3A_552 : vector<16xf32>
        scf.yield %parallel_loop3A_538, %parallel_loop3A_543, %parallel_loop3A_548, %parallel_loop3A_553 : vector<16xf32>, vector<16xf32>, vector<16xf32>, vector<16xf32>
      } {sc.loop_unroll_factor = 8 : i64, sc.parallel_access}
      %dma_wait3A_391 = arith.constant 0 : i32
      %dma_wait3A_392 = arith.constant 0 : i32
      %dma_wait3A_393 = arith.constant 0 : i32
      %dma_wait3A_394 = tpu.memref_slice %arg10[%dma_wait3A_392, %dma_wait3A_393] : memref<256x128xf32, #tpu.memory_space<vmem>> -> memref<128x128xf32, #tpu.memory_space<vmem>>
      %dma_wait3A_395 = arith.constant 0 : i32
      %dma_wait3A_396 = tpu.memref_slice %arg8[%dma_wait3A_391, %dma_wait3A_395] : memref<8x128xi32, #tpu.memory_space<vmem>> -> memref<1x128xi32, #tpu.memory_space<vmem>>
      %dma_wait3A_397 = tpu.memref_squeeze %dma_wait3A_396 : memref<1x128xi32, #tpu.memory_space<vmem>> -> memref<128xi32, #tpu.memory_space<vmem>>
      %dma_wait3A_398 = arith.constant 0 : i32
      %dma_wait3A_399 = arith.constant 0 : i32
      %dma_wait3A_400 = tpu.memref_slice %arg4[%dma_wait3A_398, %dma_wait3A_399] : memref<1000000x128xf32, #tpu.memory_space<hbm>> -> memref<1000000x128xf32, #tpu.memory_space<hbm>>
      tpu.wait_indirect_dma semaphore(%arg13 : memref<!tpu.dma_semaphore, #tpu.memory_space<semaphore_mem>>) src(%dma_wait3A_400 : memref<1000000x128xf32, #tpu.memory_space<hbm>>) dst(%dma_wait3A_394 : memref<128x128xf32, #tpu.memory_space<vmem>>)
      %dma_wait3A_401 = arith.constant 1 : i32
      %dma_wait3A_402 = arith.constant 128 : i32
      %dma_wait3A_403 = arith.constant 0 : i32
      %dma_wait3A_404 = tpu.memref_slice %arg10[%dma_wait3A_402, %dma_wait3A_403] : memref<256x128xf32, #tpu.memory_space<vmem>> -> memref<128x128xf32, #tpu.memory_space<vmem>>
      %dma_wait3A_405 = arith.constant 0 : i32
      %dma_wait3A_406 = tpu.memref_slice %arg8[%dma_wait3A_401, %dma_wait3A_405] : memref<8x128xi32, #tpu.memory_space<vmem>> -> memref<1x128xi32, #tpu.memory_space<vmem>>
      %dma_wait3A_407 = tpu.memref_squeeze %dma_wait3A_406 : memref<1x128xi32, #tpu.memory_space<vmem>> -> memref<128xi32, #tpu.memory_space<vmem>>
      %dma_wait3A_408 = arith.constant 0 : i32
      %dma_wait3A_409 = arith.constant 0 : i32
      %dma_wait3A_410 = tpu.memref_slice %arg4[%dma_wait3A_408, %dma_wait3A_409] : memref<1000000x128xf32, #tpu.memory_space<hbm>> -> memref<1000000x128xf32, #tpu.memory_space<hbm>>
      tpu.wait_indirect_dma semaphore(%arg13 : memref<!tpu.dma_semaphore, #tpu.memory_space<semaphore_mem>>) src(%dma_wait3A_410 : memref<1000000x128xf32, #tpu.memory_space<hbm>>) dst(%dma_wait3A_404 : memref<128x128xf32, #tpu.memory_space<vmem>>)
      %add3A_411 = arith.constant 2 : i32
      %add3A_412 = arith.addi %mul3A_257, %add3A_411 : i32
      %mul3A_413 = arith.constant 256 : i32
      %mul3A_414 = arith.muli %add3A_412, %mul3A_413 : i32
      %add3A_415 = arith.addi %mul3A_33, %mul3A_414 : i32
      %min3A_416 = arith.constant 163584 : i32
      %min3A_417 = arith.minsi %add3A_415, %min3A_416 : i32
      %add3A_418 = arith.constant 0 : i32
      %add3A_419 = arith.addi %min3A_417, %add3A_418 : i32
      %dma_wait3A_420 = arith.constant 0 : i32
      %dma_wait3A_421 = arith.constant 0 : i32
      %dma_wait3A_422 = tpu.memref_slice %arg7[%dma_wait3A_420, %dma_wait3A_421] : memref<8x128xi32, #tpu.memory_space<vmem>> -> memref<1x128xi32, #tpu.memory_space<vmem>>
      %dma_wait3A_423 = tpu.memref_squeeze %dma_wait3A_422 : memref<1x128xi32, #tpu.memory_space<vmem>> -> memref<128xi32, #tpu.memory_space<vmem>>
      %dma_wait3A_424 = tpu.memref_slice %arg2[%add3A_419] : memref<163840xi32, #tpu.memory_space<hbm>> -> memref<128xi32, #tpu.memory_space<hbm>>
      %dma_wait3A_425 = arith.constant 0 : i32
      %dma_wait3A_426 = tpu.memref_slice %arg7[%dma_wait3A_420, %dma_wait3A_425] : memref<8x128xi32, #tpu.memory_space<vmem>> -> memref<1x128xi32, #tpu.memory_space<vmem>>
      %dma_wait3A_427 = tpu.memref_squeeze %dma_wait3A_426 : memref<1x128xi32, #tpu.memory_space<vmem>> -> memref<128xi32, #tpu.memory_space<vmem>>
      %dma_wait3A_428 = tpu.memref_slice %arg2[%add3A_419] : memref<163840xi32, #tpu.memory_space<hbm>> -> memref<128xi32, #tpu.memory_space<hbm>>
      tpu.wait_dma2 semaphore(%arg14 : memref<!tpu.dma_semaphore, #tpu.memory_space<semaphore_mem>>) src(%dma_wait3A_428 : memref<128xi32, #tpu.memory_space<hbm>>) dst(%dma_wait3A_427 : memref<128xi32, #tpu.memory_space<vmem>>)
      %add3A_429 = arith.constant 128 : i32
      %add3A_430 = arith.addi %min3A_417, %add3A_429 : i32
      %dma_wait3A_431 = arith.constant 1 : i32
      %dma_wait3A_432 = arith.constant 0 : i32
      %dma_wait3A_433 = tpu.memref_slice %arg7[%dma_wait3A_431, %dma_wait3A_432] : memref<8x128xi32, #tpu.memory_space<vmem>> -> memref<1x128xi32, #tpu.memory_space<vmem>>
      %dma_wait3A_434 = tpu.memref_squeeze %dma_wait3A_433 : memref<1x128xi32, #tpu.memory_space<vmem>> -> memref<128xi32, #tpu.memory_space<vmem>>
      %dma_wait3A_435 = tpu.memref_slice %arg2[%add3A_430] : memref<163840xi32, #tpu.memory_space<hbm>> -> memref<128xi32, #tpu.memory_space<hbm>>
      %dma_wait3A_436 = arith.constant 0 : i32
      %dma_wait3A_437 = tpu.memref_slice %arg7[%dma_wait3A_431, %dma_wait3A_436] : memref<8x128xi32, #tpu.memory_space<vmem>> -> memref<1x128xi32, #tpu.memory_space<vmem>>
      %dma_wait3A_438 = tpu.memref_squeeze %dma_wait3A_437 : memref<1x128xi32, #tpu.memory_space<vmem>> -> memref<128xi32, #tpu.memory_space<vmem>>
      %dma_wait3A_439 = tpu.memref_slice %arg2[%add3A_430] : memref<163840xi32, #tpu.memory_space<hbm>> -> memref<128xi32, #tpu.memory_space<hbm>>
      tpu.wait_dma2 semaphore(%arg14 : memref<!tpu.dma_semaphore, #tpu.memory_space<semaphore_mem>>) src(%dma_wait3A_439 : memref<128xi32, #tpu.memory_space<hbm>>) dst(%dma_wait3A_438 : memref<128xi32, #tpu.memory_space<vmem>>)
      %dma_start3A_440 = arith.constant 0 : i32
      %dma_start3A_441 = arith.constant 0 : i32
      %dma_start3A_442 = arith.constant 0 : i32
      %dma_start3A_443 = tpu.memref_slice %arg9[%dma_start3A_441, %dma_start3A_442] : memref<256x128xf32, #tpu.memory_space<vmem>> -> memref<128x128xf32, #tpu.memory_space<vmem>>
      %dma_start3A_444 = arith.constant 0 : i32
      %dma_start3A_445 = tpu.memref_slice %arg7[%dma_start3A_440, %dma_start3A_444] : memref<8x128xi32, #tpu.memory_space<vmem>> -> memref<1x128xi32, #tpu.memory_space<vmem>>
      %dma_start3A_446 = tpu.memref_squeeze %dma_start3A_445 : memref<1x128xi32, #tpu.memory_space<vmem>> -> memref<128xi32, #tpu.memory_space<vmem>>
      %dma_start3A_447 = arith.constant 0 : i32
      %dma_start3A_448 = arith.constant 0 : i32
      %dma_start3A_449 = tpu.memref_slice %arg4[%dma_start3A_447, %dma_start3A_448] : memref<1000000x128xf32, #tpu.memory_space<hbm>> -> memref<1000000x128xf32, #tpu.memory_space<hbm>>
      tpu.enqueue_indirect_dma source(%dma_start3A_449 : memref<1000000x128xf32, #tpu.memory_space<hbm>>) target(%dma_start3A_443 : memref<128x128xf32, #tpu.memory_space<vmem>>) offsets(%dma_start3A_446 : memref<128xi32, #tpu.memory_space<vmem>>) semaphore(%arg12 : memref<!tpu.dma_semaphore, #tpu.memory_space<semaphore_mem>>)
      %dma_start3A_450 = arith.constant 1 : i32
      %dma_start3A_451 = arith.constant 128 : i32
      %dma_start3A_452 = arith.constant 0 : i32
      %dma_start3A_453 = tpu.memref_slice %arg9[%dma_start3A_451, %dma_start3A_452] : memref<256x128xf32, #tpu.memory_space<vmem>> -> memref<128x128xf32, #tpu.memory_space<vmem>>
      %dma_start3A_454 = arith.constant 0 : i32
      %dma_start3A_455 = tpu.memref_slice %arg7[%dma_start3A_450, %dma_start3A_454] : memref<8x128xi32, #tpu.memory_space<vmem>> -> memref<1x128xi32, #tpu.memory_space<vmem>>
      %dma_start3A_456 = tpu.memref_squeeze %dma_start3A_455 : memref<1x128xi32, #tpu.memory_space<vmem>> -> memref<128xi32, #tpu.memory_space<vmem>>
      %dma_start3A_457 = arith.constant 0 : i32
      %dma_start3A_458 = arith.constant 0 : i32
      %dma_start3A_459 = tpu.memref_slice %arg4[%dma_start3A_457, %dma_start3A_458] : memref<1000000x128xf32, #tpu.memory_space<hbm>> -> memref<1000000x128xf32, #tpu.memory_space<hbm>>
      tpu.enqueue_indirect_dma source(%dma_start3A_459 : memref<1000000x128xf32, #tpu.memory_space<hbm>>) target(%dma_start3A_453 : memref<128x128xf32, #tpu.memory_space<vmem>>) offsets(%dma_start3A_456 : memref<128xi32, #tpu.memory_space<vmem>>) semaphore(%arg12 : memref<!tpu.dma_semaphore, #tpu.memory_space<semaphore_mem>>)
      %add3A_460 = arith.constant 3 : i32
      %add3A_461 = arith.addi %mul3A_257, %add3A_460 : i32
      %mul3A_462 = arith.constant 256 : i32
      %mul3A_463 = arith.muli %add3A_461, %mul3A_462 : i32
      %add3A_464 = arith.addi %mul3A_33, %mul3A_463 : i32
      %min3A_465 = arith.constant 163584 : i32
      %min3A_466 = arith.minsi %add3A_464, %min3A_465 : i32
      %add3A_467 = arith.constant 0 : i32
      %add3A_468 = arith.addi %min3A_466, %add3A_467 : i32
      %dma_start3A_469 = arith.constant 0 : i32
      %dma_start3A_470 = arith.constant 0 : i32
      %dma_start3A_471 = tpu.memref_slice %arg8[%dma_start3A_469, %dma_start3A_470] : memref<8x128xi32, #tpu.memory_space<vmem>> -> memref<1x128xi32, #tpu.memory_space<vmem>>
      %dma_start3A_472 = tpu.memref_squeeze %dma_start3A_471 : memref<1x128xi32, #tpu.memory_space<vmem>> -> memref<128xi32, #tpu.memory_space<vmem>>
      %dma_start3A_473 = tpu.memref_slice %arg2[%add3A_468] : memref<163840xi32, #tpu.memory_space<hbm>> -> memref<128xi32, #tpu.memory_space<hbm>>
      %dma_start3A_474 = arith.constant 0 : i32
      %dma_start3A_475 = tpu.memref_slice %arg8[%dma_start3A_469, %dma_start3A_474] : memref<8x128xi32, #tpu.memory_space<vmem>> -> memref<1x128xi32, #tpu.memory_space<vmem>>
      %dma_start3A_476 = tpu.memref_squeeze %dma_start3A_475 : memref<1x128xi32, #tpu.memory_space<vmem>> -> memref<128xi32, #tpu.memory_space<vmem>>
      %dma_start3A_477 = tpu.memref_slice %arg2[%add3A_468] : memref<163840xi32, #tpu.memory_space<hbm>> -> memref<128xi32, #tpu.memory_space<hbm>>
      tpu.enqueue_dma source(%dma_start3A_477 : memref<128xi32, #tpu.memory_space<hbm>>) target(%dma_start3A_476 : memref<128xi32, #tpu.memory_space<vmem>>) target_semaphore(%arg15 : memref<!tpu.dma_semaphore, #tpu.memory_space<semaphore_mem>>)
      %add3A_478 = arith.constant 128 : i32
      %add3A_479 = arith.addi %min3A_466, %add3A_478 : i32
      %dma_start3A_480 = arith.constant 1 : i32
      %dma_start3A_481 = arith.constant 0 : i32
      %dma_start3A_482 = tpu.memref_slice %arg8[%dma_start3A_480, %dma_start3A_481] : memref<8x128xi32, #tpu.memory_space<vmem>> -> memref<1x128xi32, #tpu.memory_space<vmem>>
      %dma_start3A_483 = tpu.memref_squeeze %dma_start3A_482 : memref<1x128xi32, #tpu.memory_space<vmem>> -> memref<128xi32, #tpu.memory_space<vmem>>
      %dma_start3A_484 = tpu.memref_slice %arg2[%add3A_479] : memref<163840xi32, #tpu.memory_space<hbm>> -> memref<128xi32, #tpu.memory_space<hbm>>
      %dma_start3A_485 = arith.constant 0 : i32
      %dma_start3A_486 = tpu.memref_slice %arg8[%dma_start3A_480, %dma_start3A_485] : memref<8x128xi32, #tpu.memory_space<vmem>> -> memref<1x128xi32, #tpu.memory_space<vmem>>
      %dma_start3A_487 = tpu.memref_squeeze %dma_start3A_486 : memref<1x128xi32, #tpu.memory_space<vmem>> -> memref<128xi32, #tpu.memory_space<vmem>>
      %dma_start3A_488 = tpu.memref_slice %arg2[%add3A_479] : memref<163840xi32, #tpu.memory_space<hbm>> -> memref<128xi32, #tpu.memory_space<hbm>>
      tpu.enqueue_dma source(%dma_start3A_488 : memref<128xi32, #tpu.memory_space<hbm>>) target(%dma_start3A_487 : memref<128xi32, #tpu.memory_space<vmem>>) target_semaphore(%arg15 : memref<!tpu.dma_semaphore, #tpu.memory_space<semaphore_mem>>)
      %add3A_489 = arith.constant 1 : i32
      %add3A_490 = arith.addi %mul3A_257, %add3A_489 : i32
      %mul3A_491 = arith.constant 256 : i32
      %mul3A_492 = arith.muli %add3A_490, %mul3A_491 : i32
      %add3A_493 = arith.addi %mul3A_33, %mul3A_492 : i32
      %add3A_494 = arith.constant 256 : i32
      %add3A_495 = arith.addi %add3A_493, %add3A_494 : i32
      %min3A_496 = arith.minsi %add3A_495, %squeeze3A_15 : i32
      %mul3A_497 = arith.constant 256 : i32
      %mul3A_498 = arith.muli %add3A_490, %mul3A_497 : i32
      %add3A_499 = arith.addi %mul3A_33, %mul3A_498 : i32
      %min3A_500 = arith.constant 163584 : i32
      %min3A_501 = arith.minsi %add3A_499, %min3A_500 : i32
      %scan3A_502 = arith.constant 512 : i32
      %scan3A_503 = arith.constant 0 : i32
      %scan3A_504 = arith.constant 10 : i32
      %scan3A_505 = arith.addi %scan3A_503, %scan3A_504 : i32
      %scan3A_506 = arith.constant 1 : i32
      %scan3A_507:2 = scf.for %scan3A_528 = %scan3A_503 to %scan3A_505 step %scan3A_506 iter_args(%scan3A_529 = %scan3A_371#0, %scan3A_530 = %scan3A_502) -> (i32, i32)  : i32 {
        %add3A_531 = arith.addi %scan3A_529, %scan3A_530 : i32
        %add3A_532 = arith.constant 1 : i32
        %add3A_533 = arith.addi %add3A_531, %add3A_532 : i32
        %jit3A_534 = arith.constant 2 : i32
        %div3A_535 = arith.divsi %add3A_533, %jit3A_534 : i32
        %sign3A_536 = arith.constant 0 : i32
        %sign3A_537 = arith.cmpi sgt, %add3A_533, %sign3A_536 : i32
        %sign3A_538 = arith.extui %sign3A_537 : i1 to i32
        %sign3A_539 = arith.constant 0 : i32
        %sign3A_540 = arith.cmpi slt, %add3A_533, %sign3A_539 : i32
        %sign3A_541 = arith.extui %sign3A_540 : i1 to i32
        %sign3A_542 = arith.subi %sign3A_538, %sign3A_541 : i32
        %sign3A_543 = arith.constant 0 : i32
        %sign3A_544 = arith.cmpi sgt, %jit3A_534, %sign3A_543 : i32
        %sign3A_545 = arith.extui %sign3A_544 : i1 to i32
        %sign3A_546 = arith.constant 0 : i32
        %sign3A_547 = arith.cmpi slt, %jit3A_534, %sign3A_546 : i32
        %sign3A_548 = arith.extui %sign3A_547 : i1 to i32
        %sign3A_549 = arith.subi %sign3A_545, %sign3A_548 : i32
        %ne3A_550 = arith.cmpi ne, %sign3A_542, %sign3A_549 : i32
        %rem3A_551 = arith.remsi %add3A_533, %jit3A_534 : i32
        %ne3A_552 = arith.constant 0 : i32
        %ne3A_553 = arith.cmpi ne, %rem3A_551, %ne3A_552 : i32
        %and3A_554 = arith.andi %ne3A_550, %ne3A_553 : i1
        %sub3A_555 = arith.constant 1 : i32
        %sub3A_556 = arith.subi %div3A_535, %sub3A_555 : i32
        %select_n3A_557 = arith.select %and3A_554, %sub3A_556, %div3A_535 : i32
        %get3A_558 = arith.index_cast %select_n3A_557 : i32 to index
        %get3A_559 = tpu.vector_load %arg6[%get3A_558] {strides = array<i32>} : memref<536xi32, #tpu.memory_space<vmem>>, vector<16xi32>,
        %get3A_560 = vector.shape_cast %get3A_559 : vector<16xi32> to vector<16xi32>
        %slice3A_561 = vector.extract_strided_slice %get3A_560 {offsets = [0], sizes = [1], strides = [1]} : vector<16xi32> to vector<1xi32>
        %squeeze3A_562 = vector.extract %slice3A_561[0] : i32 from vector<1xi32>
        %le3A = arith.cmpi sle, %squeeze3A_562, %min3A_496 : i32
        %select_n3A_563 = arith.select %le3A, %select_n3A_557, %scan3A_529 : i32
        %sub3A_564 = arith.constant 1 : i32
        %sub3A_565 = arith.subi %select_n3A_557, %sub3A_564 : i32
        %select_n3A_566 = arith.select %le3A, %scan3A_530, %sub3A_565 : i32
        scf.yield %select_n3A_563, %select_n3A_566 : i32, i32
      }
      %scan3A_508 = arith.constant 10 : i32
      %get3A_509 = arith.index_cast %scan3A_371#0 : i32 to index
      %get3A_510 = tpu.vector_load %arg6[%get3A_509] {strides = array<i32>} : memref<536xi32, #tpu.memory_space<vmem>>, vector<16xi32>,
      %get3A_511 = vector.shape_cast %get3A_510 : vector<16xi32> to vector<16xi32>
      %slice3A_512 = vector.extract_strided_slice %get3A_511 {offsets = [0], sizes = [1], strides = [1]} : vector<16xi32> to vector<1xi32>
      %squeeze3A_513 = vector.extract %slice3A_512[0] : i32 from vector<1xi32>
      %while3A_514 = arith.subi %scan3A_507#0, %scan3A_371#0 : i32
      %while3A_515 = arith.addi %scan3A_371#0, %while3A_514 : i32
      %while3A_516 = arith.constant 1 : i32
      %while3A_517 = arith.divsi %while3A_514, %while3A_516 : i32
      %while3A_518 = arith.muli %while3A_517, %while3A_516 : i32
      %while3A_519 = arith.addi %scan3A_371#0, %while3A_518 : i32
      %while3A_520 = arith.constant 1 : i32
      %while3A_521:5 = scf.for %while3A_528 = %scan3A_371#0 to %while3A_519 step %while3A_520 iter_args(%while3A_529 = %squeeze3A_513, %while3A_530 = %parallel_loop3A_390#0, %while3A_531 = %parallel_loop3A_390#1, %while3A_532 = %parallel_loop3A_390#2, %while3A_533 = %parallel_loop3A_390#3) -> (i32, vector<16xf32>, vector<16xf32>, vector<16xf32>, vector<16xf32>)  : i32 {
        %add3A_534 = arith.constant 1 : i32
        %add3A_535 = arith.addi %while3A_528, %add3A_534 : i32
        %get3A_536 = arith.index_cast %add3A_535 : i32 to index
        %get3A_537 = tpu.vector_load %arg6[%get3A_536] {strides = array<i32>} : memref<536xi32, #tpu.memory_space<vmem>>, vector<16xi32>,
        %get3A_538 = vector.shape_cast %get3A_537 : vector<16xi32> to vector<16xi32>
        %slice3A_539 = vector.extract_strided_slice %get3A_538 {offsets = [0], sizes = [1], strides = [1]} : vector<16xi32> to vector<1xi32>
        %squeeze3A_540 = vector.extract %slice3A_539[0] : i32 from vector<1xi32>
        %max3A_541 = arith.maxsi %while3A_529, %add3A_493 : i32
        %parallel_loop3A_542 = arith.constant 1 : i32
        %parallel_loop3A_543:4 = scf.for %parallel_loop3A_587 = %max3A_541 to %squeeze3A_540 step %parallel_loop3A_542 iter_args(%parallel_loop3A_588 = %while3A_530, %parallel_loop3A_589 = %while3A_531, %parallel_loop3A_590 = %while3A_532, %parallel_loop3A_591 = %while3A_533) -> (vector<16xf32>, vector<16xf32>, vector<16xf32>, vector<16xf32>)  : i32 {
          %parallel_loop3A_592 = arith.subi %parallel_loop3A_587, %min3A_501 : i32
          %parallel_loop3A_593 = arith.index_cast %parallel_loop3A_592 : i32 to index
          %parallel_loop3A_594 = arith.constant 0 : index
          %parallel_loop3A_595 = tpu.vector_load %arg10[%parallel_loop3A_593, %parallel_loop3A_594] {strides = array<i32>} : memref<256x128xf32, #tpu.memory_space<vmem>>, vector<1x16xf32>,
          %parallel_loop3A_596 = vector.shape_cast %parallel_loop3A_595 : vector<1x16xf32> to vector<16xf32>
          %parallel_loop3A_597 = arith.addf %parallel_loop3A_588, %parallel_loop3A_596 : vector<16xf32>
          %parallel_loop3A_598 = arith.index_cast %parallel_loop3A_592 : i32 to index
          %parallel_loop3A_599 = arith.constant 16 : index
          %parallel_loop3A_600 = tpu.vector_load %arg10[%parallel_loop3A_598, %parallel_loop3A_599] {strides = array<i32>} : memref<256x128xf32, #tpu.memory_space<vmem>>, vector<1x16xf32>,
          %parallel_loop3A_601 = vector.shape_cast %parallel_loop3A_600 : vector<1x16xf32> to vector<16xf32>
          %parallel_loop3A_602 = arith.addf %parallel_loop3A_589, %parallel_loop3A_601 : vector<16xf32>
          %parallel_loop3A_603 = arith.index_cast %parallel_loop3A_592 : i32 to index
          %parallel_loop3A_604 = arith.constant 32 : index
          %parallel_loop3A_605 = tpu.vector_load %arg10[%parallel_loop3A_603, %parallel_loop3A_604] {strides = array<i32>} : memref<256x128xf32, #tpu.memory_space<vmem>>, vector<1x16xf32>,
          %parallel_loop3A_606 = vector.shape_cast %parallel_loop3A_605 : vector<1x16xf32> to vector<16xf32>
          %parallel_loop3A_607 = arith.addf %parallel_loop3A_590, %parallel_loop3A_606 : vector<16xf32>
          %parallel_loop3A_608 = arith.index_cast %parallel_loop3A_592 : i32 to index
          %parallel_loop3A_609 = arith.constant 48 : index
          %parallel_loop3A_610 = tpu.vector_load %arg10[%parallel_loop3A_608, %parallel_loop3A_609] {strides = array<i32>} : memref<256x128xf32, #tpu.memory_space<vmem>>, vector<1x16xf32>,
          %parallel_loop3A_611 = vector.shape_cast %parallel_loop3A_610 : vector<1x16xf32> to vector<16xf32>
          %parallel_loop3A_612 = arith.addf %parallel_loop3A_591, %parallel_loop3A_611 : vector<16xf32>
          scf.yield %parallel_loop3A_597, %parallel_loop3A_602, %parallel_loop3A_607, %parallel_loop3A_612 : vector<16xf32>, vector<16xf32>, vector<16xf32>, vector<16xf32>
        } {sc.loop_unroll_factor = 8 : i64, sc.parallel_access}
        %sub3A_544 = arith.subi %squeeze3A_540, %while3A_529 : i32
        %max3A_545 = arith.constant 1 : i32
        %max3A_546 = arith.maxsi %sub3A_544, %max3A_545 : i32
        %broadcast_in_dim3A_547 = vector.broadcast %max3A_546 : i32 to vector<16xi32>
        %convert_element_type3A_548 = arith.sitofp %broadcast_in_dim3A_547 : vector<16xi32> to vector<16xf32>
        %div3A_549 = arith.constant 1.000000e+00 : f32
        %div3A_550 = vector.broadcast %div3A_549 : f32 to vector<16xf32>
        %div3A_551 = arith.divf %div3A_550, %convert_element_type3A_548 : vector<16xf32>
        %mul3A_552 = arith.mulf %parallel_loop3A_543#0, %div3A_551 : vector<16xf32>
        %mul3A_553 = arith.constant 64 : i32
        %mul3A_554 = arith.muli %while3A_528, %mul3A_553 : i32
        %add3A_555 = arith.constant 0 : i32
        %add3A_556 = arith.addi %mul3A_554, %add3A_555 : i32
        %swap3A = arith.index_cast %add3A_556 : i32 to index
        %swap3A_557 = tpu.vector_load %arg11[%swap3A] {strides = array<i32>} : memref<32768xf32, #tpu.memory_space<vmem>>, vector<16xf32>,
        %swap3A_558 = vector.shape_cast %swap3A_557 : vector<16xf32> to vector<16xf32>
        %swap3A_559 = vector.shape_cast %mul3A_552 : vector<16xf32> to vector<16xf32>
        tpu.vector_store %arg11[%swap3A], %swap3A_559 {strides = array<i32>} : memref<32768xf32, #tpu.memory_space<vmem>>, vector<16xf32>,
        %mul3A_560 = arith.mulf %parallel_loop3A_543#1, %div3A_551 : vector<16xf32>
        %mul3A_561 = arith.constant 64 : i32
        %mul3A_562 = arith.muli %while3A_528, %mul3A_561 : i32
        %add3A_563 = arith.constant 16 : i32
        %add3A_564 = arith.addi %mul3A_562, %add3A_563 : i32
        %swap3A_565 = arith.index_cast %add3A_564 : i32 to index
        %swap3A_566 = tpu.vector_load %arg11[%swap3A_565] {strides = array<i32>} : memref<32768xf32, #tpu.memory_space<vmem>>, vector<16xf32>,
        %swap3A_567 = vector.shape_cast %swap3A_566 : vector<16xf32> to vector<16xf32>
        %swap3A_568 = vector.shape_cast %mul3A_560 : vector<16xf32> to vector<16xf32>
        tpu.vector_store %arg11[%swap3A_565], %swap3A_568 {strides = array<i32>} : memref<32768xf32, #tpu.memory_space<vmem>>, vector<16xf32>,
        %mul3A_569 = arith.mulf %parallel_loop3A_543#2, %div3A_551 : vector<16xf32>
        %mul3A_570 = arith.constant 64 : i32
        %mul3A_571 = arith.muli %while3A_528, %mul3A_570 : i32
        %add3A_572 = arith.constant 32 : i32
        %add3A_573 = arith.addi %mul3A_571, %add3A_572 : i32
        %swap3A_574 = arith.index_cast %add3A_573 : i32 to index
        %swap3A_575 = tpu.vector_load %arg11[%swap3A_574] {strides = array<i32>} : memref<32768xf32, #tpu.memory_space<vmem>>, vector<16xf32>,
        %swap3A_576 = vector.shape_cast %swap3A_575 : vector<16xf32> to vector<16xf32>
        %swap3A_577 = vector.shape_cast %mul3A_569 : vector<16xf32> to vector<16xf32>
        tpu.vector_store %arg11[%swap3A_574], %swap3A_577 {strides = array<i32>} : memref<32768xf32, #tpu.memory_space<vmem>>, vector<16xf32>,
        %mul3A_578 = arith.mulf %parallel_loop3A_543#3, %div3A_551 : vector<16xf32>
        %mul3A_579 = arith.constant 64 : i32
        %mul3A_580 = arith.muli %while3A_528, %mul3A_579 : i32
        %add3A_581 = arith.constant 48 : i32
        %add3A_582 = arith.addi %mul3A_580, %add3A_581 : i32
        %swap3A_583 = arith.index_cast %add3A_582 : i32 to index
        %swap3A_584 = tpu.vector_load %arg11[%swap3A_583] {strides = array<i32>} : memref<32768xf32, #tpu.memory_space<vmem>>, vector<16xf32>,
        %swap3A_585 = vector.shape_cast %swap3A_584 : vector<16xf32> to vector<16xf32>
        %swap3A_586 = vector.shape_cast %mul3A_578 : vector<16xf32> to vector<16xf32>
        tpu.vector_store %arg11[%swap3A_583], %swap3A_586 {strides = array<i32>} : memref<32768xf32, #tpu.memory_space<vmem>>, vector<16xf32>,
        scf.yield %squeeze3A_540, %broadcast_in_dim3A_90, %broadcast_in_dim3A_90, %broadcast_in_dim3A_90, %broadcast_in_dim3A_90 : i32, vector<16xf32>, vector<16xf32>, vector<16xf32>, vector<16xf32>
      }
      %while3A_522 = arith.constant 1 : i32
      %while3A_523:5 = scf.for %while3A_528 = %while3A_519 to %while3A_515 step %while3A_522 iter_args(%while3A_529 = %while3A_521#0, %while3A_530 = %while3A_521#1, %while3A_531 = %while3A_521#2, %while3A_532 = %while3A_521#3, %while3A_533 = %while3A_521#4) -> (i32, vector<16xf32>, vector<16xf32>, vector<16xf32>, vector<16xf32>)  : i32 {
        %add3A_534 = arith.constant 1 : i32
        %add3A_535 = arith.addi %while3A_528, %add3A_534 : i32
        %get3A_536 = arith.index_cast %add3A_535 : i32 to index
        %get3A_537 = tpu.vector_load %arg6[%get3A_536] {strides = array<i32>} : memref<536xi32, #tpu.memory_space<vmem>>, vector<16xi32>,
        %get3A_538 = vector.shape_cast %get3A_537 : vector<16xi32> to vector<16xi32>
        %slice3A_539 = vector.extract_strided_slice %get3A_538 {offsets = [0], sizes = [1], strides = [1]} : vector<16xi32> to vector<1xi32>
        %squeeze3A_540 = vector.extract %slice3A_539[0] : i32 from vector<1xi32>
        %max3A_541 = arith.maxsi %while3A_529, %add3A_493 : i32
        %parallel_loop3A_542 = arith.constant 1 : i32
        %parallel_loop3A_543:4 = scf.for %parallel_loop3A_587 = %max3A_541 to %squeeze3A_540 step %parallel_loop3A_542 iter_args(%parallel_loop3A_588 = %while3A_530, %parallel_loop3A_589 = %while3A_531, %parallel_loop3A_590 = %while3A_532, %parallel_loop3A_591 = %while3A_533) -> (vector<16xf32>, vector<16xf32>, vector<16xf32>, vector<16xf32>)  : i32 {
          %parallel_loop3A_592 = arith.subi %parallel_loop3A_587, %min3A_501 : i32
          %parallel_loop3A_593 = arith.index_cast %parallel_loop3A_592 : i32 to index
          %parallel_loop3A_594 = arith.constant 0 : index
          %parallel_loop3A_595 = tpu.vector_load %arg10[%parallel_loop3A_593, %parallel_loop3A_594] {strides = array<i32>} : memref<256x128xf32, #tpu.memory_space<vmem>>, vector<1x16xf32>,
          %parallel_loop3A_596 = vector.shape_cast %parallel_loop3A_595 : vector<1x16xf32> to vector<16xf32>
          %parallel_loop3A_597 = arith.addf %parallel_loop3A_588, %parallel_loop3A_596 : vector<16xf32>
          %parallel_loop3A_598 = arith.index_cast %parallel_loop3A_592 : i32 to index
          %parallel_loop3A_599 = arith.constant 16 : index
          %parallel_loop3A_600 = tpu.vector_load %arg10[%parallel_loop3A_598, %parallel_loop3A_599] {strides = array<i32>} : memref<256x128xf32, #tpu.memory_space<vmem>>, vector<1x16xf32>,
          %parallel_loop3A_601 = vector.shape_cast %parallel_loop3A_600 : vector<1x16xf32> to vector<16xf32>
          %parallel_loop3A_602 = arith.addf %parallel_loop3A_589, %parallel_loop3A_601 : vector<16xf32>
          %parallel_loop3A_603 = arith.index_cast %parallel_loop3A_592 : i32 to index
          %parallel_loop3A_604 = arith.constant 32 : index
          %parallel_loop3A_605 = tpu.vector_load %arg10[%parallel_loop3A_603, %parallel_loop3A_604] {strides = array<i32>} : memref<256x128xf32, #tpu.memory_space<vmem>>, vector<1x16xf32>,
          %parallel_loop3A_606 = vector.shape_cast %parallel_loop3A_605 : vector<1x16xf32> to vector<16xf32>
          %parallel_loop3A_607 = arith.addf %parallel_loop3A_590, %parallel_loop3A_606 : vector<16xf32>
          %parallel_loop3A_608 = arith.index_cast %parallel_loop3A_592 : i32 to index
          %parallel_loop3A_609 = arith.constant 48 : index
          %parallel_loop3A_610 = tpu.vector_load %arg10[%parallel_loop3A_608, %parallel_loop3A_609] {strides = array<i32>} : memref<256x128xf32, #tpu.memory_space<vmem>>, vector<1x16xf32>,
          %parallel_loop3A_611 = vector.shape_cast %parallel_loop3A_610 : vector<1x16xf32> to vector<16xf32>
          %parallel_loop3A_612 = arith.addf %parallel_loop3A_591, %parallel_loop3A_611 : vector<16xf32>
          scf.yield %parallel_loop3A_597, %parallel_loop3A_602, %parallel_loop3A_607, %parallel_loop3A_612 : vector<16xf32>, vector<16xf32>, vector<16xf32>, vector<16xf32>
        } {sc.loop_unroll_factor = 8 : i64, sc.parallel_access}
        %sub3A_544 = arith.subi %squeeze3A_540, %while3A_529 : i32
        %max3A_545 = arith.constant 1 : i32
        %max3A_546 = arith.maxsi %sub3A_544, %max3A_545 : i32
        %broadcast_in_dim3A_547 = vector.broadcast %max3A_546 : i32 to vector<16xi32>
        %convert_element_type3A_548 = arith.sitofp %broadcast_in_dim3A_547 : vector<16xi32> to vector<16xf32>
        %div3A_549 = arith.constant 1.000000e+00 : f32
        %div3A_550 = vector.broadcast %div3A_549 : f32 to vector<16xf32>
        %div3A_551 = arith.divf %div3A_550, %convert_element_type3A_548 : vector<16xf32>
        %mul3A_552 = arith.mulf %parallel_loop3A_543#0, %div3A_551 : vector<16xf32>
        %mul3A_553 = arith.constant 64 : i32
        %mul3A_554 = arith.muli %while3A_528, %mul3A_553 : i32
        %add3A_555 = arith.constant 0 : i32
        %add3A_556 = arith.addi %mul3A_554, %add3A_555 : i32
        %swap3A = arith.index_cast %add3A_556 : i32 to index
        %swap3A_557 = tpu.vector_load %arg11[%swap3A] {strides = array<i32>} : memref<32768xf32, #tpu.memory_space<vmem>>, vector<16xf32>,
        %swap3A_558 = vector.shape_cast %swap3A_557 : vector<16xf32> to vector<16xf32>
        %swap3A_559 = vector.shape_cast %mul3A_552 : vector<16xf32> to vector<16xf32>
        tpu.vector_store %arg11[%swap3A], %swap3A_559 {strides = array<i32>} : memref<32768xf32, #tpu.memory_space<vmem>>, vector<16xf32>,
        %mul3A_560 = arith.mulf %parallel_loop3A_543#1, %div3A_551 : vector<16xf32>
        %mul3A_561 = arith.constant 64 : i32
        %mul3A_562 = arith.muli %while3A_528, %mul3A_561 : i32
        %add3A_563 = arith.constant 16 : i32
        %add3A_564 = arith.addi %mul3A_562, %add3A_563 : i32
        %swap3A_565 = arith.index_cast %add3A_564 : i32 to index
        %swap3A_566 = tpu.vector_load %arg11[%swap3A_565] {strides = array<i32>} : memref<32768xf32, #tpu.memory_space<vmem>>, vector<16xf32>,
        %swap3A_567 = vector.shape_cast %swap3A_566 : vector<16xf32> to vector<16xf32>
        %swap3A_568 = vector.shape_cast %mul3A_560 : vector<16xf32> to vector<16xf32>
        tpu.vector_store %arg11[%swap3A_565], %swap3A_568 {strides = array<i32>} : memref<32768xf32, #tpu.memory_space<vmem>>, vector<16xf32>,
        %mul3A_569 = arith.mulf %parallel_loop3A_543#2, %div3A_551 : vector<16xf32>
        %mul3A_570 = arith.constant 64 : i32
        %mul3A_571 = arith.muli %while3A_528, %mul3A_570 : i32
        %add3A_572 = arith.constant 32 : i32
        %add3A_573 = arith.addi %mul3A_571, %add3A_572 : i32
        %swap3A_574 = arith.index_cast %add3A_573 : i32 to index
        %swap3A_575 = tpu.vector_load %arg11[%swap3A_574] {strides = array<i32>} : memref<32768xf32, #tpu.memory_space<vmem>>, vector<16xf32>,
        %swap3A_576 = vector.shape_cast %swap3A_575 : vector<16xf32> to vector<16xf32>
        %swap3A_577 = vector.shape_cast %mul3A_569 : vector<16xf32> to vector<16xf32>
        tpu.vector_store %arg11[%swap3A_574], %swap3A_577 {strides = array<i32>} : memref<32768xf32, #tpu.memory_space<vmem>>, vector<16xf32>,
        %mul3A_578 = arith.mulf %parallel_loop3A_543#3, %div3A_551 : vector<16xf32>
        %mul3A_579 = arith.constant 64 : i32
        %mul3A_580 = arith.muli %while3A_528, %mul3A_579 : i32
        %add3A_581 = arith.constant 48 : i32
        %add3A_582 = arith.addi %mul3A_580, %add3A_581 : i32
        %swap3A_583 = arith.index_cast %add3A_582 : i32 to index
        %swap3A_584 = tpu.vector_load %arg11[%swap3A_583] {strides = array<i32>} : memref<32768xf32, #tpu.memory_space<vmem>>, vector<16xf32>,
        %swap3A_585 = vector.shape_cast %swap3A_584 : vector<16xf32> to vector<16xf32>
        %swap3A_586 = vector.shape_cast %mul3A_578 : vector<16xf32> to vector<16xf32>
        tpu.vector_store %arg11[%swap3A_583], %swap3A_586 {strides = array<i32>} : memref<32768xf32, #tpu.memory_space<vmem>>, vector<16xf32>,
        scf.yield %squeeze3A_540, %broadcast_in_dim3A_90, %broadcast_in_dim3A_90, %broadcast_in_dim3A_90, %broadcast_in_dim3A_90 : i32, vector<16xf32>, vector<16xf32>, vector<16xf32>, vector<16xf32>
      }
      %max3A_524 = arith.maxsi %while3A_523#0, %add3A_493 : i32
      %min3A_525 = arith.minsi %max3A_524, %min3A_496 : i32
      %parallel_loop3A_526 = arith.constant 1 : i32
      %parallel_loop3A_527:4 = scf.for %parallel_loop3A_528 = %min3A_525 to %min3A_496 step %parallel_loop3A_526 iter_args(%parallel_loop3A_529 = %while3A_523#1, %parallel_loop3A_530 = %while3A_523#2, %parallel_loop3A_531 = %while3A_523#3, %parallel_loop3A_532 = %while3A_523#4) -> (vector<16xf32>, vector<16xf32>, vector<16xf32>, vector<16xf32>)  : i32 {
        %parallel_loop3A_533 = arith.subi %parallel_loop3A_528, %min3A_501 : i32
        %parallel_loop3A_534 = arith.index_cast %parallel_loop3A_533 : i32 to index
        %parallel_loop3A_535 = arith.constant 0 : index
        %parallel_loop3A_536 = tpu.vector_load %arg10[%parallel_loop3A_534, %parallel_loop3A_535] {strides = array<i32>} : memref<256x128xf32, #tpu.memory_space<vmem>>, vector<1x16xf32>,
        %parallel_loop3A_537 = vector.shape_cast %parallel_loop3A_536 : vector<1x16xf32> to vector<16xf32>
        %parallel_loop3A_538 = arith.addf %parallel_loop3A_529, %parallel_loop3A_537 : vector<16xf32>
        %parallel_loop3A_539 = arith.index_cast %parallel_loop3A_533 : i32 to index
        %parallel_loop3A_540 = arith.constant 16 : index
        %parallel_loop3A_541 = tpu.vector_load %arg10[%parallel_loop3A_539, %parallel_loop3A_540] {strides = array<i32>} : memref<256x128xf32, #tpu.memory_space<vmem>>, vector<1x16xf32>,
        %parallel_loop3A_542 = vector.shape_cast %parallel_loop3A_541 : vector<1x16xf32> to vector<16xf32>
        %parallel_loop3A_543 = arith.addf %parallel_loop3A_530, %parallel_loop3A_542 : vector<16xf32>
        %parallel_loop3A_544 = arith.index_cast %parallel_loop3A_533 : i32 to index
        %parallel_loop3A_545 = arith.constant 32 : index
        %parallel_loop3A_546 = tpu.vector_load %arg10[%parallel_loop3A_544, %parallel_loop3A_545] {strides = array<i32>} : memref<256x128xf32, #tpu.memory_space<vmem>>, vector<1x16xf32>,
        %parallel_loop3A_547 = vector.shape_cast %parallel_loop3A_546 : vector<1x16xf32> to vector<16xf32>
        %parallel_loop3A_548 = arith.addf %parallel_loop3A_531, %parallel_loop3A_547 : vector<16xf32>
        %parallel_loop3A_549 = arith.index_cast %parallel_loop3A_533 : i32 to index
        %parallel_loop3A_550 = arith.constant 48 : index
        %parallel_loop3A_551 = tpu.vector_load %arg10[%parallel_loop3A_549, %parallel_loop3A_550] {strides = array<i32>} : memref<256x128xf32, #tpu.memory_space<vmem>>, vector<1x16xf32>,
        %parallel_loop3A_552 = vector.shape_cast %parallel_loop3A_551 : vector<1x16xf32> to vector<16xf32>
        %parallel_loop3A_553 = arith.addf %parallel_loop3A_532, %parallel_loop3A_552 : vector<16xf32>
        scf.yield %parallel_loop3A_538, %parallel_loop3A_543, %parallel_loop3A_548, %parallel_loop3A_553 : vector<16xf32>, vector<16xf32>, vector<16xf32>, vector<16xf32>
      } {sc.loop_unroll_factor = 8 : i64, sc.parallel_access}
      scf.yield %scan3A_507#0, %parallel_loop3A_527#0, %parallel_loop3A_527#1, %parallel_loop3A_527#2, %parallel_loop3A_527#3 : i32, vector<16xf32>, vector<16xf32>, vector<16xf32>, vector<16xf32>
    }
    %dma_wait3A_197 = arith.constant 0 : i32
    %dma_wait3A_198 = arith.constant 0 : i32
    %dma_wait3A_199 = arith.constant 0 : i32
    %dma_wait3A_200 = tpu.memref_slice %arg9[%dma_wait3A_198, %dma_wait3A_199] : memref<256x128xf32, #tpu.memory_space<vmem>> -> memref<128x128xf32, #tpu.memory_space<vmem>>
    %dma_wait3A_201 = arith.constant 0 : i32
    %dma_wait3A_202 = tpu.memref_slice %arg7[%dma_wait3A_197, %dma_wait3A_201] : memref<8x128xi32, #tpu.memory_space<vmem>> -> memref<1x128xi32, #tpu.memory_space<vmem>>
    %dma_wait3A_203 = tpu.memref_squeeze %dma_wait3A_202 : memref<1x128xi32, #tpu.memory_space<vmem>> -> memref<128xi32, #tpu.memory_space<vmem>>
    %dma_wait3A_204 = arith.constant 0 : i32
    %dma_wait3A_205 = arith.constant 0 : i32
    %dma_wait3A_206 = tpu.memref_slice %arg4[%dma_wait3A_204, %dma_wait3A_205] : memref<1000000x128xf32, #tpu.memory_space<hbm>> -> memref<1000000x128xf32, #tpu.memory_space<hbm>>
    tpu.wait_indirect_dma semaphore(%arg12 : memref<!tpu.dma_semaphore, #tpu.memory_space<semaphore_mem>>) src(%dma_wait3A_206 : memref<1000000x128xf32, #tpu.memory_space<hbm>>) dst(%dma_wait3A_200 : memref<128x128xf32, #tpu.memory_space<vmem>>)
    %dma_wait3A_207 = arith.constant 1 : i32
    %dma_wait3A_208 = arith.constant 128 : i32
    %dma_wait3A_209 = arith.constant 0 : i32
    %dma_wait3A_210 = tpu.memref_slice %arg9[%dma_wait3A_208, %dma_wait3A_209] : memref<256x128xf32, #tpu.memory_space<vmem>> -> memref<128x128xf32, #tpu.memory_space<vmem>>
    %dma_wait3A_211 = arith.constant 0 : i32
    %dma_wait3A_212 = tpu.memref_slice %arg7[%dma_wait3A_207, %dma_wait3A_211] : memref<8x128xi32, #tpu.memory_space<vmem>> -> memref<1x128xi32, #tpu.memory_space<vmem>>
    %dma_wait3A_213 = tpu.memref_squeeze %dma_wait3A_212 : memref<1x128xi32, #tpu.memory_space<vmem>> -> memref<128xi32, #tpu.memory_space<vmem>>
    %dma_wait3A_214 = arith.constant 0 : i32
    %dma_wait3A_215 = arith.constant 0 : i32
    %dma_wait3A_216 = tpu.memref_slice %arg4[%dma_wait3A_214, %dma_wait3A_215] : memref<1000000x128xf32, #tpu.memory_space<hbm>> -> memref<1000000x128xf32, #tpu.memory_space<hbm>>
    tpu.wait_indirect_dma semaphore(%arg12 : memref<!tpu.dma_semaphore, #tpu.memory_space<semaphore_mem>>) src(%dma_wait3A_216 : memref<1000000x128xf32, #tpu.memory_space<hbm>>) dst(%dma_wait3A_210 : memref<128x128xf32, #tpu.memory_space<vmem>>)
    %mul3A_217 = arith.constant 2 : i32
    %mul3A_218 = arith.muli %mul3A_217, %select_n3A_89 : i32
    %add3A_219 = arith.constant 1 : i32
    %add3A_220 = arith.addi %mul3A_218, %add3A_219 : i32
    %mul3A_221 = arith.constant 256 : i32
    %mul3A_222 = arith.muli %add3A_220, %mul3A_221 : i32
    %add3A_223 = arith.addi %mul3A_33, %mul3A_222 : i32
    %min3A_224 = arith.constant 163584 : i32
    %min3A_225 = arith.minsi %add3A_223, %min3A_224 : i32
    %add3A_226 = arith.constant 0 : i32
    %add3A_227 = arith.addi %min3A_225, %add3A_226 : i32
    %dma_wait3A_228 = arith.constant 0 : i32
    %dma_wait3A_229 = arith.constant 0 : i32
    %dma_wait3A_230 = tpu.memref_slice %arg8[%dma_wait3A_228, %dma_wait3A_229] : memref<8x128xi32, #tpu.memory_space<vmem>> -> memref<1x128xi32, #tpu.memory_space<vmem>>
    %dma_wait3A_231 = tpu.memref_squeeze %dma_wait3A_230 : memref<1x128xi32, #tpu.memory_space<vmem>> -> memref<128xi32, #tpu.memory_space<vmem>>
    %dma_wait3A_232 = tpu.memref_slice %arg2[%add3A_227] : memref<163840xi32, #tpu.memory_space<hbm>> -> memref<128xi32, #tpu.memory_space<hbm>>
    %dma_wait3A_233 = arith.constant 0 : i32
    %dma_wait3A_234 = tpu.memref_slice %arg8[%dma_wait3A_228, %dma_wait3A_233] : memref<8x128xi32, #tpu.memory_space<vmem>> -> memref<1x128xi32, #tpu.memory_space<vmem>>
    %dma_wait3A_235 = tpu.memref_squeeze %dma_wait3A_234 : memref<1x128xi32, #tpu.memory_space<vmem>> -> memref<128xi32, #tpu.memory_space<vmem>>
    %dma_wait3A_236 = tpu.memref_slice %arg2[%add3A_227] : memref<163840xi32, #tpu.memory_space<hbm>> -> memref<128xi32, #tpu.memory_space<hbm>>
    tpu.wait_dma2 semaphore(%arg15 : memref<!tpu.dma_semaphore, #tpu.memory_space<semaphore_mem>>) src(%dma_wait3A_236 : memref<128xi32, #tpu.memory_space<hbm>>) dst(%dma_wait3A_235 : memref<128xi32, #tpu.memory_space<vmem>>)
    %add3A_237 = arith.constant 128 : i32
    %add3A_238 = arith.addi %min3A_225, %add3A_237 : i32
    %dma_wait3A_239 = arith.constant 1 : i32
    %dma_wait3A_240 = arith.constant 0 : i32
    %dma_wait3A_241 = tpu.memref_slice %arg8[%dma_wait3A_239, %dma_wait3A_240] : memref<8x128xi32, #tpu.memory_space<vmem>> -> memref<1x128xi32, #tpu.memory_space<vmem>>
    %dma_wait3A_242 = tpu.memref_squeeze %dma_wait3A_241 : memref<1x128xi32, #tpu.memory_space<vmem>> -> memref<128xi32, #tpu.memory_space<vmem>>
    %dma_wait3A_243 = tpu.memref_slice %arg2[%add3A_238] : memref<163840xi32, #tpu.memory_space<hbm>> -> memref<128xi32, #tpu.memory_space<hbm>>
    %dma_wait3A_244 = arith.constant 0 : i32
    %dma_wait3A_245 = tpu.memref_slice %arg8[%dma_wait3A_239, %dma_wait3A_244] : memref<8x128xi32, #tpu.memory_space<vmem>> -> memref<1x128xi32, #tpu.memory_space<vmem>>
    %dma_wait3A_246 = tpu.memref_squeeze %dma_wait3A_245 : memref<1x128xi32, #tpu.memory_space<vmem>> -> memref<128xi32, #tpu.memory_space<vmem>>
    %dma_wait3A_247 = tpu.memref_slice %arg2[%add3A_238] : memref<163840xi32, #tpu.memory_space<hbm>> -> memref<128xi32, #tpu.memory_space<hbm>>
    tpu.wait_dma2 semaphore(%arg15 : memref<!tpu.dma_semaphore, #tpu.memory_space<semaphore_mem>>) src(%dma_wait3A_247 : memref<128xi32, #tpu.memory_space<hbm>>) dst(%dma_wait3A_246 : memref<128xi32, #tpu.memory_space<vmem>>)
    %mul3A_248 = arith.constant 64 : i32
    %mul3A_249 = arith.muli %mul3A_2, %mul3A_248 : i32
    "tpu.region"() ({
      %run_scoped3A = tpu.sem_alloc : memref<!tpu.dma_semaphore, #tpu.memory_space<semaphore_mem>>
      %dma_start3A_250 = tpu.memref_slice %arg5[%mul3A_249] : memref<1048576xf32, #tpu.memory_space<hbm>> -> memref<32768xf32, #tpu.memory_space<hbm>>
      %dma_start3A_251 = tpu.memref_slice %arg5[%mul3A_249] : memref<1048576xf32, #tpu.memory_space<hbm>> -> memref<32768xf32, #tpu.memory_space<hbm>>
      tpu.enqueue_dma source(%arg11 : memref<32768xf32, #tpu.memory_space<vmem>>) target(%dma_start3A_251 : memref<32768xf32, #tpu.memory_space<hbm>>) target_semaphore(%run_scoped3A : memref<!tpu.dma_semaphore, #tpu.memory_space<semaphore_mem>>)
      %dma_wait3A_252 = tpu.memref_slice %arg5[%mul3A_249] : memref<1048576xf32, #tpu.memory_space<hbm>> -> memref<32768xf32, #tpu.memory_space<hbm>>
      %dma_wait3A_253 = tpu.memref_slice %arg5[%mul3A_249] : memref<1048576xf32, #tpu.memory_space<hbm>> -> memref<32768xf32, #tpu.memory_space<hbm>>
      tpu.wait_dma2 semaphore(%run_scoped3A : memref<!tpu.dma_semaphore, #tpu.memory_space<semaphore_mem>>) src(%arg11 : memref<32768xf32, #tpu.memory_space<vmem>>) dst(%dma_wait3A_253 : memref<32768xf32, #tpu.memory_space<hbm>>)
      tpu.yield
    }) : () -> ()
    return
  }
}

</mosaic_0001>

<sc_bundles>
// kernel: kernel.3.cloned.1.call-start
scs
__scs_entry_jumppad:
0x0: {  	(pc) =	sbr.rel $0x88, $3  }
0x1: {  	(tag) =	ssettag $0x0;
	lr =	simm.s32 $0x1  }
0x2: {  	[smem:$0x3F9E] =	sst lr;
	_ =	strace $0xD0000000  }
0x3: {  	_ = 	snop  }
0x4: {  	_ = 	snop  }
0x5: {  	_ = 	snop  }
0x6: {  	_ = 	snop  }
0x7: {  	_ = 	snop  }
__scs_overlays_trampoline_lowered:
0x8: {  	[smem:$0x3FAD] =	sst s0  }
0x9: {  	[smem:$0x3FAE] =	sst s1  }
0xa: {  	[smem:$0x3FAF] =	sst s2  }
0xb: {  	[smem:$0x3FB0] =	sst s3  }
0xc: {  	[smem:$0x3FB1] =	sst s4  }
0xd: {  	[smem:$0x3FB2] =	sst s5  }
0xe: {  	[smem:$0x3FB3] =	sst s6  }
0xf: {  	[smem:$0x3FB4] =	sst s7  }
0x10: {  	[smem:$0x3FB5] =	sst s8  }
0x11: {  	[smem:$0x3FB6] =	sst s9;
	s0 =	simm.s32 @!p0 $0x0  }
0x12: {  	s1 =	sld [smem:$0x3F9C];
	s0 =	simm.s32 @p0 $0x1  }
0x13: {  	[smem:$0x3FB7] =	sst s0;
	s0 =	simm.s32 @!p1 $0x0  }
0x14: {  	s2 =	sld [smem:$0x3F9B];
	s0 =	simm.s32 @p1 $0x1  }
0x15: {  	[smem:$0x3FB8] =	sst s0;
	s0 =	simm.s32 @!p2 $0x0  }
0x16: {  	s3 =	sld [smem:$0x3FDB];
	s0 =	simm.s32 @p2 $0x1  }
0x17: {  	s4 =	simm.s32 $0x1BF5;
	[smem:$0x3FBA] =	sst s0  }
0x18: {  	s0 =	sld [smem:$0x3F9D];
	_ =	swait.ge [sflag:s4], $0x0  }
0x19: {  	s7 =	sld [smem:$0x3F9E]  }
0x1a: {  	s8 =	sadd.s32 $0xFFFFE003, lr  }
0x1b: {  	s9 =	sadd.s32 $0xFFFFFEF7, lr;
	s5 =	simm.s32 $0xFFFFFFFF;
	p2 =	slt.u32 s8, $0xFFFFF086  }
0x1c: {  	p1 =	slt.u32 s9, $0xF7A;
	s5 =	simm.s32 @!p2 $0x0  }
0x1d: {  	s5 =	simm.s32 @p1 $0x1;
	p0 =	seq.s32 s7, s2  }
0x1e: {  	s7 =	smul.u32 @!p0 $0xF7A, s2;
	p2 =	seq.s32 @!p0 s5, $0x0  }
0x1f: {  	s9 =	smul.u32 $0xF7A, s1;
	s8 =	simm.s32 @!p0 $0x1BF5;
	p2 =	por !p2, p0  }
0x20: {  	[sflag:s8] =	ssyncset.s32 @!p0 $0xFFFFF086;
	s6 =	sadd.s32 @!p0 s3, s7;
	s7 =	simm.s32 @!p0 $0x108  }
0x21: {  	s3 =	sadd.s32 s3, s9;
	s6 =	sadd.s32 @!p0 $0x88, s6;
	s7 =	simm.s32 @p2 $0x1082  }
0x22: {  	[simem:s7], [sflag:s8] =	dma.local @!p0 [hbm:s6], $0xF7A  }
0x23: {  	s9 =	sor.u32 $0xD0000000, s2;
	s6 =	simm.s32 $0x108;
	_ =	swait.ge @!p0 [sflag:s8], $0x0  }
0x24: {  	s3 =	sadd.s32 $0x88, s3;
	s6 =	simm.s32 @!p1 $0x1082;
	[sflag:s4] =	ssyncset.s32 $0xFFFFF086  }
0x25: {  	[simem:s6], [sflag:s4] =	dma.local [hbm:s3], $0xF7A  }
0x26: {  	[smem:$0x3F9E] =	sst s1;
	(tag) =	ssettag s2;
	_ =	strace s9  }
0x27: {  	s1 =	sld [smem:$0x3FAE]  }
0x28: {  	s2 =	sld [smem:$0x3FAF]  }
0x29: {  	s4 =	sld [smem:$0x3FB1]  }
0x2a: {  	p0 =	seq.s32 s5, $0x0;
	s5 =	sld [smem:$0x3FB2]  }
0x2b: {  	s6 =	sld [smem:$0x3FB3]  }
0x2c: {  	s7 =	sld [smem:$0x3FB4]  }
0x2d: {  	s3 =	simm.s32 $0x108;
	s8 =	sld [smem:$0x3FB5]  }
0x2e: {  	s3 =	simm.s32 @!p0 $0x1082;
	s9 =	sld [smem:$0x3FB6]  }
0x2f: {  	lr =	sadd.s32 s0, s3;
	s0 =	sld [smem:$0x3FAD]  }
0x30: {  	s3 =	sld [smem:$0x3FB0]  }
0x31: {  	[smem:$0x3FB9] =	sst s10  }
0x32: {  	s10 =	sld [smem:$0x3FB7];
	_ =	sdelay $0x3  }
0x33: {  	p0 =	seq.s32 s10, $0x1;
	s10 =	sld [smem:$0x3FB9];
	_ =	sdelay $0x3  }
0x34: {  	[smem:$0x3FB9] =	sst s10  }
0x35: {  	s10 =	sld [smem:$0x3FB8];
	_ =	sdelay $0x3  }
0x36: {  	p1 =	seq.s32 s10, $0x1;
	s10 =	sld [smem:$0x3FB9];
	_ =	sdelay $0x3  }
0x37: {  	[smem:$0x3FB9] =	sst s10  }
0x38: {  	s10 =	sld [smem:$0x3FBA]  }
0x39: {  	_ = 	snop;
	(pc) =	sbr.ind lr, $3  }
0x3a: {  	_ = 	snop  }
0x3b: {  	_ = 	snop  }
0x3c: {  	p2 =	seq.s32 s10, $0x1;
	s10 =	sld [smem:$0x3FB9]  }
0x3d: {  	_ =	shalt  }
0x3e: {  	_ =	shalt  }
0x3f: {  	_ =	shalt  }
0x40: {  	_ =	shalt  }
0x41: {  	_ =	shalt  }
0x42: {  	_ =	shalt  }
0x43: {  	_ =	shalt  }
0x44: {  	_ =	shalt  }
0x45: {  	_ =	shalt  }
0x46: {  	_ =	shalt  }
0x47: {  	_ =	shalt  }
0x48: {  	_ =	shalt  }
0x49: {  	_ =	shalt  }
0x4a: {  	_ =	shalt  }
0x4b: {  	_ =	shalt  }
0x4c: {  	_ =	shalt  }
0x4d: {  	_ =	shalt  }
0x4e: {  	_ =	shalt  }
0x4f: {  	_ =	shalt  }
0x50: {  	_ =	shalt  }
0x51: {  	_ =	shalt  }
0x52: {  	_ =	shalt  }
0x53: {  	_ =	shalt  }
0x54: {  	_ =	shalt  }
0x55: {  	_ =	shalt  }
0x56: {  	_ =	shalt  }
0x57: {  	_ =	shalt  }
0x58: {  	_ =	shalt  }
0x59: {  	_ =	shalt  }
0x5a: {  	_ =	shalt  }
0x5b: {  	_ =	shalt  }
0x5c: {  	_ =	shalt  }
0x5d: {  	_ =	shalt  }
0x5e: {  	_ =	shalt  }
0x5f: {  	_ =	shalt  }
0x60: {  	_ =	shalt  }
0x61: {  	_ =	shalt  }
0x62: {  	_ =	shalt  }
0x63: {  	_ =	shalt  }
0x64: {  	_ =	shalt  }
0x65: {  	_ =	shalt  }
0x66: {  	_ =	shalt  }
0x67: {  	_ =	shalt  }
0x68: {  	_ =	shalt  }
0x69: {  	_ =	shalt  }
0x6a: {  	_ =	shalt  }
0x6b: {  	_ =	shalt  }
0x6c: {  	_ =	shalt  }
0x6d: {  	_ =	shalt  }
0x6e: {  	_ =	shalt  }
0x6f: {  	_ =	shalt  }
0x70: {  	_ =	shalt  }
0x71: {  	_ =	shalt  }
0x72: {  	_ =	shalt  }
0x73: {  	_ =	shalt  }
0x74: {  	_ =	shalt  }
0x75: {  	_ =	shalt  }
0x76: {  	_ =	shalt  }
0x77: {  	_ =	shalt  }
0x78: {  	_ =	shalt  }
0x79: {  	_ =	shalt  }
0x7a: {  	_ =	shalt  }
0x7b: {  	_ =	shalt  }
0x7c: {  	_ =	shalt  }
0x7d: {  	_ =	shalt  }
0x7e: {  	_ =	shalt  }
0x7f: {  	_ =	shalt  }
0x80: {  	_ =	shalt  }
0x81: {  	_ =	shalt  }
0x82: {  	_ =	shalt  }
0x83: {  	_ =	shalt  }
0x84: {  	_ =	shalt  }
0x85: {  	_ =	shalt  }
0x86: {  	_ =	shalt  }
0x87: {  	_ =	shalt  }
.Lfunc_end0:
.L_simem_size_0:
called_computation_lowered:
.L_overlay_start_0:
0x88: {  	s2 =	sld [smem:$0x3FD9]  }
0x89: {  	s3 =	sld [smem:$0x3FFE];
	_ =	sdelay $0x1  }
0x8a: {  	s1 =	srdreg.scid  }
0x8b: {  	s0 =	sand.u32 $0x1, s1  }
0x8c: {  	s17 =	sshll.u32 s0, $0xA;
	s2 =	sadd.s32 s3, s2  }
0x8d: {  	s2 =	sadd.s32 s2, s17  }
0x8e: {  	[smem:$0x3FC5] =	sst s2  }
0x8f: {  	_ = 	snop  }
0x90: {  	s2 =	sld [smem:$0x3FC9]  }
0x91: {  	s18 =	sld [smem:$0x3FC8]  }
0x92: {  	s4 =	sld [smem:$0x3FD0];
	(tm) =	ssettm $0x1  }
0x93: {  	s5 =	sld [smem:$0x3FFB];
	_ =	sdelay $0x3  }
0x94: {  	_ =	strace s5  }
0x95: {  	s5 =	sld [smem:$0x3FFC];
	_ =	sdelay $0x3  }
0x96: {  	_ =	strace s5  }
0x97: {  	s5 =	sld [smem:$0x3FFD];
	_ =	sdelay $0x3  }
0x98: {  	_ =	strace s5  }
0x99: {  	_ =	strace $0x8FFFFFFF  }
0x9a: {  	s19 =	sld [smem:$0x3FDB];
	_ =	sdelay $0x1  }
0x9b: {  	s6 =	simm.s32 $_scs_section_size  }
0x9c: {  	s7 =	simm.s32 $_size__tile_overlayer_lowered;
	s8 =	simm.s32 $_tile_overlayer_lowered  }
0x9d: {  	s22 =	simm.s32 $0x1BFF;
	s21 =	sshll.u32 s8, $0x1;
	s5 =	sadd.s32 s6, s19  }
0x9e: {  	s9 =	simm.s32 $0x0;
	s20 =	sshll.u32 s7, $0x1;
	s7 =	sadd.s32 s21, s5  }
0x9f: {  	[timem:s9], [sflag:s22] =	dma.local [hbm:s7], s20  }
0xa0: {  	_ =	swait.ge [sflag:s22], s20  }
0xa1: {  	s6 =	ssub.s32 $0x0, s20;
	[sflag:s22] =	ssyncset.done $0x0  }
0xa2: {  	[sflag:s22] =	ssyncadd.s32 s6;
	_ =	sdelay $0x1  }
0xa3: {  	s23 =	simm.s32 $0x1B8B  }
0xa4: {  	_ =	swait.ge [sflag:s23], $0x1  }
0xa5: {  	[sflag:s23] =	ssyncset.done $0x0  }
0xa6: {  	s25 =	simm.s32 $0x1B8E;
	s24 =	sld [smem:$0x3FFE];
	[sflag:s23] =	ssyncadd.s32 $0xFFFFFFFF  }
0xa7: {  	s26 =	simm.s32 $execute0_lowered;
	[smem:$0x3FD2] =	sst s25  }
0xa8: {  	s7 =	sshll.u32 s26, $0x1;
	_ =	strace $0x80000046;
	[dreg:$0x1] =	wrdreg $0xFFFFFFFF  }
0xa9: {  	s28 =	simm.s32 $_size_execute0_lowered;
	s5 =	sadd.s32 s5, s7;
	[dreg:$0x0] =	wrdreg $0x0  }
0xaa: {  	s7 =	sshll.u32 s28, $0x1;
	[dreg:$0x2] =	wrdreg s5  }
0xab: {  	[dreg:$0x3] =	wrdreg s7  }
0xac: {  	[dreg:$0x4] =	wrdreg $0xC0  }
0xad: {  	_ =	task [dreg:s9], $0x5FFFF  }
0xae: {  	[dreg:$0x1] =	wrdreg $0xFFFFFFFF  }
0xaf: {  	[dreg:$0x0] =	wrdreg $0x60  }
0xb0: {  	[dreg:$0x2] =	wrdreg s2  }
0xb1: {  	[dreg:$0x3] =	wrdreg s18  }
0xb2: {  	[dreg:$0x4] =	wrdreg s24  }
0xb3: {  	[dreg:$0x5] =	wrdreg s4  }
0xb4: {  	[dreg:$0x6] =	wrdreg $0x9  }
0xb5: {  	_ =	task.clear_ibuf [dreg:s9], $0x7FFFF;
	_ =	strace $0x90000046  }
0xb6: {  	s29 =	simm.s32 $0x9;
	_ =	strace $0x80000048  }
0xb7: {  	_ =	swait.ge [sflag:s29], $0x1  }
0xb8: {  	[sflag:s29] =	ssyncadd.s32 $0xFFFFFFFF  }
0xb9: {  	_ =	strace $0x90000048  }
0xba: {  	_ =	sfence  }
0xbb: {  	s30 =	sld [smem:$0x0];
	_ =	sdelay $0x2  }
0xbc: {  	s31 =	sshll.u32 s1, $0xD;
	s1 =	sshrl.u32 s1, $0x2  }
0xbd: {  	s3 =	sand.u32 $0x4000, s31;
	s1 =	sadd.s32 s1, s30  }
0xbe: {  	s0 =	sor.u32 s3, s0;
	s1 =	sshll.u32 s1, $0x11  }
0xbf: {  	s0 =	sor.u32 s1, s0  }
0xc0: {  	s0 =	sadd.s32 $0x8F2B, s0  }
0xc1: {  	[sflag:s0] =	ssyncadd.remote.s32 $0x1  }
0xc2: {  	_ =	sfence.sel $0xFFFF  }
0xc3: {  	[dreg:$0x0] =	wrdreg $0xFFFFFFFF;
	(pc) =	sbr.abs _section_cstart, $3  }
0xc4: {  	[dreg:$0x1] =	wrdreg $0xFFFFFFFF  }
0xc5: {  	_ =	task.clear_ibuf [dreg:s9], $0x2FFFF;
	_ =	strace $0x9FFFFFFF  }
0xc6: {  	(tm) =	ssettm $0x7FFFFFFF  }
0xc7: {  	_ =	shalt  }
tec
execute0_lowered:
.L_overlay_start_1:
0x0: {  	(tag) =	ssettag $0x1  }
0x1: {  	s1 =	rddreg [dreg:$0x0]  }
0x2: {  	s0 =	rddreg [dreg:$0x1]  }
0x3: {  	s2 =	rddreg [dreg:$0x2]  }
0x4: {  	s5 =	rddreg [dreg:$0x3];
	s3 =	simm.s32 $0x0;
	s4 =	srdreg.scid  }
0x5: {  	s7 =	stileid.u32;
	s10 =	simm.s32 $0x1;
	s20 =	simm.s32 $0x280  }
0x6: {  	s12 =	simm.s32 $0x300;
	s13 =	simm.s32 $0x3;
	s14 =	simm.s32 $0x80  }
0x7: {  	s21 =	simm.s32 $0x680;
	s19 =	simm.s32 $0x4;
	s22 =	simm.s32 $0x2  }
0x8: {  	[smem:$0x7FF] =	sst s3;
	s6 =	sand.u32 $0x1, s4;
	s26 =	sshll.u32 s7, $0x1  }
0x9: {  	s4 =	sadd.s32 $0xF42800, s2;
	_ =	strace $0x80000047;
	s7 =	sor.u32 s6, s26  }
0xa: {  	s28 =	ssub.s32 $0x2, s6;
	s26 =	simm.s32 $0x700;
	s29 =	sshll.u32 s7, $0x6  }
.Ltmp0:
0xb: {  	s30 =	sshll.u32 s7, $0xC;
	s6 =	sadd.s32 s0, s29;
	(pc) =	sbr.rel .LBB2_1-.Ltmp0, $4  }
0xc: {  	s8 =	sshrl.u32 s28, $0x1;
	s0 =	sadd.s32 s5, s30;
	[dreg:$0x5] =	wrdreg s6  }
0xd: {  	s2 =	ssub.s32 s28, s8;
	s6 =	sadd.s32 $0x40, s6;
	[dreg:$0x7] =	wrdreg s0  }
0xe: {  	p0 =	seq.s32 s7, $0x1F;
	s31 =	smax.u32 s2, $0x1;
	[dreg:$0x6] =	wrdreg s6  }
0xf: {  	s5 =	simm.s32 $0x0;
	s2 =	simm.s32 $0x5;
	[dreg:$0x8] =	wrdreg s31  }
.LBB2_32:
0x10: {  	_ =	swait.ge [sflag:s10], $0x4000  }
0x11: {  	[sflag:s10] =	ssyncset.done $0x0  }
0x12: {  	[sflag:s10] =	ssyncadd.s32 $0xFFFFC000  }
0x13: {  	_ =	swait.ge [sflag:s10], $0x4000  }
0x14: {  	[sflag:s10] =	ssyncset.done $0x0  }
0x15: {  	[sflag:s10] =	ssyncadd.s32 $0xFFFFC000  }
0x16: {  	_ =	swait.ge [sflag:s19], $0x80  }
0x17: {  	[sflag:s19] =	ssyncset.done $0x0  }
0x18: {  	[sflag:s19] =	ssyncadd.s32 $0xFFFFFF80  }
0x19: {  	_ =	swait.ge [sflag:s19], $0x80  }
0x1a: {  	[sflag:s19] =	ssyncset.done $0x0  }
0x1b: {  	s2 =	simm.s32 $0x10A80;
	s0 =	rddreg [dreg:$0x7];
	[sflag:s19] =	ssyncadd.s32 $0xFFFFFF80  }
0x1c: {  	[hbm4b:s0+s3] =	stream.linear.scatter [tilespmem:s2], [sflag:$0x5], $0x8000, $0x38;
	[tilespmem:$0x18A80] =	vst v63  }
0x1d: {  	s2 =	simm.s32 $0x5  }
0x1e: {  	_ =	swait.ge [sflag:s2], $0x8000  }
0x1f: {  	s5 =	rddreg [dreg:$0x9]  }
0x20: {  	s31 =	rddreg [dreg:$0x8];
	s5 =	sadd.s32 $0x1, s5  }
0x21: {  	p1 =	sne.s32 s5, s31  }
.Ltmp1:
0x22: {  	_ = 	snop;
	(pc) =	sbr.rel @!p1 .LBB2_33-.Ltmp1, $3  }
0x23: {  	_ =	sdelay $0x1  }
0x24: {  	[sflag:s2] =	ssyncset.done $0x0  }
0x25: {  	[sflag:s2] =	ssyncadd.s32 $0xFFFF8000  }
.LBB2_1:
0x26: {  	[dreg:$0x9] =	wrdreg s5  }
0x27: {  	s0 =	rddreg [dreg:$0x5]  }
0x28: {  	[tilespmem:s3], [sflag:$0x5] =	stream.linear.gather [hbm4b:s0+s3], $0x200, $0x38;
	[tilespmem:$0x18A80] =	vst v63  }
0x29: {  	_ =	swait.ge [sflag:s2], $0x200  }
0x2a: {  	[sflag:s2] =	ssyncset.done $0x0  }
0x2b: {  	v0 =	vimm.s32 @p0 $0x28000;
	[sflag:s2] =	ssyncadd.s32 $0xFFFFFE00  }
0x2c: {  	s0 =	simm.s32 @!p0 $0x0;
	s5 =	rddreg [dreg:$0x6];
	s2 =	simm.s32 @!p0 $0x200;
	[tilespmem:$0x200] =	vst @p0 v0  }
0x2d: {  	[tilespmem:s2], [sflag:$0x5] =	stream.linear.gather @!p0 [hbm4b:s5+s0], $0x8, $0x38;
	[tilespmem:$0x18A80] =	vst v63  }
0x2e: {  	s0 =	simm.s32 @!p0 $0x5  }
0x2f: {  	_ =	swait.ge @!p0 [sflag:s0], $0x8  }
0x30: {  	[sflag:s0] =	ssyncset.done @!p0 $0x0  }
0x31: {  	[sflag:s0] =	ssyncadd.s32 @!p0 $0xFFFFFFF8  }
0x32: {  	v0 =	vld [tilespmem:$0x0];
	_ =	sdelay $0x4  }
0x33: {  	(v2sf) =	vpush v0, $0x0;
	_ =	sdelay $0x9  }
0x34: {  	v0 =	vld [tilespmem:$0x200];
	_ =	sdelay $0x4  }
0x35: {  	s8 =	spop (v2sf);
	(v2sf) =	vpush v0, $0x0  }
0x36: {  	s9 =	sand.u32 $0x7, s8  }
0x37: {  	s11 =	sshra.s32 s8, $0x1F;
	p1 =	slt.s32 s8, $0x1;
	p2 =	sne.s32 s9, $0x0  }
0x38: {  	s15 =	sshrl.u32 s11, $0x1D;
	p1 =	por !p1, !p2  }
0x39: {  	s2 =	simm.s32 $0x1;
	s0 =	sadd.s32 s15, s8;
	p1 =	por !p1, !p1  }
0x3a: {  	s0 =	sshrl.u32 s0, $0x3;
	s2 =	simm.s32 @!p1 $0x0  }
0x3b: {  	s0 =	ssub.s32 s0, s2  }
0x3c: {  	s0 =	sshll.u32 s0, $0x3  }
0x3d: {  	p1 =	slt.s32 s0, $0x27F00;
	s2 =	smov.u32 s0  }
0x3e: {  	s2 =	simm.s32 @!p1 $0x27F00  }
0x3f: {  	s16 =	sshrl.u32 s2, $0x3;
	s2 =	sadd.s32 $0x80, s2  }
0x40: {  	s5 =	sadd.s32 s1, s16;
	s2 =	sshrl.u32 s2, $0x3  }
0x41: {  	[tilespmem:s20], [sflag:$0x3] =	stream.linear.gather [hbm4b:s5+s3], $0x80, $0x38;
	[tilespmem:$0x18A80] =	vst v63  }
0x42: {  	s2 =	sadd.s32 s1, s2  }
0x43: {  	[tilespmem:s12], [sflag:$0x3] =	stream.linear.gather [hbm4b:s2+s3], $0x80, $0x38;
	[tilespmem:$0x18A80] =	vst v63  }
0x44: {  	s6 =	simm.s32 $0xA80;
	s7 =	simm.s32 $0x4A80;
	s9 =	spop (v2sf)  }
0x45: {  	s28 =	sadd.s32 $0x100, s0;
	_ =	swait.ge [sflag:s13], $0x80;
	s17 =	ssub.s32 s9, s0  }
0x46: {  	p2 =	slt.s32 s28, $0x27F00;
	[sflag:s13] =	ssyncset.done $0x0;
	s2 =	sadd.s32 $0xFF, s17  }
0x47: {  	[sflag:s13] =	ssyncadd.s32 $0xFFFFFF80;
	s18 =	sshra.s32 s2, $0x1F;
	s23 =	sand.u32 $0xFF, s2  }
0x48: {  	p5 =	slt.s32 s2, $0x1;
	_ =	swait.ge [sflag:s13], $0x80;
	s5 =	sshrl.u32 s18, $0x18  }
0x49: {  	p6 =	sne.s32 s23, $0x0;
	[sflag:s13] =	ssyncset.done $0x0;
	s2 =	sadd.s32 s5, s2  }
0x4a: {  	p1 =	por !p5, !p6;
	s5 =	smov.u32 s28;
	[sflag:s13] =	ssyncadd.s32 $0xFFFFFF80  }
0x4b: {  	[tilespmem:s6], [sflag:$0x1] =	stream.indirect.gather [hbm4b:s4+s14], $0x80, s20, s14, $0xb8;
	[tilespmem:$0x18A80] =	vst v63  }
0x4c: {  	p1 =	por !p1, !p1;
	s5 =	simm.s32 @!p2 $0x27F00;
	s6 =	simm.s32 $0x1  }
0x4d: {  	s2 =	sshra.s32 s2, $0x8;
	s24 =	sshrl.u32 s5, $0x3;
	s6 =	simm.s32 @!p1 $0x0  }
0x4e: {  	[tilespmem:s7], [sflag:$0x1] =	stream.indirect.gather [hbm4b:s4+s14], $0x80, s12, s14, $0xb8;
	[tilespmem:$0x18A80] =	vst v63  }
0x4f: {  	s30 =	sadd.s32 $0x200, s0;
	s25 =	sadd.s32 s1, s24;
	s2 =	ssub.s32 s2, s6  }
0x50: {  	[tilespmem:s21], [sflag:$0x4] =	stream.linear.gather [hbm4b:s25+s3], $0x80, $0x38;
	[tilespmem:$0x18A80] =	vst v63  }
.Ltmp2:
0x51: {  	s5 =	sadd.s32 $0x80, s5;
	p1 =	sgt.s32 s2, $0x1;
	(pc) =	sbr.rel .LBB2_2-.Ltmp2, $4  }
0x52: {  	s31 =	sadd.s32 $0x300, s0;
	s5 =	sshrl.u32 s5, $0x3;
	s2 =	simm.s32 @!p1 $0x1  }
0x53: {  	s5 =	sadd.s32 s1, s5;
	s6 =	simm.s32 $0x0;
	s2 =	sadd.s32 $0x1, s2  }
0x54: {  	v3 =	vimm.f32 $0.0e+00;
	[tilespmem:s26], [sflag:$0x4] =	stream.linear.gather [hbm4b:s5+s3], $0x80, $0x38;
	[tilespmem:$0x18A80] =	vst v63  }
0x55: {  	v4 =	vimm.f32 $0.0e+00;
	v1 =	vimm.f32 $0.0e+00;
	v0 =	vimm.f32 $0.0e+00;
	s25 =	smov.u32 s0;
	s29 =	sshrl.u32 s2, $0x1;
	s2 =	simm.s32 $0x0  }
.LBB2_30:
0x56: {  	v1 =	vadd.f32 v2, v1  }
0x57: {  	v4 =	vadd.f32 v5, v4;
	v0 =	vadd.f32 v6, v0  }
.LBB2_31:
0x58: {  	s2 =	sadd.s32 $0x1, s2  }
0x59: {  	p1 =	sne.s32 s2, s29  }
.Ltmp3:
0x5a: {  	_ = 	snop;
	(pc) =	sbr.rel @!p1 .LBB2_32-.Ltmp3, $2  }
0x5b: {  	_ =	sdelay $0x2  }
0x5c: {  	s25 =	sadd.s32 $0x200, s25;
	s28 =	sadd.s32 $0x200, s28  }
.LBB2_2:
0x5d: {  	_ =	swait.ge [sflag:s10], $0x4000  }
0x5e: {  	[sflag:s10] =	ssyncset.done $0x0  }
0x5f: {  	[sflag:s10] =	ssyncadd.s32 $0xFFFFC000  }
0x60: {  	_ =	swait.ge [sflag:s10], $0x4000  }
0x61: {  	[sflag:s10] =	ssyncset.done $0x0  }
0x62: {  	[sflag:s10] =	ssyncadd.s32 $0xFFFFC000  }
0x63: {  	_ =	swait.ge [sflag:s19], $0x80  }
0x64: {  	[sflag:s19] =	ssyncset.done $0x0  }
0x65: {  	[sflag:s19] =	ssyncadd.s32 $0xFFFFFF80  }
0x66: {  	_ =	swait.ge [sflag:s19], $0x80  }
0x67: {  	[sflag:s19] =	ssyncset.done $0x0  }
0x68: {  	s5 =	simm.s32 $0x8A80;
	[sflag:s19] =	ssyncadd.s32 $0xFFFFFF80  }
0x69: {  	[tilespmem:s5], [sflag:$0x2] =	stream.indirect.gather [hbm4b:s4+s14], $0x80, s21, s14, $0xb8;
	[tilespmem:$0x18A80] =	vst v63  }
0x6a: {  	s7 =	simm.s32 $0xCA80;
	s5 =	sshll.u32 s2, $0x9  }
0x6b: {  	[tilespmem:s7], [sflag:$0x2] =	stream.indirect.gather [hbm4b:s4+s14], $0x80, s26, s14, $0xb8;
	[tilespmem:$0x18A80] =	vst v63  }
0x6c: {  	s7 =	sadd.s32 s5, s30  }
0x6d: {  	p2 =	slt.s32 s25, $0x27F00;
	p1 =	slt.s32 s7, $0x27F00  }
0x6e: {  	s17 =	sadd.s32 $0x200, s6;
	s16 =	smov.u32 s6;
	s7 =	simm.s32 @!p1 $0x27F00  }
0x6f: {  	s24 =	sadd.s32 s0, s5;
	s8 =	sshrl.u32 s7, $0x3;
	s7 =	sadd.s32 $0x80, s7  }
0x70: {  	s15 =	sadd.s32 $0x100, s24;
	s8 =	sadd.s32 s1, s8;
	s7 =	sshrl.u32 s7, $0x3  }
0x71: {  	[tilespmem:s20], [sflag:$0x3] =	stream.linear.gather [hbm4b:s8+s3], $0x80, $0x38;
	[tilespmem:$0x18A80] =	vst v63  }
0x72: {  	s26 =	smov.u32 s9;
	s7 =	sadd.s32 s1, s7;
	s8 =	smov.u32 s25  }
0x73: {  	[tilespmem:s12], [sflag:$0x3] =	stream.linear.gather [hbm4b:s7+s3], $0x80, $0x38;
	[tilespmem:$0x18A80] =	vst v63  }
0x74: {  	p1 =	slt.s32 s28, $0x27F00;
	s8 =	simm.s32 @!p2 $0x27F00;
	s7 =	smov.u32 s28  }
0x75: {  	s20 =	sshll.u32 s8, $0x9;
	s8 =	simm.s32 $0x200;
	s7 =	simm.s32 @!p1 $0x27F00  }
0x76: {  	p1 =	slt.s32 s15, s9;
	s21 =	ssub.s32 $0x0, s20;
	s23 =	sshll.u32 s7, $0x9  }
0x77: {  	s26 =	smov.u32 @p1 s15;
	s15 =	simm.s32 $0x9;
	s7 =	ssub.s32 $0x0, s23  }
.LBB2_3:
0x78: {  	s18 =	smov.u32 s16;
	p1 =	sne.s32 s15, $0x1  }
0x79: {  	s16 =	sadd.s32 $0x1, s17;
	p2 =	slt.u32 s17, $0x7FFFFFFF;
	s17 =	simm.s32 $0x1  }
0x7a: {  	s17 =	simm.s32 @!p2 $0x0;
	s11 =	sshra.s32 s16, $0x1F  }
0x7b: {  	s11 =	sadd.s32 s17, s11;
	s17 =	sand.u32 $0x1, s16  }
0x7c: {  	p2 =	sne.s32 s11, $0x1;
	p3 =	seq.s32 s17, $0x1  }
0x7d: {  	s11 =	sshrl.u32 s16, $0x1F;
	p2 =	por !p2, !p3  }
0x7e: {  	s11 =	sadd.s32 s11, s16;
	s16 =	simm.s32 $0x1;
	p2 =	por !p2, !p2  }
0x7f: {  	s11 =	sshra.s32 s11, $0x1;
	s16 =	simm.s32 @!p2 $0x0  }
0x80: {  	s16 =	ssub.s32 s11, s16  }
0x81: {  	v2 =	vld [tilespmem:s16+$0x0];
	_ =	sdelay $0x4  }
0x82: {  	(v2sf) =	vpush v2, $0x0;
	_ =	sdelay $0xd  }
.Ltmp4:
0x83: {  	(pc) =	sbr.rel @p1 .LBB2_3-.Ltmp4, $4  }
0x84: {  	s11 =	spop (v2sf)  }
0x85: {  	p2 =	sgt.s32 s11, s26;
	s11 =	sadd.s32 $0xFFFFFFFF, s16  }
0x86: {  	s16 =	smov.u32 @p2 s18;
	s8 =	smov.u32 @p2 s11  }
0x87: {  	s15 =	sadd.s32 $0xFFFFFFFF, s15;
	s17 =	sadd.s32 s16, s8  }
0x88: {  	s8 =	sadd.s32 $0x1, s17;
	p1 =	slt.u32 s17, $0x7FFFFFFF;
	s11 =	simm.s32 $0x1  }
0x89: {  	s11 =	simm.s32 @!p1 $0x0;
	s15 =	sshra.s32 s8, $0x1F  }
0x8a: {  	s18 =	sand.u32 $0x1, s8;
	s11 =	sadd.s32 s11, s15  }
0x8b: {  	p2 =	seq.s32 s18, $0x1;
	p6 =	sne.s32 s11, $0x1  }
0x8c: {  	s17 =	sshrl.u32 s8, $0x1F;
	p1 =	por !p6, !p2  }
0x8d: {  	s8 =	sadd.s32 s17, s8;
	s11 =	simm.s32 $0x1;
	p1 =	por !p1, !p1  }
0x8e: {  	s8 =	sshra.s32 s8, $0x1;
	s11 =	simm.s32 @!p1 $0x0  }
0x8f: {  	s8 =	ssub.s32 s8, s11  }
0x90: {  	v2 =	vld [tilespmem:s8+$0x0];
	_ =	sdelay $0x4  }
0x91: {  	(v2sf) =	vpush v2, $0x0;
	_ =	sdelay $0x2  }
0x92: {  	v5 =	vld [tilespmem:s6+$0x0];
	_ =	sdelay $0x4  }
0x93: {  	(v2sf) =	vpush v5, $0x0;
	_ =	sdelay $0x6  }
0x94: {  	s18 =	spop (v2sf)  }
0x95: {  	p1 =	sgt.s32 s18, s26  }
0x96: {  	s8 =	smov.u32 @p1 s16  }
0x97: {  	p1 =	sge.s32 s6, s8  }
.Ltmp5:
0x98: {  	_ = 	snop;
	(pc) =	sbr.rel @p1 .LBB2_5-.Ltmp5, $2  }
0x99: {  	_ =	sdelay $0x2  }
0x9a: {  	s16 =	spop (v2sf)  }
.Ltmp6:
0x9b: {  	(pc) =	sbr.rel .LBB2_7-.Ltmp6, $3  }
0x9c: {  	_ =	sdelay $0x1  }
0x9d: {  	s11 =	sshra.s32 s21, $0x2  }
0x9e: {  	v2 =	vmov v0;
	s15 =	sadd.s32 $0xAA0, s11  }
.LBB2_10:
0x9f: {  	v1 =	vadd.f32 v0, v1  }
0xa0: {  	v4 =	vadd.f32 v5, v4;
	v2 =	vadd.f32 v6, v2  }
.LBB2_11:
0xa1: {  	s11 =	ssub.s32 s21, s16  }
0xa2: {  	p1 =	sgt.s32 s11, $0x1  }
0xa3: {  	s11 =	simm.s32 @!p1 $0x1  }
0xa4: {  	v0 =	vmov s11  }
0xa5: {  	v0 =	vcvt.s32.f32 v0;
	_ =	sdelay $0x1  }
0xa6: {  	v0 =	vbroadcast v0, $0x0;
	_ =	sdelay $0x1  }
0xa7: {  	(erf) = vrcp.f32 v0;
	_ =	sdelay $0x8  }
0xa8: {  	s18 =	sshll.u32 s6, $0x8;
	s6 =	sadd.s32 $0x1, s6;
	v0 =	vpop (erf)  }
0xa9: {  	p1 =	sne.s32 s6, s8;
	v1 =	vmul.f32 v1, v0  }
.Ltmp7:
0xaa: {  	s11 =	sshra.s32 s18, $0x2;
	v4 =	vmul.f32 v4, v0;
	(pc) =	sbr.rel @!p1 .LBB2_12-.Ltmp7, $4  }
0xab: {  	[tilespmem:s11+$0x10A80] =	vst v1;
	v1 =	vmul.f32 v3, v0  }
0xac: {  	v6 =	vimm.f32 $0.0e+00;
	v0 =	vmul.f32 v2, v0;
	[tilespmem:s11+$0x10A90] =	vst v4  }
0xad: {  	v5 =	vimm.f32 $0.0e+00;
	v2 =	vimm.f32 $0.0e+00;
	v3 =	vimm.f32 $0.0e+00;
	[tilespmem:s11+$0x10AA0] =	vst v1  }
0xae: {  	s16 =	smov.u32 s21;
	v4 =	vimm.f32 $0.0e+00;
	v1 =	vimm.f32 $0.0e+00;
	[tilespmem:s11+$0x10AB0] =	vst v0;
	v0 =	vimm.f32 $0.0e+00  }
.LBB2_7:
0xaf: {  	v0 =	vld [tilespmem:s6+$0x1];
	_ =	sdelay $0x4  }
0xb0: {  	(v2sf) =	vpush v0, $0x0;
	_ =	sdelay $0xd  }
0xb1: {  	p1 =	sgt.s32 s16, s24;
	s17 =	smov.u32 s24  }
0xb2: {  	s17 =	smov.u32 @p1 s16;
	s21 =	spop (v2sf)  }
0xb3: {  	p1 =	sge.s32 s17, s21  }
.Ltmp8:
0xb4: {  	_ = 	snop;
	(pc) =	sbr.rel @p1 .LBB2_11-.Ltmp8, $1  }
0xb5: {  	_ =	sdelay $0x3  }
0xb6: {  	p1 =	sgt.s32 s16, s25;
	s11 =	smov.u32 s25  }
0xb7: {  	s11 =	smov.u32 @p1 s16  }
0xb8: {  	s11 =	sshll.u32 s11, $0x9  }
0xb9: {  	s11 =	sshra.s32 s11, $0x2  }
0xba: {  	s11 =	sadd.s32 s11, s15  }
0xbb: {  	s17 =	sadd.s32 $0x1, s17;
	v7 =	vld [tilespmem:s11+$0x0]  }
0xbc: {  	p1 =	slt.s32 s17, s21;
	v0 =	vld [tilespmem:s11+$0xFFFFFFE0]  }
.Ltmp9:
0xbd: {  	v5 =	vld [tilespmem:s11+$0xFFFFFFF0];
	(pc) =	sbr.rel @!p1 .LBB2_10-.Ltmp9, $2  }
0xbe: {  	v6 =	vld [tilespmem:s11+$0x10];
	_ =	sdelay $0x2  }
0xbf: {  	s18 =	sadd.s32 $0x80, s11;
	v3 =	vadd.f32 v7, v3  }
.LBB2_9:
0xc0: {  	s17 =	sadd.s32 $0x1, s17  }
0xc1: {  	v7 =	vld [tilespmem:s18+$0x0];
	v1 =	vadd.f32 v0, v1;
	p1 =	slt.s32 s17, s21  }
.Ltmp10:
0xc2: {  	v4 =	vadd.f32 v5, v4;
	v0 =	vld [tilespmem:s18+$0xFFFFFFE0];
	(pc) =	sbr.rel @p1 .LBB2_9-.Ltmp10, $3  }
0xc3: {  	v2 =	vadd.f32 v6, v2;
	v5 =	vld [tilespmem:s18+$0xFFFFFFF0]  }
0xc4: {  	v6 =	vld [tilespmem:s18+$0x10];
	_ =	sdelay $0x1  }
0xc5: {  	s18 =	sadd.s32 $0x80, s18;
	v3 =	vadd.f32 v7, v3  }
.Ltmp11:
0xc6: {  	_ = 	snop;
	(pc) =	sbr.rel .LBB2_10-.Ltmp11, $1  }
0xc7: {  	_ =	sdelay $0x3  }
.LBB2_5:
0xc8: {  	s21 =	smov.u32 s16;
	v2 =	vmov v1;
	v6 =	vmov v4;
	v5 =	vmov v3  }
.LBB2_12:
0xc9: {  	p1 =	sgt.s32 s21, s24  }
0xca: {  	s24 =	smov.u32 @p1 s21  }
0xcb: {  	p1 =	sge.s32 s24, s26  }
.Ltmp12:
0xcc: {  	_ = 	snop;
	(pc) =	sbr.rel @p1 .LBB2_13-.Ltmp12, $1  }
0xcd: {  	_ =	sdelay $0x3  }
0xce: {  	p1 =	sgt.s32 s21, s25;
	s6 =	smov.u32 s25  }
0xcf: {  	s6 =	smov.u32 @p1 s21  }
0xd0: {  	s6 =	sshll.u32 s6, $0x9  }
0xd1: {  	s6 =	ssub.s32 s6, s20  }
0xd2: {  	s6 =	sshra.s32 s6, $0x2  }
0xd3: {  	s11 =	sadd.s32 $0xAA0, s6;
	s6 =	sadd.s32 $0x1, s24  }
0xd4: {  	v7 =	vld [tilespmem:s11+$0x0];
	p1 =	slt.s32 s6, s26  }
.Ltmp13:
0xd5: {  	_ = 	snop;
	(pc) =	sbr.rel @!p1 .LBB2_16-.Ltmp13, $4  }
0xd6: {  	v1 =	vld [tilespmem:s11+$0xFFFFFFE0]  }
0xd7: {  	v3 =	vld [tilespmem:s11+$0xFFFFFFF0]  }
0xd8: {  	v4 =	vld [tilespmem:s11+$0x10]  }
0xd9: {  	s15 =	sadd.s32 $0x80, s11;
	v5 =	vadd.f32 v7, v5  }
.LBB2_15:
0xda: {  	s6 =	sadd.s32 $0x1, s6  }
0xdb: {  	v7 =	vld [tilespmem:s15+$0x0];
	v2 =	vadd.f32 v1, v2;
	p1 =	slt.s32 s6, s26  }
.Ltmp14:
0xdc: {  	v1 =	vld [tilespmem:s15+$0xFFFFFFE0];
	v6 =	vadd.f32 v3, v6;
	(pc) =	sbr.rel @p1 .LBB2_15-.Ltmp14, $3  }
0xdd: {  	v3 =	vld [tilespmem:s15+$0xFFFFFFF0];
	v0 =	vadd.f32 v4, v0  }
0xde: {  	v4 =	vld [tilespmem:s15+$0x10];
	_ =	sdelay $0x1  }
0xdf: {  	s15 =	sadd.s32 $0x80, s15;
	v5 =	vadd.f32 v7, v5  }
.LBB2_16:
.Ltmp15:
0xe0: {  	(pc) =	sbr.rel .LBB2_17-.Ltmp15, $3  }
0xe1: {  	_ =	sdelay $0x1  }
0xe2: {  	v2 =	vadd.f32 v1, v2  }
0xe3: {  	s20 =	simm.s32 $0x280;
	s21 =	simm.s32 $0x680;
	v6 =	vadd.f32 v3, v6;
	v0 =	vadd.f32 v4, v0  }
.LBB2_13:
0xe4: {  	s20 =	simm.s32 $0x280;
	s21 =	simm.s32 $0x680  }
.LBB2_17:
0xe5: {  	_ =	swait.ge [sflag:s22], $0x4000  }
0xe6: {  	[sflag:s22] =	ssyncset.done $0x0  }
0xe7: {  	[sflag:s22] =	ssyncadd.s32 $0xFFFFC000  }
0xe8: {  	_ =	swait.ge [sflag:s22], $0x4000  }
0xe9: {  	[sflag:s22] =	ssyncset.done $0x0  }
0xea: {  	[sflag:s22] =	ssyncadd.s32 $0xFFFFC000  }
0xeb: {  	_ =	swait.ge [sflag:s13], $0x80  }
0xec: {  	[sflag:s13] =	ssyncset.done $0x0  }
0xed: {  	[sflag:s13] =	ssyncadd.s32 $0xFFFFFF80  }
0xee: {  	_ =	swait.ge [sflag:s13], $0x80  }
0xef: {  	[sflag:s13] =	ssyncset.done $0x0  }
0xf0: {  	s6 =	simm.s32 $0xA80;
	[sflag:s13] =	ssyncadd.s32 $0xFFFFFF80  }
0xf1: {  	[tilespmem:s6], [sflag:$0x1] =	stream.indirect.gather [hbm4b:s4+s14], $0x80, s20, s14, $0xb8;
	[tilespmem:$0x18A80] =	vst v63  }
0xf2: {  	s6 =	sadd.s32 s5, s31  }
0xf3: {  	s16 =	simm.s32 $0x4A80;
	p1 =	slt.s32 s6, $0x27F00  }
0xf4: {  	[tilespmem:s16], [sflag:$0x1] =	stream.indirect.gather [hbm4b:s4+s14], $0x80, s12, s14, $0xb8;
	[tilespmem:$0x18A80] =	vst v63  }
0xf5: {  	s17 =	sadd.s32 s5, s0;
	s6 =	simm.s32 @!p1 $0x27F00  }
0xf6: {  	s26 =	simm.s32 $0x700;
	s11 =	sshrl.u32 s6, $0x3;
	s6 =	sadd.s32 $0x80, s6  }
0xf7: {  	s24 =	sadd.s32 $0x100, s17;
	s11 =	sadd.s32 s1, s11;
	s6 =	sshrl.u32 s6, $0x3  }
0xf8: {  	[tilespmem:s21], [sflag:$0x4] =	stream.linear.gather [hbm4b:s11+s3], $0x80, $0x38;
	[tilespmem:$0x18A80] =	vst v63  }
0xf9: {  	s15 =	simm.s32 $0x9;
	s18 =	sadd.s32 s1, s6;
	s6 =	sadd.s32 $0x100, s24  }
0xfa: {  	s17 =	sadd.s32 $0x200, s8;
	s5 =	smov.u32 s9;
	p1 =	slt.s32 s6, s9  }
0xfb: {  	[tilespmem:s26], [sflag:$0x4] =	stream.linear.gather [hbm4b:s18+s3], $0x80, $0x38;
	[tilespmem:$0x18A80] =	vst v63  }
0xfc: {  	s16 =	smov.u32 s8;
	s5 =	smov.u32 @p1 s6;
	s6 =	simm.s32 $0x200  }
.LBB2_18:
0xfd: {  	s11 =	smov.u32 s16;
	p1 =	sne.s32 s15, $0x1  }
0xfe: {  	s16 =	sadd.s32 $0x1, s17;
	p2 =	slt.u32 s17, $0x7FFFFFFF;
	s17 =	simm.s32 $0x1  }
0xff: {  	s17 =	simm.s32 @!p2 $0x0;
	s18 =	sshra.s32 s16, $0x1F  }
0x100: {  	s17 =	sadd.s32 s17, s18;
	s18 =	sand.u32 $0x1, s16  }
0x101: {  	p2 =	sne.s32 s17, $0x1;
	p3 =	seq.s32 s18, $0x1  }
0x102: {  	s17 =	sshrl.u32 s16, $0x1F;
	p2 =	por !p2, !p3  }
0x103: {  	s16 =	sadd.s32 s17, s16;
	s17 =	simm.s32 $0x1;
	p2 =	por !p2, !p2  }
0x104: {  	s16 =	sshra.s32 s16, $0x1;
	s17 =	simm.s32 @!p2 $0x0  }
0x105: {  	s16 =	ssub.s32 s16, s17  }
0x106: {  	v1 =	vld [tilespmem:s16+$0x0];
	_ =	sdelay $0x4  }
0x107: {  	(v2sf) =	vpush v1, $0x0;
	_ =	sdelay $0xd  }
.Ltmp16:
0x108: {  	(pc) =	sbr.rel @p1 .LBB2_18-.Ltmp16, $4  }
0x109: {  	s17 =	spop (v2sf)  }
0x10a: {  	p2 =	sgt.s32 s17, s5;
	s17 =	sadd.s32 $0xFFFFFFFF, s16  }
0x10b: {  	s16 =	smov.u32 @p2 s11;
	s6 =	smov.u32 @p2 s17  }
0x10c: {  	s15 =	sadd.s32 $0xFFFFFFFF, s15;
	s17 =	sadd.s32 s16, s6  }
0x10d: {  	s6 =	sadd.s32 $0x1, s17;
	p1 =	slt.u32 s17, $0x7FFFFFFF;
	s11 =	simm.s32 $0x1  }
0x10e: {  	s11 =	simm.s32 @!p1 $0x0;
	s15 =	sshra.s32 s6, $0x1F  }
0x10f: {  	s18 =	sand.u32 $0x1, s6;
	s11 =	sadd.s32 s11, s15  }
0x110: {  	p2 =	seq.s32 s18, $0x1;
	p6 =	sne.s32 s11, $0x1  }
0x111: {  	s17 =	sshrl.u32 s6, $0x1F;
	p1 =	por !p6, !p2  }
0x112: {  	s6 =	sadd.s32 s17, s6;
	s11 =	simm.s32 $0x1;
	p1 =	por !p1, !p1  }
0x113: {  	s6 =	sshra.s32 s6, $0x1;
	s11 =	simm.s32 @!p1 $0x0  }
0x114: {  	s6 =	ssub.s32 s6, s11  }
0x115: {  	v1 =	vld [tilespmem:s6+$0x0];
	_ =	sdelay $0x4  }
0x116: {  	(v2sf) =	vpush v1, $0x0;
	_ =	sdelay $0x2  }
0x117: {  	v3 =	vld [tilespmem:s8+$0x0];
	_ =	sdelay $0x4  }
0x118: {  	(v2sf) =	vpush v3, $0x0;
	_ =	sdelay $0x6  }
0x119: {  	s18 =	spop (v2sf)  }
0x11a: {  	p1 =	sgt.s32 s18, s5  }
0x11b: {  	s6 =	smov.u32 @p1 s16  }
0x11c: {  	p1 =	sge.s32 s8, s6  }
.Ltmp17:
0x11d: {  	_ = 	snop;
	(pc) =	sbr.rel @p1 .LBB2_20-.Ltmp17, $2  }
0x11e: {  	_ =	sdelay $0x2  }
0x11f: {  	s16 =	spop (v2sf)  }
.Ltmp18:
0x120: {  	(pc) =	sbr.rel .LBB2_22-.Ltmp18, $3  }
0x121: {  	_ =	sdelay $0x1  }
0x122: {  	s7 =	sshra.s32 s7, $0x2  }
0x123: {  	v1 =	vmov v0;
	s15 =	sadd.s32 $0x8AA0, s7  }
.LBB2_25:
0x124: {  	v2 =	vadd.f32 v0, v2  }
0x125: {  	v6 =	vadd.f32 v3, v6;
	v1 =	vadd.f32 v4, v1  }
.LBB2_26:
0x126: {  	s11 =	ssub.s32 s7, s16  }
0x127: {  	p1 =	sgt.s32 s11, $0x1  }
0x128: {  	s11 =	simm.s32 @!p1 $0x1  }
0x129: {  	v0 =	vmov s11  }
0x12a: {  	v0 =	vcvt.s32.f32 v0;
	_ =	sdelay $0x1  }
0x12b: {  	v0 =	vbroadcast v0, $0x0;
	_ =	sdelay $0x1  }
0x12c: {  	(erf) = vrcp.f32 v0;
	_ =	sdelay $0x8  }
0x12d: {  	s18 =	sshll.u32 s8, $0x8;
	s8 =	sadd.s32 $0x1, s8;
	v0 =	vpop (erf)  }
0x12e: {  	p1 =	sne.s32 s8, s6;
	v2 =	vmul.f32 v2, v0  }
.Ltmp19:
0x12f: {  	s11 =	sshra.s32 s18, $0x2;
	v3 =	vmul.f32 v6, v0;
	(pc) =	sbr.rel @!p1 .LBB2_27-.Ltmp19, $4  }
0x130: {  	[tilespmem:s11+$0x10A80] =	vst v2;
	v2 =	vmul.f32 v5, v0  }
0x131: {  	v4 =	vimm.f32 $0.0e+00;
	v0 =	vmul.f32 v1, v0;
	[tilespmem:s11+$0x10A90] =	vst v3  }
0x132: {  	v6 =	vimm.f32 $0.0e+00;
	v1 =	vimm.f32 $0.0e+00;
	v5 =	vimm.f32 $0.0e+00;
	[tilespmem:s11+$0x10AA0] =	vst v2  }
0x133: {  	s16 =	smov.u32 s7;
	v3 =	vimm.f32 $0.0e+00;
	v2 =	vimm.f32 $0.0e+00;
	[tilespmem:s11+$0x10AB0] =	vst v0;
	v0 =	vimm.f32 $0.0e+00  }
.LBB2_22:
0x134: {  	v0 =	vld [tilespmem:s8+$0x1];
	_ =	sdelay $0x4  }
0x135: {  	(v2sf) =	vpush v0, $0x0;
	_ =	sdelay $0xd  }
0x136: {  	p1 =	sgt.s32 s16, s24;
	s17 =	smov.u32 s24  }
0x137: {  	s17 =	smov.u32 @p1 s16;
	s7 =	spop (v2sf)  }
0x138: {  	p1 =	sge.s32 s17, s7  }
.Ltmp20:
0x139: {  	_ = 	snop;
	(pc) =	sbr.rel @p1 .LBB2_26-.Ltmp20, $1  }
0x13a: {  	_ =	sdelay $0x3  }
0x13b: {  	p1 =	sgt.s32 s16, s28;
	s11 =	smov.u32 s28  }
0x13c: {  	s11 =	smov.u32 @p1 s16  }
0x13d: {  	s11 =	sshll.u32 s11, $0x9  }
0x13e: {  	s11 =	sshra.s32 s11, $0x2  }
0x13f: {  	s11 =	sadd.s32 s11, s15  }
0x140: {  	s17 =	sadd.s32 $0x1, s17;
	v7 =	vld [tilespmem:s11+$0x0]  }
0x141: {  	p1 =	slt.s32 s17, s7;
	v0 =	vld [tilespmem:s11+$0xFFFFFFE0]  }
.Ltmp21:
0x142: {  	v3 =	vld [tilespmem:s11+$0xFFFFFFF0];
	(pc) =	sbr.rel @!p1 .LBB2_25-.Ltmp21, $2  }
0x143: {  	v4 =	vld [tilespmem:s11+$0x10];
	_ =	sdelay $0x2  }
0x144: {  	s18 =	sadd.s32 $0x80, s11;
	v5 =	vadd.f32 v7, v5  }
.LBB2_24:
0x145: {  	s17 =	sadd.s32 $0x1, s17  }
0x146: {  	v7 =	vld [tilespmem:s18+$0x0];
	v2 =	vadd.f32 v0, v2;
	p1 =	slt.s32 s17, s7  }
.Ltmp22:
0x147: {  	v6 =	vadd.f32 v3, v6;
	v0 =	vld [tilespmem:s18+$0xFFFFFFE0];
	(pc) =	sbr.rel @p1 .LBB2_24-.Ltmp22, $3  }
0x148: {  	v1 =	vadd.f32 v4, v1;
	v3 =	vld [tilespmem:s18+$0xFFFFFFF0]  }
0x149: {  	v4 =	vld [tilespmem:s18+$0x10];
	_ =	sdelay $0x1  }
0x14a: {  	s18 =	sadd.s32 $0x80, s18;
	v5 =	vadd.f32 v7, v5  }
.Ltmp23:
0x14b: {  	_ = 	snop;
	(pc) =	sbr.rel .LBB2_25-.Ltmp23, $1  }
0x14c: {  	_ =	sdelay $0x3  }
.LBB2_20:
0x14d: {  	s7 =	smov.u32 s16;
	v1 =	vmov v2;
	v4 =	vmov v6;
	v3 =	vmov v5  }
.LBB2_27:
0x14e: {  	p1 =	sgt.s32 s7, s24  }
0x14f: {  	s24 =	smov.u32 @p1 s7  }
0x150: {  	p1 =	sge.s32 s24, s5  }
.Ltmp24:
0x151: {  	_ = 	snop;
	(pc) =	sbr.rel @p1 .LBB2_31-.Ltmp24, $1  }
0x152: {  	_ =	sdelay $0x3  }
0x153: {  	p1 =	sgt.s32 s7, s28;
	s8 =	smov.u32 s28  }
0x154: {  	s8 =	smov.u32 @p1 s7  }
0x155: {  	s7 =	sshll.u32 s8, $0x9  }
0x156: {  	s7 =	ssub.s32 s7, s23  }
0x157: {  	s7 =	sshra.s32 s7, $0x2  }
0x158: {  	s23 =	sadd.s32 $0x8AA0, s7  }
0x159: {  	s7 =	sadd.s32 $0x1, s24;
	v7 =	vld [tilespmem:s23+$0x0]  }
0x15a: {  	v2 =	vld [tilespmem:s23+$0xFFFFFFE0];
	p1 =	slt.s32 s7, s5  }
.Ltmp25:
0x15b: {  	v5 =	vld [tilespmem:s23+$0xFFFFFFF0];
	(pc) =	sbr.rel @!p1 .LBB2_30-.Ltmp25, $2  }
0x15c: {  	v6 =	vld [tilespmem:s23+$0x10];
	_ =	sdelay $0x2  }
0x15d: {  	s8 =	sadd.s32 $0x80, s23;
	v3 =	vadd.f32 v7, v3  }
.LBB2_29:
0x15e: {  	s7 =	sadd.s32 $0x1, s7  }
0x15f: {  	v7 =	vld [tilespmem:s8+$0x0];
	v1 =	vadd.f32 v2, v1;
	p1 =	slt.s32 s7, s5  }
.Ltmp26:
0x160: {  	v4 =	vadd.f32 v5, v4;
	v2 =	vld [tilespmem:s8+$0xFFFFFFE0];
	(pc) =	sbr.rel @p1 .LBB2_29-.Ltmp26, $3  }
0x161: {  	v0 =	vadd.f32 v6, v0;
	v5 =	vld [tilespmem:s8+$0xFFFFFFF0]  }
0x162: {  	v6 =	vld [tilespmem:s8+$0x10];
	_ =	sdelay $0x1  }
0x163: {  	s8 =	sadd.s32 $0x80, s8;
	v3 =	vadd.f32 v7, v3  }
.Ltmp27:
0x164: {  	_ = 	snop;
	(pc) =	sbr.rel .LBB2_30-.Ltmp27, $1  }
0x165: {  	_ =	sdelay $0x3  }
.LBB2_33:
0x166: {  	_ =	sfence.sel $0x180000  }
0x167: {  	[bflag:$0x0] =	sbarrier.arrive $0xFFFF  }
0x168: {  	_ =	strace $0x90000047  }
0x169: {  	s0 =	stileid.u32;
	[bflag:$0x2] =	sbarrier.arrive $0xFFFF  }
0x16a: {  	p0 =	sne.s32 s0, $0x0;
	s0 =	rddreg [dreg:$0x4]  }
0x16b: {  	s0 =	sadd.s32 @!p0 $0x100000, s0  }
0x16c: {  	[sflag:s0] =	ssyncadd.tile.s32 @!p0 $0x1;
	_ =	shalt  }
.Lfunc_end2:
_tile_overlayer_lowered:
.L_overlay_start_2:
0x16d: {  	(tag) =	ssettag $0x2  }
0x16e: {  	s0 =	rddreg [dreg:$0x0];
	s2 =	stileid.u32  }
0x16f: {  	s1 =	rddreg [dreg:$0x1];
	p0 =	sne.s32 s2, $0x0  }
0x170: {  	s3 =	rddreg [dreg:$0x2];
	[bflag:$0x3] =	sbarrier.arrive $0xFFFF;
	s2 =	simm.s32 @!p0 $0x1C05  }
0x171: {  	[timem:s3], [sflag:s2] =	dma.local @!p0 [hbm:s0], s1  }
0x172: {  	s0 =	simm.s32 @!p0 $0x5  }
0x173: {  	_ =	swait.ge @!p0 [sflag:s0], s1  }
0x174: {  	s1 =	ssub.s32 @!p0 $0x0, s1;
	[sflag:s0] =	ssyncset.done @!p0 $0x0  }
0x175: {  	[sflag:s0] =	ssyncadd.s32 @!p0 s1  }
0x176: {  	[bflag:$0x3] =	sbarrier.arrive $0xFFFF  }
0x177: {  	_ =	shalt  }

</sc_bundles>
